<compile_context>
chip_gen: v7x
topology: tpu7x:2x2x1
jax: 0.10.2.dev20260603
libtpu: 0.0.44.dev20260713+nightly
codegen_flags: <defaults>
</compile_context>

<pallas_src>
import functools

import jax
import jax.numpy as jnp
from jax import lax
from jax.experimental import pallas as pl
from jax.experimental.pallas import tpu as pltpu
from jax.experimental.pallas import tpu_sc as plsc

BS, N, E, FIN, FE, D, L, T = 128, 196, 3136, 9, 3, 128, 3, 12
NTOT = BS * N
ETOT = BS * E
F32 = jnp.float32

NTILES = 32
GPT = BS // NTILES
EPT = GPT * E
RPT = GPT * N
KBLK = 112
NB = EPT // KBLK


def _bdot(a, b, dims=((1,), (0,))):
    return jax.lax.dot_general(a.astype(jnp.bfloat16), b.astype(jnp.bfloat16),
                               (dims, ((), ())), preferred_element_type=F32)



def _enc_body(x_ref, w_ref, b_ref, o_ref):
    o_ref[...] = _bdot(x_ref[...], w_ref[...]) + b_ref[...]


def _eemb_body(ea_ref, we_ref, be_ref, o_ref):
    o_ref[0] = _bdot(ea_ref[0], we_ref[...]) + be_ref[...]


def _prep_body(ei_ref, srcg_ref, dstt_ref):
    b = pl.program_id(0)
    srcg_ref[0] = ei_ref[0, :, 0:1] + b * N
    dstt_ref[0] = ei_ref[0, :, 1:2] + (b % GPT) * N


def _hplus_body(h_ref, vn_ref, o_ref):
    o_ref[0] = h_ref[0] + vn_ref[0]


def _mlp_body(hp_ref, agg_ref, w1_ref, b1_ref, w2_ref, b2_ref, eps_ref,
              u_ref, ps_ref, pq_ref):
    z = (1.0 + eps_ref[0, 0]) * hp_ref[0] + agg_ref[0]
    t = jnp.maximum(_bdot(z, w1_ref[...]) + b1_ref[...], 0.0)
    u = _bdot(t, w2_ref[...]) + b2_ref[...]
    u_ref[0] = u
    ps_ref[0, 0] = jnp.sum(u, axis=0)
    pq_ref[0, 0] = jnp.sum(u * u, axis=0)


def _bn_body(u_ref, ps_ref, pq_ref, g_ref, bt_ref, o_ref, s_ref, *, do_relu):
    tot = jnp.sum(ps_ref[...], axis=(0, 1))
    totq = jnp.sum(pq_ref[...], axis=(0, 1))
    mean = (tot / NTOT)[None, :]
    var = (totq / NTOT)[None, :] - mean * mean
    out = (u_ref[0] - mean) / jnp.sqrt(var + 1e-5) * g_ref[...] + bt_ref[...]
    if do_relu:
        out = jnp.maximum(out, 0.0)
    o_ref[0] = out
    s_ref[0, 0] = jnp.sum(out, axis=0)


def _vn_body(s_ref, vn_ref, w1_ref, b1_ref, w2_ref, b2_ref, o_ref):
    vt = s_ref[:, 0, :] + vn_ref[:, 0, :]
    t = jnp.maximum(_bdot(vt, w1_ref[...]) + b1_ref[...], 0.0)
    o_ref[...] = (_bdot(t, w2_ref[...]) + b2_ref[...])[:, None, :]


def _pred_body(s_ref, w_ref, b_ref, o_ref):
    hg = s_ref[:, 0, :] * (1.0 / N)
    o_ref[...] = _bdot(hg, w_ref[...]) + b_ref[...]



def _sc_body(h_hbm, src_hbm, dst_hbm, emb_hbm, agg_hbm,
             idx_v, dst_v, rows_v, emb_v, agg_v, sem_i, sem_d, sem_e, sem_g):
    c = lax.axis_index("c")
    s = lax.axis_index("s")
    t = c * 16 + s

    zero16 = jnp.zeros((16,), F32)

    def zrow(r, carry):
        for q in range(8):
            agg_v[r, pl.ds(16 * q, 16)] = zero16
        return carry

    lax.fori_loop(0, RPT, zrow, 0)

    ebase = t * EPT

    def blk(i, carry):
        base = ebase + i * KBLK
        cp_i = pltpu.async_copy(src_hbm.at[pl.ds(base, KBLK)], idx_v, sem_i)
        cp_d = pltpu.async_copy(dst_hbm.at[pl.ds(base, KBLK)],
                                dst_v.at[pl.ds(0, KBLK)], sem_d)
        cp_e = pltpu.async_copy(emb_hbm.at[pl.ds(base, KBLK)], emb_v, sem_e)
        cp_i.wait()
        cp_g = pltpu.async_copy(h_hbm.at[idx_v], rows_v, sem_g)
        cp_d.wait()
        cp_e.wait()
        cp_g.wait()

        def edge(e, carry2):
            d = dst_v[pl.ds(e, 16)][0]
            for q in range(8):
                hv = rows_v[e, pl.ds(16 * q, 16)]
                ev = emb_v[e, pl.ds(16 * q, 16)]
                m = jnp.maximum(hv + ev, 0.0)
                agg_v[d, pl.ds(16 * q, 16)] = agg_v[d, pl.ds(16 * q, 16)] + m
            return carry2

        lax.fori_loop(0, KBLK, edge, 0)
        return carry

    lax.fori_loop(0, NB, blk, 0)
    pltpu.sync_copy(agg_v, agg_hbm.at[pl.ds(t * RPT, RPT)])


def _sc_msgpass(hplus, src_g, dst_t, eemb):
    mesh = plsc.VectorSubcoreMesh(
        core_axis_name="c", subcore_axis_name="s", num_cores=2, num_subcores=16
    )
    return pl.kernel(
        _sc_body,
        out_type=jax.ShapeDtypeStruct((NTOT, D), F32),
        mesh=mesh,
        scratch_types=[
            pltpu.VMEM((KBLK,), jnp.int32),
            pltpu.VMEM((KBLK + 16,), jnp.int32),
            pltpu.VMEM((KBLK, D), F32),
            pltpu.VMEM((KBLK, D), F32),
            pltpu.VMEM((RPT, D), F32),
            pltpu.SemaphoreType.DMA,
            pltpu.SemaphoreType.DMA,
            pltpu.SemaphoreType.DMA,
            pltpu.SemaphoreType.DMA,
        ],
    )(hplus, src_g, dst_t, eemb)



def kernel(node_features, node_preprocess_feat, edge_index, edge_features,
           node_mask, edge_mask, W_enc, b_enc, W_edge, b_edge, W1, b1, W2, b2,
           eps, gamma, beta, Vw1, Vb1, Vw2, Vb2, W_pred, b_pred):
    x2d = node_features.reshape(NTOT, FIN)
    ei = edge_index.astype(jnp.int32)

    whole = lambda *shape: pl.BlockSpec(shape, lambda b: (0,) * len(shape))
    per_graph = lambda *rest: pl.BlockSpec(
        (1,) + rest, lambda b: (b,) + (0,) * len(rest))

    h = pl.pallas_call(
        _enc_body,
        grid=(8,),
        in_specs=[
            pl.BlockSpec((NTOT // 8, FIN), lambda i: (i, 0)),
            pl.BlockSpec((FIN, D), lambda i: (0, 0)),
            pl.BlockSpec((1, D), lambda i: (0, 0)),
        ],
        out_specs=pl.BlockSpec((NTOT // 8, D), lambda i: (i, 0)),
        out_shape=jax.ShapeDtypeStruct((NTOT, D), F32),
    )(x2d, W_enc, b_enc.reshape(1, D))

    src_g, dst_t = pl.pallas_call(
        _prep_body,
        grid=(BS,),
        in_specs=[per_graph(E, 2)],
        out_specs=[per_graph(E, 1), per_graph(E, 1)],
        out_shape=[
            jax.ShapeDtypeStruct((BS, E, 1), jnp.int32),
            jax.ShapeDtypeStruct((BS, E, 1), jnp.int32),
        ],
    )(ei)
    src_g = src_g.reshape(ETOT)
    dst_t = dst_t.reshape(ETOT)

    eemb_call = pl.pallas_call(
        _eemb_body,
        grid=(BS,),
        in_specs=[per_graph(E, FE), whole(FE, D), whole(1, D)],
        out_specs=per_graph(E, D),
        out_shape=jax.ShapeDtypeStruct((BS, E, D), F32),
    )

    hplus_call = pl.pallas_call(
        _hplus_body,
        grid=(BS,),
        in_specs=[per_graph(N, D), per_graph(1, D)],
        out_specs=per_graph(N, D),
        out_shape=jax.ShapeDtypeStruct((BS, N, D), F32),
    )

    mlp_call = pl.pallas_call(
        _mlp_body,
        grid=(BS,),
        in_specs=[
            per_graph(N, D),
            per_graph(N, D),
            whole(D, 2 * D),
            whole(1, 2 * D),
            whole(2 * D, D),
            whole(1, D),
            whole(1, 1),
        ],
        out_specs=[per_graph(N, D), per_graph(1, D), per_graph(1, D)],
        out_shape=[
            jax.ShapeDtypeStruct((BS, N, D), F32),
            jax.ShapeDtypeStruct((BS, 1, D), F32),
            jax.ShapeDtypeStruct((BS, 1, D), F32),
        ],
    )

    def bn_call(do_relu):
        return pl.pallas_call(
            functools.partial(_bn_body, do_relu=do_relu),
            grid=(BS,),
            in_specs=[
                per_graph(N, D),
                whole(BS, 1, D),
                whole(BS, 1, D),
                whole(1, D),
                whole(1, D),
            ],
            out_specs=[per_graph(N, D), per_graph(1, D)],
            out_shape=[
                jax.ShapeDtypeStruct((BS, N, D), F32),
                jax.ShapeDtypeStruct((BS, 1, D), F32),
            ],
        )

    vn_call = pl.pallas_call(
        _vn_body,
        out_shape=jax.ShapeDtypeStruct((BS, 1, D), F32),
    )

    vn = None
    hp3 = h.reshape(BS, N, D)
    for l in range(L):
        if l > 0:
            hp3 = hplus_call(hp3, vn)
        hplus = hp3.reshape(NTOT, D)
        eemb = eemb_call(edge_features, W_edge[l], b_edge[l].reshape(1, D))
        agg = _sc_msgpass(hplus, src_g, dst_t, eemb.reshape(ETOT, D))
        u, ps, pq = mlp_call(
            hplus.reshape(BS, N, D), agg.reshape(BS, N, D),
            W1[l], b1[l].reshape(1, 2 * D), W2[l], b2[l].reshape(1, D),
            eps[l].reshape(1, 1),
        )
        hp3, s = bn_call(do_relu=(l < L - 1))(
            u, ps, pq, gamma[l].reshape(1, D), beta[l].reshape(1, D)
        )
        if l < L - 1:
            vn_prev = vn if vn is not None else jnp.zeros((BS, 1, D), F32)
            vn = vn_call(
                s, vn_prev, Vw1[l], Vb1[l].reshape(1, 2 * D), Vw2[l],
                Vb2[l].reshape(1, D),
            )

    out = pl.pallas_call(
        _pred_body,
        out_shape=jax.ShapeDtypeStruct((BS, T), F32),
    )(s, W_pred, b_pred.reshape(1, T))
    return out

# --- scband reference (transcript-rebuilt; emitter-appended) ---
"""Pipeline reference for scband-molecule-gnnmodel-32976758899312 (READ-ONLY COPY).

The authoritative reference and input builder live on the scoring server;
editing this copy changes nothing except your own understanding.
"""

import jax, jax.numpy as jnp
import numpy as np

BS, N, E, FIN, FE, D, L, T = 128, 196, 3136, 9, 3, 128, 3, 12

def setup_inputs(seed: int = 0):
    key = jax.random.key(seed)
    ks = jax.random.split(key, 16)
    s = 0.05
    inp = {}
    inp["node_features"] = jax.random.normal(ks[0], (BS, N, FIN), dtype=jnp.float32)
    inp["node_preprocess_feat"] = jax.random.normal(ks[1], (BS, N, FIN), dtype=jnp.float32)
    inp["edge_index"] = jax.random.randint(ks[2], (BS, E, 2), 0, N)
    inp["edge_features"] = jax.random.normal(ks[3], (BS, E, FE), dtype=jnp.float32)
    inp["node_mask"] = jnp.ones((BS, N), dtype=bool)
    inp["edge_mask"] = jnp.ones((BS, E), dtype=bool)
    inp["W_enc"] = jax.random.normal(ks[4], (FIN, D)) * s
    inp["b_enc"] = jnp.zeros((D,))
    inp["W_edge"] = jax.random.normal(ks[5], (L, FE, D)) * s
    inp["b_edge"] = jnp.zeros((L, D))
    inp["W1"] = jax.random.normal(ks[6], (L, D, 2 * D)) * s
    inp["b1"] = jnp.zeros((L, 2 * D))
    inp["W2"] = jax.random.normal(ks[7], (L, 2 * D, D)) * s
    inp["b2"] = jnp.zeros((L, D))
    inp["eps"] = jnp.zeros((L,))
    inp["gamma"] = jnp.ones((L, D))
    inp["beta"] = jnp.zeros((L, D))
    inp["Vw1"] = jax.random.normal(ks[8], (L - 1, D, 2 * D)) * s
    inp["Vb1"] = jnp.zeros((L - 1, 2 * D))
    inp["Vw2"] = jax.random.normal(ks[9], (L - 1, 2 * D, D)) * s
    inp["Vb2"] = jnp.zeros((L - 1, D))
    inp["W_pred"] = jax.random.normal(ks[10], (D, T)) * s
    inp["b_pred"] = jnp.zeros((T,))
    return inp

def reference(node_features, node_preprocess_feat, edge_index, edge_features, node_mask, edge_mask, W_enc, b_enc, W_edge, b_edge, W1, b1, W2, b2, eps, gamma, beta, Vw1, Vb1, Vw2, Vb2, W_pred, b_pred):
    bs, n, _ = node_features.shape
    Ntot = bs * n
    # dense_to_sparse: masks are all-True, so boolean selection == flatten
    x = node_features.reshape(Ntot, -1)
    edge_attr = edge_features.reshape(-1, edge_features.shape[-1])
    batch = jnp.repeat(jnp.arange(bs), n)
    nper = node_mask.sum(axis=1)
    shift = jnp.roll(jnp.cumsum(nper), 1).at[0].set(0)
    ei = (edge_index + shift[:, None, None]).reshape(-1, 2).T
    src, dst = ei[0], ei[1]
    # GNN (GIN + virtual node, JK='last', mean pooling, drop_ratio=0)
    h = x @ W_enc + b_enc
    vn = jnp.zeros((bs, h.shape[-1]), dtype=h.dtype)
    Lnum = W_edge.shape[0]
    for l in range(Lnum):
        h = h + vn[batch]
        eemb = edge_attr @ W_edge[l] + b_edge[l]
        msg = jax.nn.relu(h[src] + eemb)
        agg = jax.ops.segment_sum(msg, dst, num_segments=Ntot)
        z = (1.0 + eps[l]) * h + agg
        z = jax.nn.relu(z @ W1[l] + b1[l]) @ W2[l] + b2[l]
        z = (z - z.mean(axis=0)) / jnp.sqrt(z.var(axis=0) + 1e-5) * gamma[l] + beta[l]
        if l < Lnum - 1:
            z = jax.nn.relu(z)
        h = z
        if l < Lnum - 1:
            vt = jax.ops.segment_sum(h, batch, num_segments=bs) + vn
            vn = jax.nn.relu(vt @ Vw1[l] + Vb1[l]) @ Vw2[l] + Vb2[l]
    counts = node_mask.sum(axis=1).astype(h.dtype)
    hg = jax.ops.segment_sum(h, batch, num_segments=bs) / counts[:, None]
    return hg @ W_pred + b_pred

if __name__ == "__main__":
    import jax
    _d = setup_inputs()
    print(jax.jit(kernel)(*tuple(_d.values())))

</pallas_src>

<mosaic_0001>
#map = affine_map<(d0, d1) -> (0, 0)>
#map1 = affine_map<(d0, d1) -> (0)>
module attributes {stable_mosaic.version = 14 : i64} {
  func.func @_sc_body(%arg0: i32, %arg1: i32, %arg2: memref<25088x128xf32, #tpu.memory_space<hbm>>, %arg3: memref<401408xi32, #tpu.memory_space<hbm>>, %arg4: memref<401408xi32, #tpu.memory_space<hbm>>, %arg5: memref<401408x128xf32, #tpu.memory_space<hbm>>, %arg6: memref<25088x128xf32, #tpu.memory_space<hbm>>, %arg7: memref<112xi32, #tpu.memory_space<vmem>>, %arg8: memref<128xi32, #tpu.memory_space<vmem>>, %arg9: memref<112x128xf32, #tpu.memory_space<vmem>>, %arg10: memref<112x128xf32, #tpu.memory_space<vmem>>, %arg11: memref<784x128xf32, #tpu.memory_space<vmem>>, %arg12: memref<!tpu.dma_semaphore, #tpu.memory_space<semaphore_mem>>, %arg13: memref<!tpu.dma_semaphore, #tpu.memory_space<semaphore_mem>>, %arg14: memref<!tpu.dma_semaphore, #tpu.memory_space<semaphore_mem>>, %arg15: memref<!tpu.dma_semaphore, #tpu.memory_space<semaphore_mem>>) attributes {dimension_semantics = [#tpu.dimension_semantics<core_parallel>, #tpu.dimension_semantics<subcore_parallel>], iteration_bounds = array<i64: 2, 16>, scalar_prefetch = 0 : i64, scratch_operands = 9 : i64, tpu.core_type = #tpu.core_type<sc_vector_subcore>, window_params = [{transform_indices = #map}, {transform_indices = #map1}, {transform_indices = #map1}, {transform_indices = #map}, {transform_indices = #map}]} {
    %mul3A = arith.constant 16 : i32
    %mul3A_0 = arith.muli %arg0, %mul3A : i32
    %add3A = arith.addi %mul3A_0, %arg1 : i32
    %broadcast_in_dim3A = arith.constant 0.000000e+00 : f32
    %broadcast_in_dim3A_1 = vector.broadcast %broadcast_in_dim3A : f32 to vector<16xf32>
    %scan3A = arith.constant 0 : i32
    %scan3A_2 = arith.constant 0 : i32
    %scan3A_3 = arith.constant 784 : i32
    %scan3A_4 = arith.addi %scan3A_2, %scan3A_3 : i32
    %scan3A_5 = arith.constant 1 : i32
    scf.for %scan3A_17 = %scan3A_2 to %scan3A_4 step %scan3A_5  : i32 {
      %swap3A = arith.index_cast %scan3A_17 : i32 to index
      %swap3A_18 = arith.constant 0 : index
      %swap3A_19 = tpu.vector_load %arg11[%swap3A, %swap3A_18] {strides = array<i32>} : memref<784x128xf32, #tpu.memory_space<vmem>>, vector<1x16xf32>,
      %swap3A_20 = vector.shape_cast %swap3A_19 : vector<1x16xf32> to vector<16xf32>
      %swap3A_21 = vector.shape_cast %broadcast_in_dim3A_1 : vector<16xf32> to vector<1x16xf32>
      tpu.vector_store %arg11[%swap3A, %swap3A_18], %swap3A_21 {strides = array<i32>} : memref<784x128xf32, #tpu.memory_space<vmem>>, vector<1x16xf32>,
      %swap3A_22 = arith.index_cast %scan3A_17 : i32 to index
      %swap3A_23 = arith.constant 16 : index
      %swap3A_24 = tpu.vector_load %arg11[%swap3A_22, %swap3A_23] {strides = array<i32>} : memref<784x128xf32, #tpu.memory_space<vmem>>, vector<1x16xf32>,
      %swap3A_25 = vector.shape_cast %swap3A_24 : vector<1x16xf32> to vector<16xf32>
      %swap3A_26 = vector.shape_cast %broadcast_in_dim3A_1 : vector<16xf32> to vector<1x16xf32>
      tpu.vector_store %arg11[%swap3A_22, %swap3A_23], %swap3A_26 {strides = array<i32>} : memref<784x128xf32, #tpu.memory_space<vmem>>, vector<1x16xf32>,
      %swap3A_27 = arith.index_cast %scan3A_17 : i32 to index
      %swap3A_28 = arith.constant 32 : index
      %swap3A_29 = tpu.vector_load %arg11[%swap3A_27, %swap3A_28] {strides = array<i32>} : memref<784x128xf32, #tpu.memory_space<vmem>>, vector<1x16xf32>,
      %swap3A_30 = vector.shape_cast %swap3A_29 : vector<1x16xf32> to vector<16xf32>
      %swap3A_31 = vector.shape_cast %broadcast_in_dim3A_1 : vector<16xf32> to vector<1x16xf32>
      tpu.vector_store %arg11[%swap3A_27, %swap3A_28], %swap3A_31 {strides = array<i32>} : memref<784x128xf32, #tpu.memory_space<vmem>>, vector<1x16xf32>,
      %swap3A_32 = arith.index_cast %scan3A_17 : i32 to index
      %swap3A_33 = arith.constant 48 : index
      %swap3A_34 = tpu.vector_load %arg11[%swap3A_32, %swap3A_33] {strides = array<i32>} : memref<784x128xf32, #tpu.memory_space<vmem>>, vector<1x16xf32>,
      %swap3A_35 = vector.shape_cast %swap3A_34 : vector<1x16xf32> to vector<16xf32>
      %swap3A_36 = vector.shape_cast %broadcast_in_dim3A_1 : vector<16xf32> to vector<1x16xf32>
      tpu.vector_store %arg11[%swap3A_32, %swap3A_33], %swap3A_36 {strides = array<i32>} : memref<784x128xf32, #tpu.memory_space<vmem>>, vector<1x16xf32>,
      %swap3A_37 = arith.index_cast %scan3A_17 : i32 to index
      %swap3A_38 = arith.constant 64 : index
      %swap3A_39 = tpu.vector_load %arg11[%swap3A_37, %swap3A_38] {strides = array<i32>} : memref<784x128xf32, #tpu.memory_space<vmem>>, vector<1x16xf32>,
      %swap3A_40 = vector.shape_cast %swap3A_39 : vector<1x16xf32> to vector<16xf32>
      %swap3A_41 = vector.shape_cast %broadcast_in_dim3A_1 : vector<16xf32> to vector<1x16xf32>
      tpu.vector_store %arg11[%swap3A_37, %swap3A_38], %swap3A_41 {strides = array<i32>} : memref<784x128xf32, #tpu.memory_space<vmem>>, vector<1x16xf32>,
      %swap3A_42 = arith.index_cast %scan3A_17 : i32 to index
      %swap3A_43 = arith.constant 80 : index
      %swap3A_44 = tpu.vector_load %arg11[%swap3A_42, %swap3A_43] {strides = array<i32>} : memref<784x128xf32, #tpu.memory_space<vmem>>, vector<1x16xf32>,
      %swap3A_45 = vector.shape_cast %swap3A_44 : vector<1x16xf32> to vector<16xf32>
      %swap3A_46 = vector.shape_cast %broadcast_in_dim3A_1 : vector<16xf32> to vector<1x16xf32>
      tpu.vector_store %arg11[%swap3A_42, %swap3A_43], %swap3A_46 {strides = array<i32>} : memref<784x128xf32, #tpu.memory_space<vmem>>, vector<1x16xf32>,
      %swap3A_47 = arith.index_cast %scan3A_17 : i32 to index
      %swap3A_48 = arith.constant 96 : index
      %swap3A_49 = tpu.vector_load %arg11[%swap3A_47, %swap3A_48] {strides = array<i32>} : memref<784x128xf32, #tpu.memory_space<vmem>>, vector<1x16xf32>,
      %swap3A_50 = vector.shape_cast %swap3A_49 : vector<1x16xf32> to vector<16xf32>
      %swap3A_51 = vector.shape_cast %broadcast_in_dim3A_1 : vector<16xf32> to vector<1x16xf32>
      tpu.vector_store %arg11[%swap3A_47, %swap3A_48], %swap3A_51 {strides = array<i32>} : memref<784x128xf32, #tpu.memory_space<vmem>>, vector<1x16xf32>,
      %swap3A_52 = arith.index_cast %scan3A_17 : i32 to index
      %swap3A_53 = arith.constant 112 : index
      %swap3A_54 = tpu.vector_load %arg11[%swap3A_52, %swap3A_53] {strides = array<i32>} : memref<784x128xf32, #tpu.memory_space<vmem>>, vector<1x16xf32>,
      %swap3A_55 = vector.shape_cast %swap3A_54 : vector<1x16xf32> to vector<16xf32>
      %swap3A_56 = vector.shape_cast %broadcast_in_dim3A_1 : vector<16xf32> to vector<1x16xf32>
      tpu.vector_store %arg11[%swap3A_52, %swap3A_53], %swap3A_56 {strides = array<i32>} : memref<784x128xf32, #tpu.memory_space<vmem>>, vector<1x16xf32>,
    }
    %scan3A_6 = arith.constant 784 : i32
    %mul3A_7 = arith.constant 12544 : i32
    %mul3A_8 = arith.muli %add3A, %mul3A_7 : i32
    %scan3A_9 = arith.constant 0 : i32
    %scan3A_10 = arith.constant 0 : i32
    %scan3A_11 = arith.constant 112 : i32
    %scan3A_12 = arith.addi %scan3A_10, %scan3A_11 : i32
    %scan3A_13 = arith.constant 1 : i32
    scf.for %scan3A_17 = %scan3A_10 to %scan3A_12 step %scan3A_13  : i32 {
      %mul3A_18 = arith.constant 112 : i32
      %mul3A_19 = arith.muli %scan3A_17, %mul3A_18 : i32
      %add3A_20 = arith.addi %mul3A_8, %mul3A_19 : i32
      %dma_start3A = tpu.memref_slice %arg3[%add3A_20] : memref<401408xi32, #tpu.memory_space<hbm>> -> memref<112xi32, #tpu.memory_space<hbm>>
      %dma_start3A_21 = tpu.memref_slice %arg3[%add3A_20] : memref<401408xi32, #tpu.memory_space<hbm>> -> memref<112xi32, #tpu.memory_space<hbm>>
      tpu.enqueue_dma source(%dma_start3A_21 : memref<112xi32, #tpu.memory_space<hbm>>) target(%arg7 : memref<112xi32, #tpu.memory_space<vmem>>) target_semaphore(%arg12 : memref<!tpu.dma_semaphore, #tpu.memory_space<semaphore_mem>>)
      %dma_start3A_22 = arith.constant 0 : i32
      %dma_start3A_23 = tpu.memref_slice %arg8[%dma_start3A_22] : memref<128xi32, #tpu.memory_space<vmem>> -> memref<112xi32, #tpu.memory_space<vmem>>
      %dma_start3A_24 = tpu.memref_slice %arg4[%add3A_20] : memref<401408xi32, #tpu.memory_space<hbm>> -> memref<112xi32, #tpu.memory_space<hbm>>
      %dma_start3A_25 = arith.constant 0 : i32
      %dma_start3A_26 = tpu.memref_slice %arg8[%dma_start3A_25] : memref<128xi32, #tpu.memory_space<vmem>> -> memref<112xi32, #tpu.memory_space<vmem>>
      %dma_start3A_27 = tpu.memref_slice %arg4[%add3A_20] : memref<401408xi32, #tpu.memory_space<hbm>> -> memref<112xi32, #tpu.memory_space<hbm>>
      tpu.enqueue_dma source(%dma_start3A_27 : memref<112xi32, #tpu.memory_space<hbm>>) target(%dma_start3A_26 : memref<112xi32, #tpu.memory_space<vmem>>) target_semaphore(%arg13 : memref<!tpu.dma_semaphore, #tpu.memory_space<semaphore_mem>>)
      %dma_start3A_28 = arith.constant 0 : i32
      %dma_start3A_29 = tpu.memref_slice %arg5[%add3A_20, %dma_start3A_28] : memref<401408x128xf32, #tpu.memory_space<hbm>> -> memref<112x128xf32, #tpu.memory_space<hbm>>
      %dma_start3A_30 = arith.constant 0 : i32
      %dma_start3A_31 = tpu.memref_slice %arg5[%add3A_20, %dma_start3A_30] : memref<401408x128xf32, #tpu.memory_space<hbm>> -> memref<112x128xf32, #tpu.memory_space<hbm>>
      tpu.enqueue_dma source(%dma_start3A_31 : memref<112x128xf32, #tpu.memory_space<hbm>>) target(%arg10 : memref<112x128xf32, #tpu.memory_space<vmem>>) target_semaphore(%arg14 : memref<!tpu.dma_semaphore, #tpu.memory_space<semaphore_mem>>)
      %dma_wait3A = tpu.memref_slice %arg3[%add3A_20] : memref<401408xi32, #tpu.memory_space<hbm>> -> memref<112xi32, #tpu.memory_space<hbm>>
      %dma_wait3A_32 = tpu.memref_slice %arg3[%add3A_20] : memref<401408xi32, #tpu.memory_space<hbm>> -> memref<112xi32, #tpu.memory_space<hbm>>
      tpu.wait_dma2 semaphore(%arg12 : memref<!tpu.dma_semaphore, #tpu.memory_space<semaphore_mem>>) src(%dma_wait3A_32 : memref<112xi32, #tpu.memory_space<hbm>>) dst(%arg7 : memref<112xi32, #tpu.memory_space<vmem>>)
      %dma_start3A_33 = arith.constant 0 : i32
      %dma_start3A_34 = arith.constant 0 : i32
      %dma_start3A_35 = tpu.memref_slice %arg2[%dma_start3A_33, %dma_start3A_34] : memref<25088x128xf32, #tpu.memory_space<hbm>> -> memref<25088x128xf32, #tpu.memory_space<hbm>>
      tpu.enqueue_indirect_dma source(%dma_start3A_35 : memref<25088x128xf32, #tpu.memory_space<hbm>>) target(%arg9 : memref<112x128xf32, #tpu.memory_space<vmem>>) offsets(%arg7 : memref<112xi32, #tpu.memory_space<vmem>>) semaphore(%arg15 : memref<!tpu.dma_semaphore, #tpu.memory_space<semaphore_mem>>)
      %dma_wait3A_36 = arith.constant 0 : i32
      %dma_wait3A_37 = tpu.memref_slice %arg8[%dma_wait3A_36] : memref<128xi32, #tpu.memory_space<vmem>> -> memref<112xi32, #tpu.memory_space<vmem>>
      %dma_wait3A_38 = tpu.memref_slice %arg4[%add3A_20] : memref<401408xi32, #tpu.memory_space<hbm>> -> memref<112xi32, #tpu.memory_space<hbm>>
      %dma_wait3A_39 = arith.constant 0 : i32
      %dma_wait3A_40 = tpu.memref_slice %arg8[%dma_wait3A_39] : memref<128xi32, #tpu.memory_space<vmem>> -> memref<112xi32, #tpu.memory_space<vmem>>
      %dma_wait3A_41 = tpu.memref_slice %arg4[%add3A_20] : memref<401408xi32, #tpu.memory_space<hbm>> -> memref<112xi32, #tpu.memory_space<hbm>>
      tpu.wait_dma2 semaphore(%arg13 : memref<!tpu.dma_semaphore, #tpu.memory_space<semaphore_mem>>) src(%dma_wait3A_41 : memref<112xi32, #tpu.memory_space<hbm>>) dst(%dma_wait3A_40 : memref<112xi32, #tpu.memory_space<vmem>>)
      %dma_wait3A_42 = arith.constant 0 : i32
      %dma_wait3A_43 = tpu.memref_slice %arg5[%add3A_20, %dma_wait3A_42] : memref<401408x128xf32, #tpu.memory_space<hbm>> -> memref<112x128xf32, #tpu.memory_space<hbm>>
      %dma_wait3A_44 = arith.constant 0 : i32
      %dma_wait3A_45 = tpu.memref_slice %arg5[%add3A_20, %dma_wait3A_44] : memref<401408x128xf32, #tpu.memory_space<hbm>> -> memref<112x128xf32, #tpu.memory_space<hbm>>
      tpu.wait_dma2 semaphore(%arg14 : memref<!tpu.dma_semaphore, #tpu.memory_space<semaphore_mem>>) src(%dma_wait3A_45 : memref<112x128xf32, #tpu.memory_space<hbm>>) dst(%arg10 : memref<112x128xf32, #tpu.memory_space<vmem>>)
      %dma_wait3A_46 = arith.constant 0 : i32
      %dma_wait3A_47 = arith.constant 0 : i32
      %dma_wait3A_48 = tpu.memref_slice %arg2[%dma_wait3A_46, %dma_wait3A_47] : memref<25088x128xf32, #tpu.memory_space<hbm>> -> memref<25088x128xf32, #tpu.memory_space<hbm>>
      tpu.wait_indirect_dma semaphore(%arg15 : memref<!tpu.dma_semaphore, #tpu.memory_space<semaphore_mem>>) src(%dma_wait3A_48 : memref<25088x128xf32, #tpu.memory_space<hbm>>) dst(%arg9 : memref<112x128xf32, #tpu.memory_space<vmem>>)
      %scan3A_49 = arith.constant 0 : i32
      %scan3A_50 = arith.constant 0 : i32
      %scan3A_51 = arith.constant 112 : i32
      %scan3A_52 = arith.addi %scan3A_50, %scan3A_51 : i32
      %scan3A_53 = arith.constant 1 : i32
      scf.for %scan3A_55 = %scan3A_50 to %scan3A_52 step %scan3A_53  : i32 {
        %get3A = arith.index_cast %scan3A_55 : i32 to index
        %get3A_56 = tpu.vector_load %arg8[%get3A] {strides = array<i32>} : memref<128xi32, #tpu.memory_space<vmem>>, vector<16xi32>,
        %get3A_57 = vector.shape_cast %get3A_56 : vector<16xi32> to vector<16xi32>
        %slice3A = vector.extract_strided_slice %get3A_57 {offsets = [0], sizes = [1], strides = [1]} : vector<16xi32> to vector<1xi32>
        %squeeze3A = vector.extract %slice3A[0] : i32 from vector<1xi32>
        %get3A_58 = arith.index_cast %scan3A_55 : i32 to index
        %get3A_59 = arith.constant 0 : index
        %get3A_60 = tpu.vector_load %arg9[%get3A_58, %get3A_59] {strides = array<i32>} : memref<112x128xf32, #tpu.memory_space<vmem>>, vector<1x16xf32>,
        %get3A_61 = vector.shape_cast %get3A_60 : vector<1x16xf32> to vector<16xf32>
        %get3A_62 = arith.index_cast %scan3A_55 : i32 to index
        %get3A_63 = arith.constant 0 : index
        %get3A_64 = tpu.vector_load %arg10[%get3A_62, %get3A_63] {strides = array<i32>} : memref<112x128xf32, #tpu.memory_space<vmem>>, vector<1x16xf32>,
        %get3A_65 = vector.shape_cast %get3A_64 : vector<1x16xf32> to vector<16xf32>
        %add3A_66 = arith.addf %get3A_61, %get3A_65 : vector<16xf32>
        %max3A = arith.constant 0.000000e+00 : f32
        %max3A_67 = vector.broadcast %max3A : f32 to vector<16xf32>
        %max3A_68 = arith.maximumf %add3A_66, %max3A_67 : vector<16xf32>
        %get3A_69 = arith.index_cast %squeeze3A : i32 to index
        %get3A_70 = arith.constant 0 : index
        %get3A_71 = tpu.vector_load %arg11[%get3A_69, %get3A_70] {strides = array<i32>} : memref<784x128xf32, #tpu.memory_space<vmem>>, vector<1x16xf32>,
        %get3A_72 = vector.shape_cast %get3A_71 : vector<1x16xf32> to vector<16xf32>
        %add3A_73 = arith.addf %get3A_72, %max3A_68 : vector<16xf32>
        %swap3A = arith.index_cast %squeeze3A : i32 to index
        %swap3A_74 = arith.constant 0 : index
        %swap3A_75 = tpu.vector_load %arg11[%swap3A, %swap3A_74] {strides = array<i32>} : memref<784x128xf32, #tpu.memory_space<vmem>>, vector<1x16xf32>,
        %swap3A_76 = vector.shape_cast %swap3A_75 : vector<1x16xf32> to vector<16xf32>
        %swap3A_77 = vector.shape_cast %add3A_73 : vector<16xf32> to vector<1x16xf32>
        tpu.vector_store %arg11[%swap3A, %swap3A_74], %swap3A_77 {strides = array<i32>} : memref<784x128xf32, #tpu.memory_space<vmem>>, vector<1x16xf32>,
        %get3A_78 = arith.index_cast %scan3A_55 : i32 to index
        %get3A_79 = arith.constant 16 : index
        %get3A_80 = tpu.vector_load %arg9[%get3A_78, %get3A_79] {strides = array<i32>} : memref<112x128xf32, #tpu.memory_space<vmem>>, vector<1x16xf32>,
        %get3A_81 = vector.shape_cast %get3A_80 : vector<1x16xf32> to vector<16xf32>
        %get3A_82 = arith.index_cast %scan3A_55 : i32 to index
        %get3A_83 = arith.constant 16 : index
        %get3A_84 = tpu.vector_load %arg10[%get3A_82, %get3A_83] {strides = array<i32>} : memref<112x128xf32, #tpu.memory_space<vmem>>, vector<1x16xf32>,
        %get3A_85 = vector.shape_cast %get3A_84 : vector<1x16xf32> to vector<16xf32>
        %add3A_86 = arith.addf %get3A_81, %get3A_85 : vector<16xf32>
        %max3A_87 = arith.constant 0.000000e+00 : f32
        %max3A_88 = vector.broadcast %max3A_87 : f32 to vector<16xf32>
        %max3A_89 = arith.maximumf %add3A_86, %max3A_88 : vector<16xf32>
        %get3A_90 = arith.index_cast %squeeze3A : i32 to index
        %get3A_91 = arith.constant 16 : index
        %get3A_92 = tpu.vector_load %arg11[%get3A_90, %get3A_91] {strides = array<i32>} : memref<784x128xf32, #tpu.memory_space<vmem>>, vector<1x16xf32>,
        %get3A_93 = vector.shape_cast %get3A_92 : vector<1x16xf32> to vector<16xf32>
        %add3A_94 = arith.addf %get3A_93, %max3A_89 : vector<16xf32>
        %swap3A_95 = arith.index_cast %squeeze3A : i32 to index
        %swap3A_96 = arith.constant 16 : index
        %swap3A_97 = tpu.vector_load %arg11[%swap3A_95, %swap3A_96] {strides = array<i32>} : memref<784x128xf32, #tpu.memory_space<vmem>>, vector<1x16xf32>,
        %swap3A_98 = vector.shape_cast %swap3A_97 : vector<1x16xf32> to vector<16xf32>
        %swap3A_99 = vector.shape_cast %add3A_94 : vector<16xf32> to vector<1x16xf32>
        tpu.vector_store %arg11[%swap3A_95, %swap3A_96], %swap3A_99 {strides = array<i32>} : memref<784x128xf32, #tpu.memory_space<vmem>>, vector<1x16xf32>,
        %get3A_100 = arith.index_cast %scan3A_55 : i32 to index
        %get3A_101 = arith.constant 32 : index
        %get3A_102 = tpu.vector_load %arg9[%get3A_100, %get3A_101] {strides = array<i32>} : memref<112x128xf32, #tpu.memory_space<vmem>>, vector<1x16xf32>,
        %get3A_103 = vector.shape_cast %get3A_102 : vector<1x16xf32> to vector<16xf32>
        %get3A_104 = arith.index_cast %scan3A_55 : i32 to index
        %get3A_105 = arith.constant 32 : index
        %get3A_106 = tpu.vector_load %arg10[%get3A_104, %get3A_105] {strides = array<i32>} : memref<112x128xf32, #tpu.memory_space<vmem>>, vector<1x16xf32>,
        %get3A_107 = vector.shape_cast %get3A_106 : vector<1x16xf32> to vector<16xf32>
        %add3A_108 = arith.addf %get3A_103, %get3A_107 : vector<16xf32>
        %max3A_109 = arith.constant 0.000000e+00 : f32
        %max3A_110 = vector.broadcast %max3A_109 : f32 to vector<16xf32>
        %max3A_111 = arith.maximumf %add3A_108, %max3A_110 : vector<16xf32>
        %get3A_112 = arith.index_cast %squeeze3A : i32 to index
        %get3A_113 = arith.constant 32 : index
        %get3A_114 = tpu.vector_load %arg11[%get3A_112, %get3A_113] {strides = array<i32>} : memref<784x128xf32, #tpu.memory_space<vmem>>, vector<1x16xf32>,
        %get3A_115 = vector.shape_cast %get3A_114 : vector<1x16xf32> to vector<16xf32>
        %add3A_116 = arith.addf %get3A_115, %max3A_111 : vector<16xf32>
        %swap3A_117 = arith.index_cast %squeeze3A : i32 to index
        %swap3A_118 = arith.constant 32 : index
        %swap3A_119 = tpu.vector_load %arg11[%swap3A_117, %swap3A_118] {strides = array<i32>} : memref<784x128xf32, #tpu.memory_space<vmem>>, vector<1x16xf32>,
        %swap3A_120 = vector.shape_cast %swap3A_119 : vector<1x16xf32> to vector<16xf32>
        %swap3A_121 = vector.shape_cast %add3A_116 : vector<16xf32> to vector<1x16xf32>
        tpu.vector_store %arg11[%swap3A_117, %swap3A_118], %swap3A_121 {strides = array<i32>} : memref<784x128xf32, #tpu.memory_space<vmem>>, vector<1x16xf32>,
        %get3A_122 = arith.index_cast %scan3A_55 : i32 to index
        %get3A_123 = arith.constant 48 : index
        %get3A_124 = tpu.vector_load %arg9[%get3A_122, %get3A_123] {strides = array<i32>} : memref<112x128xf32, #tpu.memory_space<vmem>>, vector<1x16xf32>,
        %get3A_125 = vector.shape_cast %get3A_124 : vector<1x16xf32> to vector<16xf32>
        %get3A_126 = arith.index_cast %scan3A_55 : i32 to index
        %get3A_127 = arith.constant 48 : index
        %get3A_128 = tpu.vector_load %arg10[%get3A_126, %get3A_127] {strides = array<i32>} : memref<112x128xf32, #tpu.memory_space<vmem>>, vector<1x16xf32>,
        %get3A_129 = vector.shape_cast %get3A_128 : vector<1x16xf32> to vector<16xf32>
        %add3A_130 = arith.addf %get3A_125, %get3A_129 : vector<16xf32>
        %max3A_131 = arith.constant 0.000000e+00 : f32
        %max3A_132 = vector.broadcast %max3A_131 : f32 to vector<16xf32>
        %max3A_133 = arith.maximumf %add3A_130, %max3A_132 : vector<16xf32>
        %get3A_134 = arith.index_cast %squeeze3A : i32 to index
        %get3A_135 = arith.constant 48 : index
        %get3A_136 = tpu.vector_load %arg11[%get3A_134, %get3A_135] {strides = array<i32>} : memref<784x128xf32, #tpu.memory_space<vmem>>, vector<1x16xf32>,
        %get3A_137 = vector.shape_cast %get3A_136 : vector<1x16xf32> to vector<16xf32>
        %add3A_138 = arith.addf %get3A_137, %max3A_133 : vector<16xf32>
        %swap3A_139 = arith.index_cast %squeeze3A : i32 to index
        %swap3A_140 = arith.constant 48 : index
        %swap3A_141 = tpu.vector_load %arg11[%swap3A_139, %swap3A_140] {strides = array<i32>} : memref<784x128xf32, #tpu.memory_space<vmem>>, vector<1x16xf32>,
        %swap3A_142 = vector.shape_cast %swap3A_141 : vector<1x16xf32> to vector<16xf32>
        %swap3A_143 = vector.shape_cast %add3A_138 : vector<16xf32> to vector<1x16xf32>
        tpu.vector_store %arg11[%swap3A_139, %swap3A_140], %swap3A_143 {strides = array<i32>} : memref<784x128xf32, #tpu.memory_space<vmem>>, vector<1x16xf32>,
        %get3A_144 = arith.index_cast %scan3A_55 : i32 to index
        %get3A_145 = arith.constant 64 : index
        %get3A_146 = tpu.vector_load %arg9[%get3A_144, %get3A_145] {strides = array<i32>} : memref<112x128xf32, #tpu.memory_space<vmem>>, vector<1x16xf32>,
        %get3A_147 = vector.shape_cast %get3A_146 : vector<1x16xf32> to vector<16xf32>
        %get3A_148 = arith.index_cast %scan3A_55 : i32 to index
        %get3A_149 = arith.constant 64 : index
        %get3A_150 = tpu.vector_load %arg10[%get3A_148, %get3A_149] {strides = array<i32>} : memref<112x128xf32, #tpu.memory_space<vmem>>, vector<1x16xf32>,
        %get3A_151 = vector.shape_cast %get3A_150 : vector<1x16xf32> to vector<16xf32>
        %add3A_152 = arith.addf %get3A_147, %get3A_151 : vector<16xf32>
        %max3A_153 = arith.constant 0.000000e+00 : f32
        %max3A_154 = vector.broadcast %max3A_153 : f32 to vector<16xf32>
        %max3A_155 = arith.maximumf %add3A_152, %max3A_154 : vector<16xf32>
        %get3A_156 = arith.index_cast %squeeze3A : i32 to index
        %get3A_157 = arith.constant 64 : index
        %get3A_158 = tpu.vector_load %arg11[%get3A_156, %get3A_157] {strides = array<i32>} : memref<784x128xf32, #tpu.memory_space<vmem>>, vector<1x16xf32>,
        %get3A_159 = vector.shape_cast %get3A_158 : vector<1x16xf32> to vector<16xf32>
        %add3A_160 = arith.addf %get3A_159, %max3A_155 : vector<16xf32>
        %swap3A_161 = arith.index_cast %squeeze3A : i32 to index
        %swap3A_162 = arith.constant 64 : index
        %swap3A_163 = tpu.vector_load %arg11[%swap3A_161, %swap3A_162] {strides = array<i32>} : memref<784x128xf32, #tpu.memory_space<vmem>>, vector<1x16xf32>,
        %swap3A_164 = vector.shape_cast %swap3A_163 : vector<1x16xf32> to vector<16xf32>
        %swap3A_165 = vector.shape_cast %add3A_160 : vector<16xf32> to vector<1x16xf32>
        tpu.vector_store %arg11[%swap3A_161, %swap3A_162], %swap3A_165 {strides = array<i32>} : memref<784x128xf32, #tpu.memory_space<vmem>>, vector<1x16xf32>,
        %get3A_166 = arith.index_cast %scan3A_55 : i32 to index
        %get3A_167 = arith.constant 80 : index
        %get3A_168 = tpu.vector_load %arg9[%get3A_166, %get3A_167] {strides = array<i32>} : memref<112x128xf32, #tpu.memory_space<vmem>>, vector<1x16xf32>,
        %get3A_169 = vector.shape_cast %get3A_168 : vector<1x16xf32> to vector<16xf32>
        %get3A_170 = arith.index_cast %scan3A_55 : i32 to index
        %get3A_171 = arith.constant 80 : index
        %get3A_172 = tpu.vector_load %arg10[%get3A_170, %get3A_171] {strides = array<i32>} : memref<112x128xf32, #tpu.memory_space<vmem>>, vector<1x16xf32>,
        %get3A_173 = vector.shape_cast %get3A_172 : vector<1x16xf32> to vector<16xf32>
        %add3A_174 = arith.addf %get3A_169, %get3A_173 : vector<16xf32>
        %max3A_175 = arith.constant 0.000000e+00 : f32
        %max3A_176 = vector.broadcast %max3A_175 : f32 to vector<16xf32>
        %max3A_177 = arith.maximumf %add3A_174, %max3A_176 : vector<16xf32>
        %get3A_178 = arith.index_cast %squeeze3A : i32 to index
        %get3A_179 = arith.constant 80 : index
        %get3A_180 = tpu.vector_load %arg11[%get3A_178, %get3A_179] {strides = array<i32>} : memref<784x128xf32, #tpu.memory_space<vmem>>, vector<1x16xf32>,
        %get3A_181 = vector.shape_cast %get3A_180 : vector<1x16xf32> to vector<16xf32>
        %add3A_182 = arith.addf %get3A_181, %max3A_177 : vector<16xf32>
        %swap3A_183 = arith.index_cast %squeeze3A : i32 to index
        %swap3A_184 = arith.constant 80 : index
        %swap3A_185 = tpu.vector_load %arg11[%swap3A_183, %swap3A_184] {strides = array<i32>} : memref<784x128xf32, #tpu.memory_space<vmem>>, vector<1x16xf32>,
        %swap3A_186 = vector.shape_cast %swap3A_185 : vector<1x16xf32> to vector<16xf32>
        %swap3A_187 = vector.shape_cast %add3A_182 : vector<16xf32> to vector<1x16xf32>
        tpu.vector_store %arg11[%swap3A_183, %swap3A_184], %swap3A_187 {strides = array<i32>} : memref<784x128xf32, #tpu.memory_space<vmem>>, vector<1x16xf32>,
        %get3A_188 = arith.index_cast %scan3A_55 : i32 to index
        %get3A_189 = arith.constant 96 : index
        %get3A_190 = tpu.vector_load %arg9[%get3A_188, %get3A_189] {strides = array<i32>} : memref<112x128xf32, #tpu.memory_space<vmem>>, vector<1x16xf32>,
        %get3A_191 = vector.shape_cast %get3A_190 : vector<1x16xf32> to vector<16xf32>
        %get3A_192 = arith.index_cast %scan3A_55 : i32 to index
        %get3A_193 = arith.constant 96 : index
        %get3A_194 = tpu.vector_load %arg10[%get3A_192, %get3A_193] {strides = array<i32>} : memref<112x128xf32, #tpu.memory_space<vmem>>, vector<1x16xf32>,
        %get3A_195 = vector.shape_cast %get3A_194 : vector<1x16xf32> to vector<16xf32>
        %add3A_196 = arith.addf %get3A_191, %get3A_195 : vector<16xf32>
        %max3A_197 = arith.constant 0.000000e+00 : f32
        %max3A_198 = vector.broadcast %max3A_197 : f32 to vector<16xf32>
        %max3A_199 = arith.maximumf %add3A_196, %max3A_198 : vector<16xf32>
        %get3A_200 = arith.index_cast %squeeze3A : i32 to index
        %get3A_201 = arith.constant 96 : index
        %get3A_202 = tpu.vector_load %arg11[%get3A_200, %get3A_201] {strides = array<i32>} : memref<784x128xf32, #tpu.memory_space<vmem>>, vector<1x16xf32>,
        %get3A_203 = vector.shape_cast %get3A_202 : vector<1x16xf32> to vector<16xf32>
        %add3A_204 = arith.addf %get3A_203, %max3A_199 : vector<16xf32>
        %swap3A_205 = arith.index_cast %squeeze3A : i32 to index
        %swap3A_206 = arith.constant 96 : index
        %swap3A_207 = tpu.vector_load %arg11[%swap3A_205, %swap3A_206] {strides = array<i32>} : memref<784x128xf32, #tpu.memory_space<vmem>>, vector<1x16xf32>,
        %swap3A_208 = vector.shape_cast %swap3A_207 : vector<1x16xf32> to vector<16xf32>
        %swap3A_209 = vector.shape_cast %add3A_204 : vector<16xf32> to vector<1x16xf32>
        tpu.vector_store %arg11[%swap3A_205, %swap3A_206], %swap3A_209 {strides = array<i32>} : memref<784x128xf32, #tpu.memory_space<vmem>>, vector<1x16xf32>,
        %get3A_210 = arith.index_cast %scan3A_55 : i32 to index
        %get3A_211 = arith.constant 112 : index
        %get3A_212 = tpu.vector_load %arg9[%get3A_210, %get3A_211] {strides = array<i32>} : memref<112x128xf32, #tpu.memory_space<vmem>>, vector<1x16xf32>,
        %get3A_213 = vector.shape_cast %get3A_212 : vector<1x16xf32> to vector<16xf32>
        %get3A_214 = arith.index_cast %scan3A_55 : i32 to index
        %get3A_215 = arith.constant 112 : index
        %get3A_216 = tpu.vector_load %arg10[%get3A_214, %get3A_215] {strides = array<i32>} : memref<112x128xf32, #tpu.memory_space<vmem>>, vector<1x16xf32>,
        %get3A_217 = vector.shape_cast %get3A_216 : vector<1x16xf32> to vector<16xf32>
        %add3A_218 = arith.addf %get3A_213, %get3A_217 : vector<16xf32>
        %max3A_219 = arith.constant 0.000000e+00 : f32
        %max3A_220 = vector.broadcast %max3A_219 : f32 to vector<16xf32>
        %max3A_221 = arith.maximumf %add3A_218, %max3A_220 : vector<16xf32>
        %get3A_222 = arith.index_cast %squeeze3A : i32 to index
        %get3A_223 = arith.constant 112 : index
        %get3A_224 = tpu.vector_load %arg11[%get3A_222, %get3A_223] {strides = array<i32>} : memref<784x128xf32, #tpu.memory_space<vmem>>, vector<1x16xf32>,
        %get3A_225 = vector.shape_cast %get3A_224 : vector<1x16xf32> to vector<16xf32>
        %add3A_226 = arith.addf %get3A_225, %max3A_221 : vector<16xf32>
        %swap3A_227 = arith.index_cast %squeeze3A : i32 to index
        %swap3A_228 = arith.constant 112 : index
        %swap3A_229 = tpu.vector_load %arg11[%swap3A_227, %swap3A_228] {strides = array<i32>} : memref<784x128xf32, #tpu.memory_space<vmem>>, vector<1x16xf32>,
        %swap3A_230 = vector.shape_cast %swap3A_229 : vector<1x16xf32> to vector<16xf32>
        %swap3A_231 = vector.shape_cast %add3A_226 : vector<16xf32> to vector<1x16xf32>
        tpu.vector_store %arg11[%swap3A_227, %swap3A_228], %swap3A_231 {strides = array<i32>} : memref<784x128xf32, #tpu.memory_space<vmem>>, vector<1x16xf32>,
      }
      %scan3A_54 = arith.constant 112 : i32
    }
    %scan3A_14 = arith.constant 112 : i32
    %mul3A_15 = arith.constant 784 : i32
    %mul3A_16 = arith.muli %add3A, %mul3A_15 : i32
    "tpu.region"() ({
      %run_scoped3A = tpu.sem_alloc : memref<!tpu.dma_semaphore, #tpu.memory_space<semaphore_mem>>
      %dma_start3A = arith.constant 0 : i32
      %dma_start3A_17 = tpu.memref_slice %arg6[%mul3A_16, %dma_start3A] : memref<25088x128xf32, #tpu.memory_space<hbm>> -> memref<784x128xf32, #tpu.memory_space<hbm>>
      %dma_start3A_18 = arith.constant 0 : i32
      %dma_start3A_19 = tpu.memref_slice %arg6[%mul3A_16, %dma_start3A_18] : memref<25088x128xf32, #tpu.memory_space<hbm>> -> memref<784x128xf32, #tpu.memory_space<hbm>>
      tpu.enqueue_dma source(%arg11 : memref<784x128xf32, #tpu.memory_space<vmem>>) target(%dma_start3A_19 : memref<784x128xf32, #tpu.memory_space<hbm>>) target_semaphore(%run_scoped3A : memref<!tpu.dma_semaphore, #tpu.memory_space<semaphore_mem>>)
      %dma_wait3A = arith.constant 0 : i32
      %dma_wait3A_20 = tpu.memref_slice %arg6[%mul3A_16, %dma_wait3A] : memref<25088x128xf32, #tpu.memory_space<hbm>> -> memref<784x128xf32, #tpu.memory_space<hbm>>
      %dma_wait3A_21 = arith.constant 0 : i32
      %dma_wait3A_22 = tpu.memref_slice %arg6[%mul3A_16, %dma_wait3A_21] : memref<25088x128xf32, #tpu.memory_space<hbm>> -> memref<784x128xf32, #tpu.memory_space<hbm>>
      tpu.wait_dma2 semaphore(%run_scoped3A : memref<!tpu.dma_semaphore, #tpu.memory_space<semaphore_mem>>) src(%arg11 : memref<784x128xf32, #tpu.memory_space<vmem>>) dst(%dma_wait3A_22 : memref<784x128xf32, #tpu.memory_space<hbm>>)
      tpu.yield
    }) : () -> ()
    return
  }
}

#map = affine_map<(d0, d1) -> (0, 0)>
#map1 = affine_map<(d0, d1) -> (0)>
module attributes {stable_mosaic.version = 14 : i64} {
  func.func @_sc_body(%arg0: i32, %arg1: i32, %arg2: memref<25088x128xf32, #tpu.memory_space<hbm>>, %arg3: memref<401408xi32, #tpu.memory_space<hbm>>, %arg4: memref<401408xi32, #tpu.memory_space<hbm>>, %arg5: memref<401408x128xf32, #tpu.memory_space<hbm>>, %arg6: memref<25088x128xf32, #tpu.memory_space<hbm>>, %arg7: memref<112xi32, #tpu.memory_space<vmem>>, %arg8: memref<128xi32, #tpu.memory_space<vmem>>, %arg9: memref<112x128xf32, #tpu.memory_space<vmem>>, %arg10: memref<112x128xf32, #tpu.memory_space<vmem>>, %arg11: memref<784x128xf32, #tpu.memory_space<vmem>>, %arg12: memref<!tpu.dma_semaphore, #tpu.memory_space<semaphore_mem>>, %arg13: memref<!tpu.dma_semaphore, #tpu.memory_space<semaphore_mem>>, %arg14: memref<!tpu.dma_semaphore, #tpu.memory_space<semaphore_mem>>, %arg15: memref<!tpu.dma_semaphore, #tpu.memory_space<semaphore_mem>>) attributes {dimension_semantics = [#tpu.dimension_semantics<core_parallel>, #tpu.dimension_semantics<subcore_parallel>], iteration_bounds = array<i64: 2, 16>, scalar_prefetch = 0 : i64, scratch_operands = 9 : i64, tpu.core_type = #tpu.core_type<sc_vector_subcore>, window_params = [{transform_indices = #map}, {transform_indices = #map1}, {transform_indices = #map1}, {transform_indices = #map}, {transform_indices = #map}]} {
    %mul3A = arith.constant 16 : i32
    %mul3A_0 = arith.muli %arg0, %mul3A : i32
    %add3A = arith.addi %mul3A_0, %arg1 : i32
    %broadcast_in_dim3A = arith.constant 0.000000e+00 : f32
    %broadcast_in_dim3A_1 = vector.broadcast %broadcast_in_dim3A : f32 to vector<16xf32>
    %scan3A = arith.constant 0 : i32
    %scan3A_2 = arith.constant 0 : i32
    %scan3A_3 = arith.constant 784 : i32
    %scan3A_4 = arith.addi %scan3A_2, %scan3A_3 : i32
    %scan3A_5 = arith.constant 1 : i32
    scf.for %scan3A_17 = %scan3A_2 to %scan3A_4 step %scan3A_5  : i32 {
      %swap3A = arith.index_cast %scan3A_17 : i32 to index
      %swap3A_18 = arith.constant 0 : index
      %swap3A_19 = tpu.vector_load %arg11[%swap3A, %swap3A_18] {strides = array<i32>} : memref<784x128xf32, #tpu.memory_space<vmem>>, vector<1x16xf32>,
      %swap3A_20 = vector.shape_cast %swap3A_19 : vector<1x16xf32> to vector<16xf32>
      %swap3A_21 = vector.shape_cast %broadcast_in_dim3A_1 : vector<16xf32> to vector<1x16xf32>
      tpu.vector_store %arg11[%swap3A, %swap3A_18], %swap3A_21 {strides = array<i32>} : memref<784x128xf32, #tpu.memory_space<vmem>>, vector<1x16xf32>,
      %swap3A_22 = arith.index_cast %scan3A_17 : i32 to index
      %swap3A_23 = arith.constant 16 : index
      %swap3A_24 = tpu.vector_load %arg11[%swap3A_22, %swap3A_23] {strides = array<i32>} : memref<784x128xf32, #tpu.memory_space<vmem>>, vector<1x16xf32>,
      %swap3A_25 = vector.shape_cast %swap3A_24 : vector<1x16xf32> to vector<16xf32>
      %swap3A_26 = vector.shape_cast %broadcast_in_dim3A_1 : vector<16xf32> to vector<1x16xf32>
      tpu.vector_store %arg11[%swap3A_22, %swap3A_23], %swap3A_26 {strides = array<i32>} : memref<784x128xf32, #tpu.memory_space<vmem>>, vector<1x16xf32>,
      %swap3A_27 = arith.index_cast %scan3A_17 : i32 to index
      %swap3A_28 = arith.constant 32 : index
      %swap3A_29 = tpu.vector_load %arg11[%swap3A_27, %swap3A_28] {strides = array<i32>} : memref<784x128xf32, #tpu.memory_space<vmem>>, vector<1x16xf32>,
      %swap3A_30 = vector.shape_cast %swap3A_29 : vector<1x16xf32> to vector<16xf32>
      %swap3A_31 = vector.shape_cast %broadcast_in_dim3A_1 : vector<16xf32> to vector<1x16xf32>
      tpu.vector_store %arg11[%swap3A_27, %swap3A_28], %swap3A_31 {strides = array<i32>} : memref<784x128xf32, #tpu.memory_space<vmem>>, vector<1x16xf32>,
      %swap3A_32 = arith.index_cast %scan3A_17 : i32 to index
      %swap3A_33 = arith.constant 48 : index
      %swap3A_34 = tpu.vector_load %arg11[%swap3A_32, %swap3A_33] {strides = array<i32>} : memref<784x128xf32, #tpu.memory_space<vmem>>, vector<1x16xf32>,
      %swap3A_35 = vector.shape_cast %swap3A_34 : vector<1x16xf32> to vector<16xf32>
      %swap3A_36 = vector.shape_cast %broadcast_in_dim3A_1 : vector<16xf32> to vector<1x16xf32>
      tpu.vector_store %arg11[%swap3A_32, %swap3A_33], %swap3A_36 {strides = array<i32>} : memref<784x128xf32, #tpu.memory_space<vmem>>, vector<1x16xf32>,
      %swap3A_37 = arith.index_cast %scan3A_17 : i32 to index
      %swap3A_38 = arith.constant 64 : index
      %swap3A_39 = tpu.vector_load %arg11[%swap3A_37, %swap3A_38] {strides = array<i32>} : memref<784x128xf32, #tpu.memory_space<vmem>>, vector<1x16xf32>,
      %swap3A_40 = vector.shape_cast %swap3A_39 : vector<1x16xf32> to vector<16xf32>
      %swap3A_41 = vector.shape_cast %broadcast_in_dim3A_1 : vector<16xf32> to vector<1x16xf32>
      tpu.vector_store %arg11[%swap3A_37, %swap3A_38], %swap3A_41 {strides = array<i32>} : memref<784x128xf32, #tpu.memory_space<vmem>>, vector<1x16xf32>,
      %swap3A_42 = arith.index_cast %scan3A_17 : i32 to index
      %swap3A_43 = arith.constant 80 : index
      %swap3A_44 = tpu.vector_load %arg11[%swap3A_42, %swap3A_43] {strides = array<i32>} : memref<784x128xf32, #tpu.memory_space<vmem>>, vector<1x16xf32>,
      %swap3A_45 = vector.shape_cast %swap3A_44 : vector<1x16xf32> to vector<16xf32>
      %swap3A_46 = vector.shape_cast %broadcast_in_dim3A_1 : vector<16xf32> to vector<1x16xf32>
      tpu.vector_store %arg11[%swap3A_42, %swap3A_43], %swap3A_46 {strides = array<i32>} : memref<784x128xf32, #tpu.memory_space<vmem>>, vector<1x16xf32>,
      %swap3A_47 = arith.index_cast %scan3A_17 : i32 to index
      %swap3A_48 = arith.constant 96 : index
      %swap3A_49 = tpu.vector_load %arg11[%swap3A_47, %swap3A_48] {strides = array<i32>} : memref<784x128xf32, #tpu.memory_space<vmem>>, vector<1x16xf32>,
      %swap3A_50 = vector.shape_cast %swap3A_49 : vector<1x16xf32> to vector<16xf32>
      %swap3A_51 = vector.shape_cast %broadcast_in_dim3A_1 : vector<16xf32> to vector<1x16xf32>
      tpu.vector_store %arg11[%swap3A_47, %swap3A_48], %swap3A_51 {strides = array<i32>} : memref<784x128xf32, #tpu.memory_space<vmem>>, vector<1x16xf32>,
      %swap3A_52 = arith.index_cast %scan3A_17 : i32 to index
      %swap3A_53 = arith.constant 112 : index
      %swap3A_54 = tpu.vector_load %arg11[%swap3A_52, %swap3A_53] {strides = array<i32>} : memref<784x128xf32, #tpu.memory_space<vmem>>, vector<1x16xf32>,
      %swap3A_55 = vector.shape_cast %swap3A_54 : vector<1x16xf32> to vector<16xf32>
      %swap3A_56 = vector.shape_cast %broadcast_in_dim3A_1 : vector<16xf32> to vector<1x16xf32>
      tpu.vector_store %arg11[%swap3A_52, %swap3A_53], %swap3A_56 {strides = array<i32>} : memref<784x128xf32, #tpu.memory_space<vmem>>, vector<1x16xf32>,
    }
    %scan3A_6 = arith.constant 784 : i32
    %mul3A_7 = arith.constant 12544 : i32
    %mul3A_8 = arith.muli %add3A, %mul3A_7 : i32
    %scan3A_9 = arith.constant 0 : i32
    %scan3A_10 = arith.constant 0 : i32
    %scan3A_11 = arith.constant 112 : i32
    %scan3A_12 = arith.addi %scan3A_10, %scan3A_11 : i32
    %scan3A_13 = arith.constant 1 : i32
    scf.for %scan3A_17 = %scan3A_10 to %scan3A_12 step %scan3A_13  : i32 {
      %mul3A_18 = arith.constant 112 : i32
      %mul3A_19 = arith.muli %scan3A_17, %mul3A_18 : i32
      %add3A_20 = arith.addi %mul3A_8, %mul3A_19 : i32
      %dma_start3A = tpu.memref_slice %arg3[%add3A_20] : memref<401408xi32, #tpu.memory_space<hbm>> -> memref<112xi32, #tpu.memory_space<hbm>>
      %dma_start3A_21 = tpu.memref_slice %arg3[%add3A_20] : memref<401408xi32, #tpu.memory_space<hbm>> -> memref<112xi32, #tpu.memory_space<hbm>>
      tpu.enqueue_dma source(%dma_start3A_21 : memref<112xi32, #tpu.memory_space<hbm>>) target(%arg7 : memref<112xi32, #tpu.memory_space<vmem>>) target_semaphore(%arg12 : memref<!tpu.dma_semaphore, #tpu.memory_space<semaphore_mem>>)
      %dma_start3A_22 = arith.constant 0 : i32
      %dma_start3A_23 = tpu.memref_slice %arg8[%dma_start3A_22] : memref<128xi32, #tpu.memory_space<vmem>> -> memref<112xi32, #tpu.memory_space<vmem>>
      %dma_start3A_24 = tpu.memref_slice %arg4[%add3A_20] : memref<401408xi32, #tpu.memory_space<hbm>> -> memref<112xi32, #tpu.memory_space<hbm>>
      %dma_start3A_25 = arith.constant 0 : i32
      %dma_start3A_26 = tpu.memref_slice %arg8[%dma_start3A_25] : memref<128xi32, #tpu.memory_space<vmem>> -> memref<112xi32, #tpu.memory_space<vmem>>
      %dma_start3A_27 = tpu.memref_slice %arg4[%add3A_20] : memref<401408xi32, #tpu.memory_space<hbm>> -> memref<112xi32, #tpu.memory_space<hbm>>
      tpu.enqueue_dma source(%dma_start3A_27 : memref<112xi32, #tpu.memory_space<hbm>>) target(%dma_start3A_26 : memref<112xi32, #tpu.memory_space<vmem>>) target_semaphore(%arg13 : memref<!tpu.dma_semaphore, #tpu.memory_space<semaphore_mem>>)
      %dma_start3A_28 = arith.constant 0 : i32
      %dma_start3A_29 = tpu.memref_slice %arg5[%add3A_20, %dma_start3A_28] : memref<401408x128xf32, #tpu.memory_space<hbm>> -> memref<112x128xf32, #tpu.memory_space<hbm>>
      %dma_start3A_30 = arith.constant 0 : i32
      %dma_start3A_31 = tpu.memref_slice %arg5[%add3A_20, %dma_start3A_30] : memref<401408x128xf32, #tpu.memory_space<hbm>> -> memref<112x128xf32, #tpu.memory_space<hbm>>
      tpu.enqueue_dma source(%dma_start3A_31 : memref<112x128xf32, #tpu.memory_space<hbm>>) target(%arg10 : memref<112x128xf32, #tpu.memory_space<vmem>>) target_semaphore(%arg14 : memref<!tpu.dma_semaphore, #tpu.memory_space<semaphore_mem>>)
      %dma_wait3A = tpu.memref_slice %arg3[%add3A_20] : memref<401408xi32, #tpu.memory_space<hbm>> -> memref<112xi32, #tpu.memory_space<hbm>>
      %dma_wait3A_32 = tpu.memref_slice %arg3[%add3A_20] : memref<401408xi32, #tpu.memory_space<hbm>> -> memref<112xi32, #tpu.memory_space<hbm>>
      tpu.wait_dma2 semaphore(%arg12 : memref<!tpu.dma_semaphore, #tpu.memory_space<semaphore_mem>>) src(%dma_wait3A_32 : memref<112xi32, #tpu.memory_space<hbm>>) dst(%arg7 : memref<112xi32, #tpu.memory_space<vmem>>)
      %dma_start3A_33 = arith.constant 0 : i32
      %dma_start3A_34 = arith.constant 0 : i32
      %dma_start3A_35 = tpu.memref_slice %arg2[%dma_start3A_33, %dma_start3A_34] : memref<25088x128xf32, #tpu.memory_space<hbm>> -> memref<25088x128xf32, #tpu.memory_space<hbm>>
      tpu.enqueue_indirect_dma source(%dma_start3A_35 : memref<25088x128xf32, #tpu.memory_space<hbm>>) target(%arg9 : memref<112x128xf32, #tpu.memory_space<vmem>>) offsets(%arg7 : memref<112xi32, #tpu.memory_space<vmem>>) semaphore(%arg15 : memref<!tpu.dma_semaphore, #tpu.memory_space<semaphore_mem>>)
      %dma_wait3A_36 = arith.constant 0 : i32
      %dma_wait3A_37 = tpu.memref_slice %arg8[%dma_wait3A_36] : memref<128xi32, #tpu.memory_space<vmem>> -> memref<112xi32, #tpu.memory_space<vmem>>
      %dma_wait3A_38 = tpu.memref_slice %arg4[%add3A_20] : memref<401408xi32, #tpu.memory_space<hbm>> -> memref<112xi32, #tpu.memory_space<hbm>>
      %dma_wait3A_39 = arith.constant 0 : i32
      %dma_wait3A_40 = tpu.memref_slice %arg8[%dma_wait3A_39] : memref<128xi32, #tpu.memory_space<vmem>> -> memref<112xi32, #tpu.memory_space<vmem>>
      %dma_wait3A_41 = tpu.memref_slice %arg4[%add3A_20] : memref<401408xi32, #tpu.memory_space<hbm>> -> memref<112xi32, #tpu.memory_space<hbm>>
      tpu.wait_dma2 semaphore(%arg13 : memref<!tpu.dma_semaphore, #tpu.memory_space<semaphore_mem>>) src(%dma_wait3A_41 : memref<112xi32, #tpu.memory_space<hbm>>) dst(%dma_wait3A_40 : memref<112xi32, #tpu.memory_space<vmem>>)
      %dma_wait3A_42 = arith.constant 0 : i32
      %dma_wait3A_43 = tpu.memref_slice %arg5[%add3A_20, %dma_wait3A_42] : memref<401408x128xf32, #tpu.memory_space<hbm>> -> memref<112x128xf32, #tpu.memory_space<hbm>>
      %dma_wait3A_44 = arith.constant 0 : i32
      %dma_wait3A_45 = tpu.memref_slice %arg5[%add3A_20, %dma_wait3A_44] : memref<401408x128xf32, #tpu.memory_space<hbm>> -> memref<112x128xf32, #tpu.memory_space<hbm>>
      tpu.wait_dma2 semaphore(%arg14 : memref<!tpu.dma_semaphore, #tpu.memory_space<semaphore_mem>>) src(%dma_wait3A_45 : memref<112x128xf32, #tpu.memory_space<hbm>>) dst(%arg10 : memref<112x128xf32, #tpu.memory_space<vmem>>)
      %dma_wait3A_46 = arith.constant 0 : i32
      %dma_wait3A_47 = arith.constant 0 : i32
      %dma_wait3A_48 = tpu.memref_slice %arg2[%dma_wait3A_46, %dma_wait3A_47] : memref<25088x128xf32, #tpu.memory_space<hbm>> -> memref<25088x128xf32, #tpu.memory_space<hbm>>
      tpu.wait_indirect_dma semaphore(%arg15 : memref<!tpu.dma_semaphore, #tpu.memory_space<semaphore_mem>>) src(%dma_wait3A_48 : memref<25088x128xf32, #tpu.memory_space<hbm>>) dst(%arg9 : memref<112x128xf32, #tpu.memory_space<vmem>>)
      %scan3A_49 = arith.constant 0 : i32
      %scan3A_50 = arith.constant 0 : i32
      %scan3A_51 = arith.constant 112 : i32
      %scan3A_52 = arith.addi %scan3A_50, %scan3A_51 : i32
      %scan3A_53 = arith.constant 1 : i32
      scf.for %scan3A_55 = %scan3A_50 to %scan3A_52 step %scan3A_53  : i32 {
        %get3A = arith.index_cast %scan3A_55 : i32 to index
        %get3A_56 = tpu.vector_load %arg8[%get3A] {strides = array<i32>} : memref<128xi32, #tpu.memory_space<vmem>>, vector<16xi32>,
        %get3A_57 = vector.shape_cast %get3A_56 : vector<16xi32> to vector<16xi32>
        %slice3A = vector.extract_strided_slice %get3A_57 {offsets = [0], sizes = [1], strides = [1]} : vector<16xi32> to vector<1xi32>
        %squeeze3A = vector.extract %slice3A[0] : i32 from vector<1xi32>
        %get3A_58 = arith.index_cast %scan3A_55 : i32 to index
        %get3A_59 = arith.constant 0 : index
        %get3A_60 = tpu.vector_load %arg9[%get3A_58, %get3A_59] {strides = array<i32>} : memref<112x128xf32, #tpu.memory_space<vmem>>, vector<1x16xf32>,
        %get3A_61 = vector.shape_cast %get3A_60 : vector<1x16xf32> to vector<16xf32>
        %get3A_62 = arith.index_cast %scan3A_55 : i32 to index
        %get3A_63 = arith.constant 0 : index
        %get3A_64 = tpu.vector_load %arg10[%get3A_62, %get3A_63] {strides = array<i32>} : memref<112x128xf32, #tpu.memory_space<vmem>>, vector<1x16xf32>,
        %get3A_65 = vector.shape_cast %get3A_64 : vector<1x16xf32> to vector<16xf32>
        %add3A_66 = arith.addf %get3A_61, %get3A_65 : vector<16xf32>
        %max3A = arith.constant 0.000000e+00 : f32
        %max3A_67 = vector.broadcast %max3A : f32 to vector<16xf32>
        %max3A_68 = arith.maximumf %add3A_66, %max3A_67 : vector<16xf32>
        %get3A_69 = arith.index_cast %squeeze3A : i32 to index
        %get3A_70 = arith.constant 0 : index
        %get3A_71 = tpu.vector_load %arg11[%get3A_69, %get3A_70] {strides = array<i32>} : memref<784x128xf32, #tpu.memory_space<vmem>>, vector<1x16xf32>,
        %get3A_72 = vector.shape_cast %get3A_71 : vector<1x16xf32> to vector<16xf32>
        %add3A_73 = arith.addf %get3A_72, %max3A_68 : vector<16xf32>
        %swap3A = arith.index_cast %squeeze3A : i32 to index
        %swap3A_74 = arith.constant 0 : index
        %swap3A_75 = tpu.vector_load %arg11[%swap3A, %swap3A_74] {strides = array<i32>} : memref<784x128xf32, #tpu.memory_space<vmem>>, vector<1x16xf32>,
        %swap3A_76 = vector.shape_cast %swap3A_75 : vector<1x16xf32> to vector<16xf32>
        %swap3A_77 = vector.shape_cast %add3A_73 : vector<16xf32> to vector<1x16xf32>
        tpu.vector_store %arg11[%swap3A, %swap3A_74], %swap3A_77 {strides = array<i32>} : memref<784x128xf32, #tpu.memory_space<vmem>>, vector<1x16xf32>,
        %get3A_78 = arith.index_cast %scan3A_55 : i32 to index
        %get3A_79 = arith.constant 16 : index
        %get3A_80 = tpu.vector_load %arg9[%get3A_78, %get3A_79] {strides = array<i32>} : memref<112x128xf32, #tpu.memory_space<vmem>>, vector<1x16xf32>,
        %get3A_81 = vector.shape_cast %get3A_80 : vector<1x16xf32> to vector<16xf32>
        %get3A_82 = arith.index_cast %scan3A_55 : i32 to index
        %get3A_83 = arith.constant 16 : index
        %get3A_84 = tpu.vector_load %arg10[%get3A_82, %get3A_83] {strides = array<i32>} : memref<112x128xf32, #tpu.memory_space<vmem>>, vector<1x16xf32>,
        %get3A_85 = vector.shape_cast %get3A_84 : vector<1x16xf32> to vector<16xf32>
        %add3A_86 = arith.addf %get3A_81, %get3A_85 : vector<16xf32>
        %max3A_87 = arith.constant 0.000000e+00 : f32
        %max3A_88 = vector.broadcast %max3A_87 : f32 to vector<16xf32>
        %max3A_89 = arith.maximumf %add3A_86, %max3A_88 : vector<16xf32>
        %get3A_90 = arith.index_cast %squeeze3A : i32 to index
        %get3A_91 = arith.constant 16 : index
        %get3A_92 = tpu.vector_load %arg11[%get3A_90, %get3A_91] {strides = array<i32>} : memref<784x128xf32, #tpu.memory_space<vmem>>, vector<1x16xf32>,
        %get3A_93 = vector.shape_cast %get3A_92 : vector<1x16xf32> to vector<16xf32>
        %add3A_94 = arith.addf %get3A_93, %max3A_89 : vector<16xf32>
        %swap3A_95 = arith.index_cast %squeeze3A : i32 to index
        %swap3A_96 = arith.constant 16 : index
        %swap3A_97 = tpu.vector_load %arg11[%swap3A_95, %swap3A_96] {strides = array<i32>} : memref<784x128xf32, #tpu.memory_space<vmem>>, vector<1x16xf32>,
        %swap3A_98 = vector.shape_cast %swap3A_97 : vector<1x16xf32> to vector<16xf32>
        %swap3A_99 = vector.shape_cast %add3A_94 : vector<16xf32> to vector<1x16xf32>
        tpu.vector_store %arg11[%swap3A_95, %swap3A_96], %swap3A_99 {strides = array<i32>} : memref<784x128xf32, #tpu.memory_space<vmem>>, vector<1x16xf32>,
        %get3A_100 = arith.index_cast %scan3A_55 : i32 to index
        %get3A_101 = arith.constant 32 : index
        %get3A_102 = tpu.vector_load %arg9[%get3A_100, %get3A_101] {strides = array<i32>} : memref<112x128xf32, #tpu.memory_space<vmem>>, vector<1x16xf32>,
        %get3A_103 = vector.shape_cast %get3A_102 : vector<1x16xf32> to vector<16xf32>
        %get3A_104 = arith.index_cast %scan3A_55 : i32 to index
        %get3A_105 = arith.constant 32 : index
        %get3A_106 = tpu.vector_load %arg10[%get3A_104, %get3A_105] {strides = array<i32>} : memref<112x128xf32, #tpu.memory_space<vmem>>, vector<1x16xf32>,
        %get3A_107 = vector.shape_cast %get3A_106 : vector<1x16xf32> to vector<16xf32>
        %add3A_108 = arith.addf %get3A_103, %get3A_107 : vector<16xf32>
        %max3A_109 = arith.constant 0.000000e+00 : f32
        %max3A_110 = vector.broadcast %max3A_109 : f32 to vector<16xf32>
        %max3A_111 = arith.maximumf %add3A_108, %max3A_110 : vector<16xf32>
        %get3A_112 = arith.index_cast %squeeze3A : i32 to index
        %get3A_113 = arith.constant 32 : index
        %get3A_114 = tpu.vector_load %arg11[%get3A_112, %get3A_113] {strides = array<i32>} : memref<784x128xf32, #tpu.memory_space<vmem>>, vector<1x16xf32>,
        %get3A_115 = vector.shape_cast %get3A_114 : vector<1x16xf32> to vector<16xf32>
        %add3A_116 = arith.addf %get3A_115, %max3A_111 : vector<16xf32>
        %swap3A_117 = arith.index_cast %squeeze3A : i32 to index
        %swap3A_118 = arith.constant 32 : index
        %swap3A_119 = tpu.vector_load %arg11[%swap3A_117, %swap3A_118] {strides = array<i32>} : memref<784x128xf32, #tpu.memory_space<vmem>>, vector<1x16xf32>,
        %swap3A_120 = vector.shape_cast %swap3A_119 : vector<1x16xf32> to vector<16xf32>
        %swap3A_121 = vector.shape_cast %add3A_116 : vector<16xf32> to vector<1x16xf32>
        tpu.vector_store %arg11[%swap3A_117, %swap3A_118], %swap3A_121 {strides = array<i32>} : memref<784x128xf32, #tpu.memory_space<vmem>>, vector<1x16xf32>,
        %get3A_122 = arith.index_cast %scan3A_55 : i32 to index
        %get3A_123 = arith.constant 48 : index
        %get3A_124 = tpu.vector_load %arg9[%get3A_122, %get3A_123] {strides = array<i32>} : memref<112x128xf32, #tpu.memory_space<vmem>>, vector<1x16xf32>,
        %get3A_125 = vector.shape_cast %get3A_124 : vector<1x16xf32> to vector<16xf32>
        %get3A_126 = arith.index_cast %scan3A_55 : i32 to index
        %get3A_127 = arith.constant 48 : index
        %get3A_128 = tpu.vector_load %arg10[%get3A_126, %get3A_127] {strides = array<i32>} : memref<112x128xf32, #tpu.memory_space<vmem>>, vector<1x16xf32>,
        %get3A_129 = vector.shape_cast %get3A_128 : vector<1x16xf32> to vector<16xf32>
        %add3A_130 = arith.addf %get3A_125, %get3A_129 : vector<16xf32>
        %max3A_131 = arith.constant 0.000000e+00 : f32
        %max3A_132 = vector.broadcast %max3A_131 : f32 to vector<16xf32>
        %max3A_133 = arith.maximumf %add3A_130, %max3A_132 : vector<16xf32>
        %get3A_134 = arith.index_cast %squeeze3A : i32 to index
        %get3A_135 = arith.constant 48 : index
        %get3A_136 = tpu.vector_load %arg11[%get3A_134, %get3A_135] {strides = array<i32>} : memref<784x128xf32, #tpu.memory_space<vmem>>, vector<1x16xf32>,
        %get3A_137 = vector.shape_cast %get3A_136 : vector<1x16xf32> to vector<16xf32>
        %add3A_138 = arith.addf %get3A_137, %max3A_133 : vector<16xf32>
        %swap3A_139 = arith.index_cast %squeeze3A : i32 to index
        %swap3A_140 = arith.constant 48 : index
        %swap3A_141 = tpu.vector_load %arg11[%swap3A_139, %swap3A_140] {strides = array<i32>} : memref<784x128xf32, #tpu.memory_space<vmem>>, vector<1x16xf32>,
        %swap3A_142 = vector.shape_cast %swap3A_141 : vector<1x16xf32> to vector<16xf32>
        %swap3A_143 = vector.shape_cast %add3A_138 : vector<16xf32> to vector<1x16xf32>
        tpu.vector_store %arg11[%swap3A_139, %swap3A_140], %swap3A_143 {strides = array<i32>} : memref<784x128xf32, #tpu.memory_space<vmem>>, vector<1x16xf32>,
        %get3A_144 = arith.index_cast %scan3A_55 : i32 to index
        %get3A_145 = arith.constant 64 : index
        %get3A_146 = tpu.vector_load %arg9[%get3A_144, %get3A_145] {strides = array<i32>} : memref<112x128xf32, #tpu.memory_space<vmem>>, vector<1x16xf32>,
        %get3A_147 = vector.shape_cast %get3A_146 : vector<1x16xf32> to vector<16xf32>
        %get3A_148 = arith.index_cast %scan3A_55 : i32 to index
        %get3A_149 = arith.constant 64 : index
        %get3A_150 = tpu.vector_load %arg10[%get3A_148, %get3A_149] {strides = array<i32>} : memref<112x128xf32, #tpu.memory_space<vmem>>, vector<1x16xf32>,
        %get3A_151 = vector.shape_cast %get3A_150 : vector<1x16xf32> to vector<16xf32>
        %add3A_152 = arith.addf %get3A_147, %get3A_151 : vector<16xf32>
        %max3A_153 = arith.constant 0.000000e+00 : f32
        %max3A_154 = vector.broadcast %max3A_153 : f32 to vector<16xf32>
        %max3A_155 = arith.maximumf %add3A_152, %max3A_154 : vector<16xf32>
        %get3A_156 = arith.index_cast %squeeze3A : i32 to index
        %get3A_157 = arith.constant 64 : index
        %get3A_158 = tpu.vector_load %arg11[%get3A_156, %get3A_157] {strides = array<i32>} : memref<784x128xf32, #tpu.memory_space<vmem>>, vector<1x16xf32>,
        %get3A_159 = vector.shape_cast %get3A_158 : vector<1x16xf32> to vector<16xf32>
        %add3A_160 = arith.addf %get3A_159, %max3A_155 : vector<16xf32>
        %swap3A_161 = arith.index_cast %squeeze3A : i32 to index
        %swap3A_162 = arith.constant 64 : index
        %swap3A_163 = tpu.vector_load %arg11[%swap3A_161, %swap3A_162] {strides = array<i32>} : memref<784x128xf32, #tpu.memory_space<vmem>>, vector<1x16xf32>,
        %swap3A_164 = vector.shape_cast %swap3A_163 : vector<1x16xf32> to vector<16xf32>
        %swap3A_165 = vector.shape_cast %add3A_160 : vector<16xf32> to vector<1x16xf32>
        tpu.vector_store %arg11[%swap3A_161, %swap3A_162], %swap3A_165 {strides = array<i32>} : memref<784x128xf32, #tpu.memory_space<vmem>>, vector<1x16xf32>,
        %get3A_166 = arith.index_cast %scan3A_55 : i32 to index
        %get3A_167 = arith.constant 80 : index
        %get3A_168 = tpu.vector_load %arg9[%get3A_166, %get3A_167] {strides = array<i32>} : memref<112x128xf32, #tpu.memory_space<vmem>>, vector<1x16xf32>,
        %get3A_169 = vector.shape_cast %get3A_168 : vector<1x16xf32> to vector<16xf32>
        %get3A_170 = arith.index_cast %scan3A_55 : i32 to index
        %get3A_171 = arith.constant 80 : index
        %get3A_172 = tpu.vector_load %arg10[%get3A_170, %get3A_171] {strides = array<i32>} : memref<112x128xf32, #tpu.memory_space<vmem>>, vector<1x16xf32>,
        %get3A_173 = vector.shape_cast %get3A_172 : vector<1x16xf32> to vector<16xf32>
        %add3A_174 = arith.addf %get3A_169, %get3A_173 : vector<16xf32>
        %max3A_175 = arith.constant 0.000000e+00 : f32
        %max3A_176 = vector.broadcast %max3A_175 : f32 to vector<16xf32>
        %max3A_177 = arith.maximumf %add3A_174, %max3A_176 : vector<16xf32>
        %get3A_178 = arith.index_cast %squeeze3A : i32 to index
        %get3A_179 = arith.constant 80 : index
        %get3A_180 = tpu.vector_load %arg11[%get3A_178, %get3A_179] {strides = array<i32>} : memref<784x128xf32, #tpu.memory_space<vmem>>, vector<1x16xf32>,
        %get3A_181 = vector.shape_cast %get3A_180 : vector<1x16xf32> to vector<16xf32>
        %add3A_182 = arith.addf %get3A_181, %max3A_177 : vector<16xf32>
        %swap3A_183 = arith.index_cast %squeeze3A : i32 to index
        %swap3A_184 = arith.constant 80 : index
        %swap3A_185 = tpu.vector_load %arg11[%swap3A_183, %swap3A_184] {strides = array<i32>} : memref<784x128xf32, #tpu.memory_space<vmem>>, vector<1x16xf32>,
        %swap3A_186 = vector.shape_cast %swap3A_185 : vector<1x16xf32> to vector<16xf32>
        %swap3A_187 = vector.shape_cast %add3A_182 : vector<16xf32> to vector<1x16xf32>
        tpu.vector_store %arg11[%swap3A_183, %swap3A_184], %swap3A_187 {strides = array<i32>} : memref<784x128xf32, #tpu.memory_space<vmem>>, vector<1x16xf32>,
        %get3A_188 = arith.index_cast %scan3A_55 : i32 to index
        %get3A_189 = arith.constant 96 : index
        %get3A_190 = tpu.vector_load %arg9[%get3A_188, %get3A_189] {strides = array<i32>} : memref<112x128xf32, #tpu.memory_space<vmem>>, vector<1x16xf32>,
        %get3A_191 = vector.shape_cast %get3A_190 : vector<1x16xf32> to vector<16xf32>
        %get3A_192 = arith.index_cast %scan3A_55 : i32 to index
        %get3A_193 = arith.constant 96 : index
        %get3A_194 = tpu.vector_load %arg10[%get3A_192, %get3A_193] {strides = array<i32>} : memref<112x128xf32, #tpu.memory_space<vmem>>, vector<1x16xf32>,
        %get3A_195 = vector.shape_cast %get3A_194 : vector<1x16xf32> to vector<16xf32>
        %add3A_196 = arith.addf %get3A_191, %get3A_195 : vector<16xf32>
        %max3A_197 = arith.constant 0.000000e+00 : f32
        %max3A_198 = vector.broadcast %max3A_197 : f32 to vector<16xf32>
        %max3A_199 = arith.maximumf %add3A_196, %max3A_198 : vector<16xf32>
        %get3A_200 = arith.index_cast %squeeze3A : i32 to index
        %get3A_201 = arith.constant 96 : index
        %get3A_202 = tpu.vector_load %arg11[%get3A_200, %get3A_201] {strides = array<i32>} : memref<784x128xf32, #tpu.memory_space<vmem>>, vector<1x16xf32>,
        %get3A_203 = vector.shape_cast %get3A_202 : vector<1x16xf32> to vector<16xf32>
        %add3A_204 = arith.addf %get3A_203, %max3A_199 : vector<16xf32>
        %swap3A_205 = arith.index_cast %squeeze3A : i32 to index
        %swap3A_206 = arith.constant 96 : index
        %swap3A_207 = tpu.vector_load %arg11[%swap3A_205, %swap3A_206] {strides = array<i32>} : memref<784x128xf32, #tpu.memory_space<vmem>>, vector<1x16xf32>,
        %swap3A_208 = vector.shape_cast %swap3A_207 : vector<1x16xf32> to vector<16xf32>
        %swap3A_209 = vector.shape_cast %add3A_204 : vector<16xf32> to vector<1x16xf32>
        tpu.vector_store %arg11[%swap3A_205, %swap3A_206], %swap3A_209 {strides = array<i32>} : memref<784x128xf32, #tpu.memory_space<vmem>>, vector<1x16xf32>,
        %get3A_210 = arith.index_cast %scan3A_55 : i32 to index
        %get3A_211 = arith.constant 112 : index
        %get3A_212 = tpu.vector_load %arg9[%get3A_210, %get3A_211] {strides = array<i32>} : memref<112x128xf32, #tpu.memory_space<vmem>>, vector<1x16xf32>,
        %get3A_213 = vector.shape_cast %get3A_212 : vector<1x16xf32> to vector<16xf32>
        %get3A_214 = arith.index_cast %scan3A_55 : i32 to index
        %get3A_215 = arith.constant 112 : index
        %get3A_216 = tpu.vector_load %arg10[%get3A_214, %get3A_215] {strides = array<i32>} : memref<112x128xf32, #tpu.memory_space<vmem>>, vector<1x16xf32>,
        %get3A_217 = vector.shape_cast %get3A_216 : vector<1x16xf32> to vector<16xf32>
        %add3A_218 = arith.addf %get3A_213, %get3A_217 : vector<16xf32>
        %max3A_219 = arith.constant 0.000000e+00 : f32
        %max3A_220 = vector.broadcast %max3A_219 : f32 to vector<16xf32>
        %max3A_221 = arith.maximumf %add3A_218, %max3A_220 : vector<16xf32>
        %get3A_222 = arith.index_cast %squeeze3A : i32 to index
        %get3A_223 = arith.constant 112 : index
        %get3A_224 = tpu.vector_load %arg11[%get3A_222, %get3A_223] {strides = array<i32>} : memref<784x128xf32, #tpu.memory_space<vmem>>, vector<1x16xf32>,
        %get3A_225 = vector.shape_cast %get3A_224 : vector<1x16xf32> to vector<16xf32>
        %add3A_226 = arith.addf %get3A_225, %max3A_221 : vector<16xf32>
        %swap3A_227 = arith.index_cast %squeeze3A : i32 to index
        %swap3A_228 = arith.constant 112 : index
        %swap3A_229 = tpu.vector_load %arg11[%swap3A_227, %swap3A_228] {strides = array<i32>} : memref<784x128xf32, #tpu.memory_space<vmem>>, vector<1x16xf32>,
        %swap3A_230 = vector.shape_cast %swap3A_229 : vector<1x16xf32> to vector<16xf32>
        %swap3A_231 = vector.shape_cast %add3A_226 : vector<16xf32> to vector<1x16xf32>
        tpu.vector_store %arg11[%swap3A_227, %swap3A_228], %swap3A_231 {strides = array<i32>} : memref<784x128xf32, #tpu.memory_space<vmem>>, vector<1x16xf32>,
      }
      %scan3A_54 = arith.constant 112 : i32
    }
    %scan3A_14 = arith.constant 112 : i32
    %mul3A_15 = arith.constant 784 : i32
    %mul3A_16 = arith.muli %add3A, %mul3A_15 : i32
    "tpu.region"() ({
      %run_scoped3A = tpu.sem_alloc : memref<!tpu.dma_semaphore, #tpu.memory_space<semaphore_mem>>
      %dma_start3A = arith.constant 0 : i32
      %dma_start3A_17 = tpu.memref_slice %arg6[%mul3A_16, %dma_start3A] : memref<25088x128xf32, #tpu.memory_space<hbm>> -> memref<784x128xf32, #tpu.memory_space<hbm>>
      %dma_start3A_18 = arith.constant 0 : i32
      %dma_start3A_19 = tpu.memref_slice %arg6[%mul3A_16, %dma_start3A_18] : memref<25088x128xf32, #tpu.memory_space<hbm>> -> memref<784x128xf32, #tpu.memory_space<hbm>>
      tpu.enqueue_dma source(%arg11 : memref<784x128xf32, #tpu.memory_space<vmem>>) target(%dma_start3A_19 : memref<784x128xf32, #tpu.memory_space<hbm>>) target_semaphore(%run_scoped3A : memref<!tpu.dma_semaphore, #tpu.memory_space<semaphore_mem>>)
      %dma_wait3A = arith.constant 0 : i32
      %dma_wait3A_20 = tpu.memref_slice %arg6[%mul3A_16, %dma_wait3A] : memref<25088x128xf32, #tpu.memory_space<hbm>> -> memref<784x128xf32, #tpu.memory_space<hbm>>
      %dma_wait3A_21 = arith.constant 0 : i32
      %dma_wait3A_22 = tpu.memref_slice %arg6[%mul3A_16, %dma_wait3A_21] : memref<25088x128xf32, #tpu.memory_space<hbm>> -> memref<784x128xf32, #tpu.memory_space<hbm>>
      tpu.wait_dma2 semaphore(%run_scoped3A : memref<!tpu.dma_semaphore, #tpu.memory_space<semaphore_mem>>) src(%arg11 : memref<784x128xf32, #tpu.memory_space<vmem>>) dst(%dma_wait3A_22 : memref<784x128xf32, #tpu.memory_space<hbm>>)
      tpu.yield
    }) : () -> ()
    return
  }
}

#map = affine_map<(d0, d1) -> (0, 0)>
#map1 = affine_map<(d0, d1) -> (0)>
module attributes {stable_mosaic.version = 14 : i64} {
  func.func @_sc_body(%arg0: i32, %arg1: i32, %arg2: memref<25088x128xf32, #tpu.memory_space<hbm>>, %arg3: memref<401408xi32, #tpu.memory_space<hbm>>, %arg4: memref<401408xi32, #tpu.memory_space<hbm>>, %arg5: memref<401408x128xf32, #tpu.memory_space<hbm>>, %arg6: memref<25088x128xf32, #tpu.memory_space<hbm>>, %arg7: memref<112xi32, #tpu.memory_space<vmem>>, %arg8: memref<128xi32, #tpu.memory_space<vmem>>, %arg9: memref<112x128xf32, #tpu.memory_space<vmem>>, %arg10: memref<112x128xf32, #tpu.memory_space<vmem>>, %arg11: memref<784x128xf32, #tpu.memory_space<vmem>>, %arg12: memref<!tpu.dma_semaphore, #tpu.memory_space<semaphore_mem>>, %arg13: memref<!tpu.dma_semaphore, #tpu.memory_space<semaphore_mem>>, %arg14: memref<!tpu.dma_semaphore, #tpu.memory_space<semaphore_mem>>, %arg15: memref<!tpu.dma_semaphore, #tpu.memory_space<semaphore_mem>>) attributes {dimension_semantics = [#tpu.dimension_semantics<core_parallel>, #tpu.dimension_semantics<subcore_parallel>], iteration_bounds = array<i64: 2, 16>, scalar_prefetch = 0 : i64, scratch_operands = 9 : i64, tpu.core_type = #tpu.core_type<sc_vector_subcore>, window_params = [{transform_indices = #map}, {transform_indices = #map1}, {transform_indices = #map1}, {transform_indices = #map}, {transform_indices = #map}]} {
    %mul3A = arith.constant 16 : i32
    %mul3A_0 = arith.muli %arg0, %mul3A : i32
    %add3A = arith.addi %mul3A_0, %arg1 : i32
    %broadcast_in_dim3A = arith.constant 0.000000e+00 : f32
    %broadcast_in_dim3A_1 = vector.broadcast %broadcast_in_dim3A : f32 to vector<16xf32>
    %scan3A = arith.constant 0 : i32
    %scan3A_2 = arith.constant 0 : i32
    %scan3A_3 = arith.constant 784 : i32
    %scan3A_4 = arith.addi %scan3A_2, %scan3A_3 : i32
    %scan3A_5 = arith.constant 1 : i32
    scf.for %scan3A_17 = %scan3A_2 to %scan3A_4 step %scan3A_5  : i32 {
      %swap3A = arith.index_cast %scan3A_17 : i32 to index
      %swap3A_18 = arith.constant 0 : index
      %swap3A_19 = tpu.vector_load %arg11[%swap3A, %swap3A_18] {strides = array<i32>} : memref<784x128xf32, #tpu.memory_space<vmem>>, vector<1x16xf32>,
      %swap3A_20 = vector.shape_cast %swap3A_19 : vector<1x16xf32> to vector<16xf32>
      %swap3A_21 = vector.shape_cast %broadcast_in_dim3A_1 : vector<16xf32> to vector<1x16xf32>
      tpu.vector_store %arg11[%swap3A, %swap3A_18], %swap3A_21 {strides = array<i32>} : memref<784x128xf32, #tpu.memory_space<vmem>>, vector<1x16xf32>,
      %swap3A_22 = arith.index_cast %scan3A_17 : i32 to index
      %swap3A_23 = arith.constant 16 : index
      %swap3A_24 = tpu.vector_load %arg11[%swap3A_22, %swap3A_23] {strides = array<i32>} : memref<784x128xf32, #tpu.memory_space<vmem>>, vector<1x16xf32>,
      %swap3A_25 = vector.shape_cast %swap3A_24 : vector<1x16xf32> to vector<16xf32>
      %swap3A_26 = vector.shape_cast %broadcast_in_dim3A_1 : vector<16xf32> to vector<1x16xf32>
      tpu.vector_store %arg11[%swap3A_22, %swap3A_23], %swap3A_26 {strides = array<i32>} : memref<784x128xf32, #tpu.memory_space<vmem>>, vector<1x16xf32>,
      %swap3A_27 = arith.index_cast %scan3A_17 : i32 to index
      %swap3A_28 = arith.constant 32 : index
      %swap3A_29 = tpu.vector_load %arg11[%swap3A_27, %swap3A_28] {strides = array<i32>} : memref<784x128xf32, #tpu.memory_space<vmem>>, vector<1x16xf32>,
      %swap3A_30 = vector.shape_cast %swap3A_29 : vector<1x16xf32> to vector<16xf32>
      %swap3A_31 = vector.shape_cast %broadcast_in_dim3A_1 : vector<16xf32> to vector<1x16xf32>
      tpu.vector_store %arg11[%swap3A_27, %swap3A_28], %swap3A_31 {strides = array<i32>} : memref<784x128xf32, #tpu.memory_space<vmem>>, vector<1x16xf32>,
      %swap3A_32 = arith.index_cast %scan3A_17 : i32 to index
      %swap3A_33 = arith.constant 48 : index
      %swap3A_34 = tpu.vector_load %arg11[%swap3A_32, %swap3A_33] {strides = array<i32>} : memref<784x128xf32, #tpu.memory_space<vmem>>, vector<1x16xf32>,
      %swap3A_35 = vector.shape_cast %swap3A_34 : vector<1x16xf32> to vector<16xf32>
      %swap3A_36 = vector.shape_cast %broadcast_in_dim3A_1 : vector<16xf32> to vector<1x16xf32>
      tpu.vector_store %arg11[%swap3A_32, %swap3A_33], %swap3A_36 {strides = array<i32>} : memref<784x128xf32, #tpu.memory_space<vmem>>, vector<1x16xf32>,
      %swap3A_37 = arith.index_cast %scan3A_17 : i32 to index
      %swap3A_38 = arith.constant 64 : index
      %swap3A_39 = tpu.vector_load %arg11[%swap3A_37, %swap3A_38] {strides = array<i32>} : memref<784x128xf32, #tpu.memory_space<vmem>>, vector<1x16xf32>,
      %swap3A_40 = vector.shape_cast %swap3A_39 : vector<1x16xf32> to vector<16xf32>
      %swap3A_41 = vector.shape_cast %broadcast_in_dim3A_1 : vector<16xf32> to vector<1x16xf32>
      tpu.vector_store %arg11[%swap3A_37, %swap3A_38], %swap3A_41 {strides = array<i32>} : memref<784x128xf32, #tpu.memory_space<vmem>>, vector<1x16xf32>,
      %swap3A_42 = arith.index_cast %scan3A_17 : i32 to index
      %swap3A_43 = arith.constant 80 : index
      %swap3A_44 = tpu.vector_load %arg11[%swap3A_42, %swap3A_43] {strides = array<i32>} : memref<784x128xf32, #tpu.memory_space<vmem>>, vector<1x16xf32>,
      %swap3A_45 = vector.shape_cast %swap3A_44 : vector<1x16xf32> to vector<16xf32>
      %swap3A_46 = vector.shape_cast %broadcast_in_dim3A_1 : vector<16xf32> to vector<1x16xf32>
      tpu.vector_store %arg11[%swap3A_42, %swap3A_43], %swap3A_46 {strides = array<i32>} : memref<784x128xf32, #tpu.memory_space<vmem>>, vector<1x16xf32>,
      %swap3A_47 = arith.index_cast %scan3A_17 : i32 to index
      %swap3A_48 = arith.constant 96 : index
      %swap3A_49 = tpu.vector_load %arg11[%swap3A_47, %swap3A_48] {strides = array<i32>} : memref<784x128xf32, #tpu.memory_space<vmem>>, vector<1x16xf32>,
      %swap3A_50 = vector.shape_cast %swap3A_49 : vector<1x16xf32> to vector<16xf32>
      %swap3A_51 = vector.shape_cast %broadcast_in_dim3A_1 : vector<16xf32> to vector<1x16xf32>
      tpu.vector_store %arg11[%swap3A_47, %swap3A_48], %swap3A_51 {strides = array<i32>} : memref<784x128xf32, #tpu.memory_space<vmem>>, vector<1x16xf32>,
      %swap3A_52 = arith.index_cast %scan3A_17 : i32 to index
      %swap3A_53 = arith.constant 112 : index
      %swap3A_54 = tpu.vector_load %arg11[%swap3A_52, %swap3A_53] {strides = array<i32>} : memref<784x128xf32, #tpu.memory_space<vmem>>, vector<1x16xf32>,
      %swap3A_55 = vector.shape_cast %swap3A_54 : vector<1x16xf32> to vector<16xf32>
      %swap3A_56 = vector.shape_cast %broadcast_in_dim3A_1 : vector<16xf32> to vector<1x16xf32>
      tpu.vector_store %arg11[%swap3A_52, %swap3A_53], %swap3A_56 {strides = array<i32>} : memref<784x128xf32, #tpu.memory_space<vmem>>, vector<1x16xf32>,
    }
    %scan3A_6 = arith.constant 784 : i32
    %mul3A_7 = arith.constant 12544 : i32
    %mul3A_8 = arith.muli %add3A, %mul3A_7 : i32
    %scan3A_9 = arith.constant 0 : i32
    %scan3A_10 = arith.constant 0 : i32
    %scan3A_11 = arith.constant 112 : i32
    %scan3A_12 = arith.addi %scan3A_10, %scan3A_11 : i32
    %scan3A_13 = arith.constant 1 : i32
    scf.for %scan3A_17 = %scan3A_10 to %scan3A_12 step %scan3A_13  : i32 {
      %mul3A_18 = arith.constant 112 : i32
      %mul3A_19 = arith.muli %scan3A_17, %mul3A_18 : i32
      %add3A_20 = arith.addi %mul3A_8, %mul3A_19 : i32
      %dma_start3A = tpu.memref_slice %arg3[%add3A_20] : memref<401408xi32, #tpu.memory_space<hbm>> -> memref<112xi32, #tpu.memory_space<hbm>>
      %dma_start3A_21 = tpu.memref_slice %arg3[%add3A_20] : memref<401408xi32, #tpu.memory_space<hbm>> -> memref<112xi32, #tpu.memory_space<hbm>>
      tpu.enqueue_dma source(%dma_start3A_21 : memref<112xi32, #tpu.memory_space<hbm>>) target(%arg7 : memref<112xi32, #tpu.memory_space<vmem>>) target_semaphore(%arg12 : memref<!tpu.dma_semaphore, #tpu.memory_space<semaphore_mem>>)
      %dma_start3A_22 = arith.constant 0 : i32
      %dma_start3A_23 = tpu.memref_slice %arg8[%dma_start3A_22] : memref<128xi32, #tpu.memory_space<vmem>> -> memref<112xi32, #tpu.memory_space<vmem>>
      %dma_start3A_24 = tpu.memref_slice %arg4[%add3A_20] : memref<401408xi32, #tpu.memory_space<hbm>> -> memref<112xi32, #tpu.memory_space<hbm>>
      %dma_start3A_25 = arith.constant 0 : i32
      %dma_start3A_26 = tpu.memref_slice %arg8[%dma_start3A_25] : memref<128xi32, #tpu.memory_space<vmem>> -> memref<112xi32, #tpu.memory_space<vmem>>
      %dma_start3A_27 = tpu.memref_slice %arg4[%add3A_20] : memref<401408xi32, #tpu.memory_space<hbm>> -> memref<112xi32, #tpu.memory_space<hbm>>
      tpu.enqueue_dma source(%dma_start3A_27 : memref<112xi32, #tpu.memory_space<hbm>>) target(%dma_start3A_26 : memref<112xi32, #tpu.memory_space<vmem>>) target_semaphore(%arg13 : memref<!tpu.dma_semaphore, #tpu.memory_space<semaphore_mem>>)
      %dma_start3A_28 = arith.constant 0 : i32
      %dma_start3A_29 = tpu.memref_slice %arg5[%add3A_20, %dma_start3A_28] : memref<401408x128xf32, #tpu.memory_space<hbm>> -> memref<112x128xf32, #tpu.memory_space<hbm>>
      %dma_start3A_30 = arith.constant 0 : i32
      %dma_start3A_31 = tpu.memref_slice %arg5[%add3A_20, %dma_start3A_30] : memref<401408x128xf32, #tpu.memory_space<hbm>> -> memref<112x128xf32, #tpu.memory_space<hbm>>
      tpu.enqueue_dma source(%dma_start3A_31 : memref<112x128xf32, #tpu.memory_space<hbm>>) target(%arg10 : memref<112x128xf32, #tpu.memory_space<vmem>>) target_semaphore(%arg14 : memref<!tpu.dma_semaphore, #tpu.memory_space<semaphore_mem>>)
      %dma_wait3A = tpu.memref_slice %arg3[%add3A_20] : memref<401408xi32, #tpu.memory_space<hbm>> -> memref<112xi32, #tpu.memory_space<hbm>>
      %dma_wait3A_32 = tpu.memref_slice %arg3[%add3A_20] : memref<401408xi32, #tpu.memory_space<hbm>> -> memref<112xi32, #tpu.memory_space<hbm>>
      tpu.wait_dma2 semaphore(%arg12 : memref<!tpu.dma_semaphore, #tpu.memory_space<semaphore_mem>>) src(%dma_wait3A_32 : memref<112xi32, #tpu.memory_space<hbm>>) dst(%arg7 : memref<112xi32, #tpu.memory_space<vmem>>)
      %dma_start3A_33 = arith.constant 0 : i32
      %dma_start3A_34 = arith.constant 0 : i32
      %dma_start3A_35 = tpu.memref_slice %arg2[%dma_start3A_33, %dma_start3A_34] : memref<25088x128xf32, #tpu.memory_space<hbm>> -> memref<25088x128xf32, #tpu.memory_space<hbm>>
      tpu.enqueue_indirect_dma source(%dma_start3A_35 : memref<25088x128xf32, #tpu.memory_space<hbm>>) target(%arg9 : memref<112x128xf32, #tpu.memory_space<vmem>>) offsets(%arg7 : memref<112xi32, #tpu.memory_space<vmem>>) semaphore(%arg15 : memref<!tpu.dma_semaphore, #tpu.memory_space<semaphore_mem>>)
      %dma_wait3A_36 = arith.constant 0 : i32
      %dma_wait3A_37 = tpu.memref_slice %arg8[%dma_wait3A_36] : memref<128xi32, #tpu.memory_space<vmem>> -> memref<112xi32, #tpu.memory_space<vmem>>
      %dma_wait3A_38 = tpu.memref_slice %arg4[%add3A_20] : memref<401408xi32, #tpu.memory_space<hbm>> -> memref<112xi32, #tpu.memory_space<hbm>>
      %dma_wait3A_39 = arith.constant 0 : i32
      %dma_wait3A_40 = tpu.memref_slice %arg8[%dma_wait3A_39] : memref<128xi32, #tpu.memory_space<vmem>> -> memref<112xi32, #tpu.memory_space<vmem>>
      %dma_wait3A_41 = tpu.memref_slice %arg4[%add3A_20] : memref<401408xi32, #tpu.memory_space<hbm>> -> memref<112xi32, #tpu.memory_space<hbm>>
      tpu.wait_dma2 semaphore(%arg13 : memref<!tpu.dma_semaphore, #tpu.memory_space<semaphore_mem>>) src(%dma_wait3A_41 : memref<112xi32, #tpu.memory_space<hbm>>) dst(%dma_wait3A_40 : memref<112xi32, #tpu.memory_space<vmem>>)
      %dma_wait3A_42 = arith.constant 0 : i32
      %dma_wait3A_43 = tpu.memref_slice %arg5[%add3A_20, %dma_wait3A_42] : memref<401408x128xf32, #tpu.memory_space<hbm>> -> memref<112x128xf32, #tpu.memory_space<hbm>>
      %dma_wait3A_44 = arith.constant 0 : i32
      %dma_wait3A_45 = tpu.memref_slice %arg5[%add3A_20, %dma_wait3A_44] : memref<401408x128xf32, #tpu.memory_space<hbm>> -> memref<112x128xf32, #tpu.memory_space<hbm>>
      tpu.wait_dma2 semaphore(%arg14 : memref<!tpu.dma_semaphore, #tpu.memory_space<semaphore_mem>>) src(%dma_wait3A_45 : memref<112x128xf32, #tpu.memory_space<hbm>>) dst(%arg10 : memref<112x128xf32, #tpu.memory_space<vmem>>)
      %dma_wait3A_46 = arith.constant 0 : i32
      %dma_wait3A_47 = arith.constant 0 : i32
      %dma_wait3A_48 = tpu.memref_slice %arg2[%dma_wait3A_46, %dma_wait3A_47] : memref<25088x128xf32, #tpu.memory_space<hbm>> -> memref<25088x128xf32, #tpu.memory_space<hbm>>
      tpu.wait_indirect_dma semaphore(%arg15 : memref<!tpu.dma_semaphore, #tpu.memory_space<semaphore_mem>>) src(%dma_wait3A_48 : memref<25088x128xf32, #tpu.memory_space<hbm>>) dst(%arg9 : memref<112x128xf32, #tpu.memory_space<vmem>>)
      %scan3A_49 = arith.constant 0 : i32
      %scan3A_50 = arith.constant 0 : i32
      %scan3A_51 = arith.constant 112 : i32
      %scan3A_52 = arith.addi %scan3A_50, %scan3A_51 : i32
      %scan3A_53 = arith.constant 1 : i32
      scf.for %scan3A_55 = %scan3A_50 to %scan3A_52 step %scan3A_53  : i32 {
        %get3A = arith.index_cast %scan3A_55 : i32 to index
        %get3A_56 = tpu.vector_load %arg8[%get3A] {strides = array<i32>} : memref<128xi32, #tpu.memory_space<vmem>>, vector<16xi32>,
        %get3A_57 = vector.shape_cast %get3A_56 : vector<16xi32> to vector<16xi32>
        %slice3A = vector.extract_strided_slice %get3A_57 {offsets = [0], sizes = [1], strides = [1]} : vector<16xi32> to vector<1xi32>
        %squeeze3A = vector.extract %slice3A[0] : i32 from vector<1xi32>
        %get3A_58 = arith.index_cast %scan3A_55 : i32 to index
        %get3A_59 = arith.constant 0 : index
        %get3A_60 = tpu.vector_load %arg9[%get3A_58, %get3A_59] {strides = array<i32>} : memref<112x128xf32, #tpu.memory_space<vmem>>, vector<1x16xf32>,
        %get3A_61 = vector.shape_cast %get3A_60 : vector<1x16xf32> to vector<16xf32>
        %get3A_62 = arith.index_cast %scan3A_55 : i32 to index
        %get3A_63 = arith.constant 0 : index
        %get3A_64 = tpu.vector_load %arg10[%get3A_62, %get3A_63] {strides = array<i32>} : memref<112x128xf32, #tpu.memory_space<vmem>>, vector<1x16xf32>,
        %get3A_65 = vector.shape_cast %get3A_64 : vector<1x16xf32> to vector<16xf32>
        %add3A_66 = arith.addf %get3A_61, %get3A_65 : vector<16xf32>
        %max3A = arith.constant 0.000000e+00 : f32
        %max3A_67 = vector.broadcast %max3A : f32 to vector<16xf32>
        %max3A_68 = arith.maximumf %add3A_66, %max3A_67 : vector<16xf32>
        %get3A_69 = arith.index_cast %squeeze3A : i32 to index
        %get3A_70 = arith.constant 0 : index
        %get3A_71 = tpu.vector_load %arg11[%get3A_69, %get3A_70] {strides = array<i32>} : memref<784x128xf32, #tpu.memory_space<vmem>>, vector<1x16xf32>,
        %get3A_72 = vector.shape_cast %get3A_71 : vector<1x16xf32> to vector<16xf32>
        %add3A_73 = arith.addf %get3A_72, %max3A_68 : vector<16xf32>
        %swap3A = arith.index_cast %squeeze3A : i32 to index
        %swap3A_74 = arith.constant 0 : index
        %swap3A_75 = tpu.vector_load %arg11[%swap3A, %swap3A_74] {strides = array<i32>} : memref<784x128xf32, #tpu.memory_space<vmem>>, vector<1x16xf32>,
        %swap3A_76 = vector.shape_cast %swap3A_75 : vector<1x16xf32> to vector<16xf32>
        %swap3A_77 = vector.shape_cast %add3A_73 : vector<16xf32> to vector<1x16xf32>
        tpu.vector_store %arg11[%swap3A, %swap3A_74], %swap3A_77 {strides = array<i32>} : memref<784x128xf32, #tpu.memory_space<vmem>>, vector<1x16xf32>,
        %get3A_78 = arith.index_cast %scan3A_55 : i32 to index
        %get3A_79 = arith.constant 16 : index
        %get3A_80 = tpu.vector_load %arg9[%get3A_78, %get3A_79] {strides = array<i32>} : memref<112x128xf32, #tpu.memory_space<vmem>>, vector<1x16xf32>,
        %get3A_81 = vector.shape_cast %get3A_80 : vector<1x16xf32> to vector<16xf32>
        %get3A_82 = arith.index_cast %scan3A_55 : i32 to index
        %get3A_83 = arith.constant 16 : index
        %get3A_84 = tpu.vector_load %arg10[%get3A_82, %get3A_83] {strides = array<i32>} : memref<112x128xf32, #tpu.memory_space<vmem>>, vector<1x16xf32>,
        %get3A_85 = vector.shape_cast %get3A_84 : vector<1x16xf32> to vector<16xf32>
        %add3A_86 = arith.addf %get3A_81, %get3A_85 : vector<16xf32>
        %max3A_87 = arith.constant 0.000000e+00 : f32
        %max3A_88 = vector.broadcast %max3A_87 : f32 to vector<16xf32>
        %max3A_89 = arith.maximumf %add3A_86, %max3A_88 : vector<16xf32>
        %get3A_90 = arith.index_cast %squeeze3A : i32 to index
        %get3A_91 = arith.constant 16 : index
        %get3A_92 = tpu.vector_load %arg11[%get3A_90, %get3A_91] {strides = array<i32>} : memref<784x128xf32, #tpu.memory_space<vmem>>, vector<1x16xf32>,
        %get3A_93 = vector.shape_cast %get3A_92 : vector<1x16xf32> to vector<16xf32>
        %add3A_94 = arith.addf %get3A_93, %max3A_89 : vector<16xf32>
        %swap3A_95 = arith.index_cast %squeeze3A : i32 to index
        %swap3A_96 = arith.constant 16 : index
        %swap3A_97 = tpu.vector_load %arg11[%swap3A_95, %swap3A_96] {strides = array<i32>} : memref<784x128xf32, #tpu.memory_space<vmem>>, vector<1x16xf32>,
        %swap3A_98 = vector.shape_cast %swap3A_97 : vector<1x16xf32> to vector<16xf32>
        %swap3A_99 = vector.shape_cast %add3A_94 : vector<16xf32> to vector<1x16xf32>
        tpu.vector_store %arg11[%swap3A_95, %swap3A_96], %swap3A_99 {strides = array<i32>} : memref<784x128xf32, #tpu.memory_space<vmem>>, vector<1x16xf32>,
        %get3A_100 = arith.index_cast %scan3A_55 : i32 to index
        %get3A_101 = arith.constant 32 : index
        %get3A_102 = tpu.vector_load %arg9[%get3A_100, %get3A_101] {strides = array<i32>} : memref<112x128xf32, #tpu.memory_space<vmem>>, vector<1x16xf32>,
        %get3A_103 = vector.shape_cast %get3A_102 : vector<1x16xf32> to vector<16xf32>
        %get3A_104 = arith.index_cast %scan3A_55 : i32 to index
        %get3A_105 = arith.constant 32 : index
        %get3A_106 = tpu.vector_load %arg10[%get3A_104, %get3A_105] {strides = array<i32>} : memref<112x128xf32, #tpu.memory_space<vmem>>, vector<1x16xf32>,
        %get3A_107 = vector.shape_cast %get3A_106 : vector<1x16xf32> to vector<16xf32>
        %add3A_108 = arith.addf %get3A_103, %get3A_107 : vector<16xf32>
        %max3A_109 = arith.constant 0.000000e+00 : f32
        %max3A_110 = vector.broadcast %max3A_109 : f32 to vector<16xf32>
        %max3A_111 = arith.maximumf %add3A_108, %max3A_110 : vector<16xf32>
        %get3A_112 = arith.index_cast %squeeze3A : i32 to index
        %get3A_113 = arith.constant 32 : index
        %get3A_114 = tpu.vector_load %arg11[%get3A_112, %get3A_113] {strides = array<i32>} : memref<784x128xf32, #tpu.memory_space<vmem>>, vector<1x16xf32>,
        %get3A_115 = vector.shape_cast %get3A_114 : vector<1x16xf32> to vector<16xf32>
        %add3A_116 = arith.addf %get3A_115, %max3A_111 : vector<16xf32>
        %swap3A_117 = arith.index_cast %squeeze3A : i32 to index
        %swap3A_118 = arith.constant 32 : index
        %swap3A_119 = tpu.vector_load %arg11[%swap3A_117, %swap3A_118] {strides = array<i32>} : memref<784x128xf32, #tpu.memory_space<vmem>>, vector<1x16xf32>,
        %swap3A_120 = vector.shape_cast %swap3A_119 : vector<1x16xf32> to vector<16xf32>
        %swap3A_121 = vector.shape_cast %add3A_116 : vector<16xf32> to vector<1x16xf32>
        tpu.vector_store %arg11[%swap3A_117, %swap3A_118], %swap3A_121 {strides = array<i32>} : memref<784x128xf32, #tpu.memory_space<vmem>>, vector<1x16xf32>,
        %get3A_122 = arith.index_cast %scan3A_55 : i32 to index
        %get3A_123 = arith.constant 48 : index
        %get3A_124 = tpu.vector_load %arg9[%get3A_122, %get3A_123] {strides = array<i32>} : memref<112x128xf32, #tpu.memory_space<vmem>>, vector<1x16xf32>,
        %get3A_125 = vector.shape_cast %get3A_124 : vector<1x16xf32> to vector<16xf32>
        %get3A_126 = arith.index_cast %scan3A_55 : i32 to index
        %get3A_127 = arith.constant 48 : index
        %get3A_128 = tpu.vector_load %arg10[%get3A_126, %get3A_127] {strides = array<i32>} : memref<112x128xf32, #tpu.memory_space<vmem>>, vector<1x16xf32>,
        %get3A_129 = vector.shape_cast %get3A_128 : vector<1x16xf32> to vector<16xf32>
        %add3A_130 = arith.addf %get3A_125, %get3A_129 : vector<16xf32>
        %max3A_131 = arith.constant 0.000000e+00 : f32
        %max3A_132 = vector.broadcast %max3A_131 : f32 to vector<16xf32>
        %max3A_133 = arith.maximumf %add3A_130, %max3A_132 : vector<16xf32>
        %get3A_134 = arith.index_cast %squeeze3A : i32 to index
        %get3A_135 = arith.constant 48 : index
        %get3A_136 = tpu.vector_load %arg11[%get3A_134, %get3A_135] {strides = array<i32>} : memref<784x128xf32, #tpu.memory_space<vmem>>, vector<1x16xf32>,
        %get3A_137 = vector.shape_cast %get3A_136 : vector<1x16xf32> to vector<16xf32>
        %add3A_138 = arith.addf %get3A_137, %max3A_133 : vector<16xf32>
        %swap3A_139 = arith.index_cast %squeeze3A : i32 to index
        %swap3A_140 = arith.constant 48 : index
        %swap3A_141 = tpu.vector_load %arg11[%swap3A_139, %swap3A_140] {strides = array<i32>} : memref<784x128xf32, #tpu.memory_space<vmem>>, vector<1x16xf32>,
        %swap3A_142 = vector.shape_cast %swap3A_141 : vector<1x16xf32> to vector<16xf32>
        %swap3A_143 = vector.shape_cast %add3A_138 : vector<16xf32> to vector<1x16xf32>
        tpu.vector_store %arg11[%swap3A_139, %swap3A_140], %swap3A_143 {strides = array<i32>} : memref<784x128xf32, #tpu.memory_space<vmem>>, vector<1x16xf32>,
        %get3A_144 = arith.index_cast %scan3A_55 : i32 to index
        %get3A_145 = arith.constant 64 : index
        %get3A_146 = tpu.vector_load %arg9[%get3A_144, %get3A_145] {strides = array<i32>} : memref<112x128xf32, #tpu.memory_space<vmem>>, vector<1x16xf32>,
        %get3A_147 = vector.shape_cast %get3A_146 : vector<1x16xf32> to vector<16xf32>
        %get3A_148 = arith.index_cast %scan3A_55 : i32 to index
        %get3A_149 = arith.constant 64 : index
        %get3A_150 = tpu.vector_load %arg10[%get3A_148, %get3A_149] {strides = array<i32>} : memref<112x128xf32, #tpu.memory_space<vmem>>, vector<1x16xf32>,
        %get3A_151 = vector.shape_cast %get3A_150 : vector<1x16xf32> to vector<16xf32>
        %add3A_152 = arith.addf %get3A_147, %get3A_151 : vector<16xf32>
        %max3A_153 = arith.constant 0.000000e+00 : f32
        %max3A_154 = vector.broadcast %max3A_153 : f32 to vector<16xf32>
        %max3A_155 = arith.maximumf %add3A_152, %max3A_154 : vector<16xf32>
        %get3A_156 = arith.index_cast %squeeze3A : i32 to index
        %get3A_157 = arith.constant 64 : index
        %get3A_158 = tpu.vector_load %arg11[%get3A_156, %get3A_157] {strides = array<i32>} : memref<784x128xf32, #tpu.memory_space<vmem>>, vector<1x16xf32>,
        %get3A_159 = vector.shape_cast %get3A_158 : vector<1x16xf32> to vector<16xf32>
        %add3A_160 = arith.addf %get3A_159, %max3A_155 : vector<16xf32>
        %swap3A_161 = arith.index_cast %squeeze3A : i32 to index
        %swap3A_162 = arith.constant 64 : index
        %swap3A_163 = tpu.vector_load %arg11[%swap3A_161, %swap3A_162] {strides = array<i32>} : memref<784x128xf32, #tpu.memory_space<vmem>>, vector<1x16xf32>,
        %swap3A_164 = vector.shape_cast %swap3A_163 : vector<1x16xf32> to vector<16xf32>
        %swap3A_165 = vector.shape_cast %add3A_160 : vector<16xf32> to vector<1x16xf32>
        tpu.vector_store %arg11[%swap3A_161, %swap3A_162], %swap3A_165 {strides = array<i32>} : memref<784x128xf32, #tpu.memory_space<vmem>>, vector<1x16xf32>,
        %get3A_166 = arith.index_cast %scan3A_55 : i32 to index
        %get3A_167 = arith.constant 80 : index
        %get3A_168 = tpu.vector_load %arg9[%get3A_166, %get3A_167] {strides = array<i32>} : memref<112x128xf32, #tpu.memory_space<vmem>>, vector<1x16xf32>,
        %get3A_169 = vector.shape_cast %get3A_168 : vector<1x16xf32> to vector<16xf32>
        %get3A_170 = arith.index_cast %scan3A_55 : i32 to index
        %get3A_171 = arith.constant 80 : index
        %get3A_172 = tpu.vector_load %arg10[%get3A_170, %get3A_171] {strides = array<i32>} : memref<112x128xf32, #tpu.memory_space<vmem>>, vector<1x16xf32>,
        %get3A_173 = vector.shape_cast %get3A_172 : vector<1x16xf32> to vector<16xf32>
        %add3A_174 = arith.addf %get3A_169, %get3A_173 : vector<16xf32>
        %max3A_175 = arith.constant 0.000000e+00 : f32
        %max3A_176 = vector.broadcast %max3A_175 : f32 to vector<16xf32>
        %max3A_177 = arith.maximumf %add3A_174, %max3A_176 : vector<16xf32>
        %get3A_178 = arith.index_cast %squeeze3A : i32 to index
        %get3A_179 = arith.constant 80 : index
        %get3A_180 = tpu.vector_load %arg11[%get3A_178, %get3A_179] {strides = array<i32>} : memref<784x128xf32, #tpu.memory_space<vmem>>, vector<1x16xf32>,
        %get3A_181 = vector.shape_cast %get3A_180 : vector<1x16xf32> to vector<16xf32>
        %add3A_182 = arith.addf %get3A_181, %max3A_177 : vector<16xf32>
        %swap3A_183 = arith.index_cast %squeeze3A : i32 to index
        %swap3A_184 = arith.constant 80 : index
        %swap3A_185 = tpu.vector_load %arg11[%swap3A_183, %swap3A_184] {strides = array<i32>} : memref<784x128xf32, #tpu.memory_space<vmem>>, vector<1x16xf32>,
        %swap3A_186 = vector.shape_cast %swap3A_185 : vector<1x16xf32> to vector<16xf32>
        %swap3A_187 = vector.shape_cast %add3A_182 : vector<16xf32> to vector<1x16xf32>
        tpu.vector_store %arg11[%swap3A_183, %swap3A_184], %swap3A_187 {strides = array<i32>} : memref<784x128xf32, #tpu.memory_space<vmem>>, vector<1x16xf32>,
        %get3A_188 = arith.index_cast %scan3A_55 : i32 to index
        %get3A_189 = arith.constant 96 : index
        %get3A_190 = tpu.vector_load %arg9[%get3A_188, %get3A_189] {strides = array<i32>} : memref<112x128xf32, #tpu.memory_space<vmem>>, vector<1x16xf32>,
        %get3A_191 = vector.shape_cast %get3A_190 : vector<1x16xf32> to vector<16xf32>
        %get3A_192 = arith.index_cast %scan3A_55 : i32 to index
        %get3A_193 = arith.constant 96 : index
        %get3A_194 = tpu.vector_load %arg10[%get3A_192, %get3A_193] {strides = array<i32>} : memref<112x128xf32, #tpu.memory_space<vmem>>, vector<1x16xf32>,
        %get3A_195 = vector.shape_cast %get3A_194 : vector<1x16xf32> to vector<16xf32>
        %add3A_196 = arith.addf %get3A_191, %get3A_195 : vector<16xf32>
        %max3A_197 = arith.constant 0.000000e+00 : f32
        %max3A_198 = vector.broadcast %max3A_197 : f32 to vector<16xf32>
        %max3A_199 = arith.maximumf %add3A_196, %max3A_198 : vector<16xf32>
        %get3A_200 = arith.index_cast %squeeze3A : i32 to index
        %get3A_201 = arith.constant 96 : index
        %get3A_202 = tpu.vector_load %arg11[%get3A_200, %get3A_201] {strides = array<i32>} : memref<784x128xf32, #tpu.memory_space<vmem>>, vector<1x16xf32>,
        %get3A_203 = vector.shape_cast %get3A_202 : vector<1x16xf32> to vector<16xf32>
        %add3A_204 = arith.addf %get3A_203, %max3A_199 : vector<16xf32>
        %swap3A_205 = arith.index_cast %squeeze3A : i32 to index
        %swap3A_206 = arith.constant 96 : index
        %swap3A_207 = tpu.vector_load %arg11[%swap3A_205, %swap3A_206] {strides = array<i32>} : memref<784x128xf32, #tpu.memory_space<vmem>>, vector<1x16xf32>,
        %swap3A_208 = vector.shape_cast %swap3A_207 : vector<1x16xf32> to vector<16xf32>
        %swap3A_209 = vector.shape_cast %add3A_204 : vector<16xf32> to vector<1x16xf32>
        tpu.vector_store %arg11[%swap3A_205, %swap3A_206], %swap3A_209 {strides = array<i32>} : memref<784x128xf32, #tpu.memory_space<vmem>>, vector<1x16xf32>,
        %get3A_210 = arith.index_cast %scan3A_55 : i32 to index
        %get3A_211 = arith.constant 112 : index
        %get3A_212 = tpu.vector_load %arg9[%get3A_210, %get3A_211] {strides = array<i32>} : memref<112x128xf32, #tpu.memory_space<vmem>>, vector<1x16xf32>,
        %get3A_213 = vector.shape_cast %get3A_212 : vector<1x16xf32> to vector<16xf32>
        %get3A_214 = arith.index_cast %scan3A_55 : i32 to index
        %get3A_215 = arith.constant 112 : index
        %get3A_216 = tpu.vector_load %arg10[%get3A_214, %get3A_215] {strides = array<i32>} : memref<112x128xf32, #tpu.memory_space<vmem>>, vector<1x16xf32>,
        %get3A_217 = vector.shape_cast %get3A_216 : vector<1x16xf32> to vector<16xf32>
        %add3A_218 = arith.addf %get3A_213, %get3A_217 : vector<16xf32>
        %max3A_219 = arith.constant 0.000000e+00 : f32
        %max3A_220 = vector.broadcast %max3A_219 : f32 to vector<16xf32>
        %max3A_221 = arith.maximumf %add3A_218, %max3A_220 : vector<16xf32>
        %get3A_222 = arith.index_cast %squeeze3A : i32 to index
        %get3A_223 = arith.constant 112 : index
        %get3A_224 = tpu.vector_load %arg11[%get3A_222, %get3A_223] {strides = array<i32>} : memref<784x128xf32, #tpu.memory_space<vmem>>, vector<1x16xf32>,
        %get3A_225 = vector.shape_cast %get3A_224 : vector<1x16xf32> to vector<16xf32>
        %add3A_226 = arith.addf %get3A_225, %max3A_221 : vector<16xf32>
        %swap3A_227 = arith.index_cast %squeeze3A : i32 to index
        %swap3A_228 = arith.constant 112 : index
        %swap3A_229 = tpu.vector_load %arg11[%swap3A_227, %swap3A_228] {strides = array<i32>} : memref<784x128xf32, #tpu.memory_space<vmem>>, vector<1x16xf32>,
        %swap3A_230 = vector.shape_cast %swap3A_229 : vector<1x16xf32> to vector<16xf32>
        %swap3A_231 = vector.shape_cast %add3A_226 : vector<16xf32> to vector<1x16xf32>
        tpu.vector_store %arg11[%swap3A_227, %swap3A_228], %swap3A_231 {strides = array<i32>} : memref<784x128xf32, #tpu.memory_space<vmem>>, vector<1x16xf32>,
      }
      %scan3A_54 = arith.constant 112 : i32
    }
    %scan3A_14 = arith.constant 112 : i32
    %mul3A_15 = arith.constant 784 : i32
    %mul3A_16 = arith.muli %add3A, %mul3A_15 : i32
    "tpu.region"() ({
      %run_scoped3A = tpu.sem_alloc : memref<!tpu.dma_semaphore, #tpu.memory_space<semaphore_mem>>
      %dma_start3A = arith.constant 0 : i32
      %dma_start3A_17 = tpu.memref_slice %arg6[%mul3A_16, %dma_start3A] : memref<25088x128xf32, #tpu.memory_space<hbm>> -> memref<784x128xf32, #tpu.memory_space<hbm>>
      %dma_start3A_18 = arith.constant 0 : i32
      %dma_start3A_19 = tpu.memref_slice %arg6[%mul3A_16, %dma_start3A_18] : memref<25088x128xf32, #tpu.memory_space<hbm>> -> memref<784x128xf32, #tpu.memory_space<hbm>>
      tpu.enqueue_dma source(%arg11 : memref<784x128xf32, #tpu.memory_space<vmem>>) target(%dma_start3A_19 : memref<784x128xf32, #tpu.memory_space<hbm>>) target_semaphore(%run_scoped3A : memref<!tpu.dma_semaphore, #tpu.memory_space<semaphore_mem>>)
      %dma_wait3A = arith.constant 0 : i32
      %dma_wait3A_20 = tpu.memref_slice %arg6[%mul3A_16, %dma_wait3A] : memref<25088x128xf32, #tpu.memory_space<hbm>> -> memref<784x128xf32, #tpu.memory_space<hbm>>
      %dma_wait3A_21 = arith.constant 0 : i32
      %dma_wait3A_22 = tpu.memref_slice %arg6[%mul3A_16, %dma_wait3A_21] : memref<25088x128xf32, #tpu.memory_space<hbm>> -> memref<784x128xf32, #tpu.memory_space<hbm>>
      tpu.wait_dma2 semaphore(%run_scoped3A : memref<!tpu.dma_semaphore, #tpu.memory_space<semaphore_mem>>) src(%arg11 : memref<784x128xf32, #tpu.memory_space<vmem>>) dst(%dma_wait3A_22 : memref<784x128xf32, #tpu.memory_space<hbm>>)
      tpu.yield
    }) : () -> ()
    return
  }
}

module attributes {stable_mosaic.version = 14 : i64} {
  func.func @_prep_body(%arg0: i32, %arg1: memref<1x3136x2xi32, #tpu.memory_space<vmem>>, %arg2: memref<1x3136x1xi32, #tpu.memory_space<vmem>>, %arg3: memref<1x3136x1xi32, #tpu.memory_space<vmem>>) attributes {dimension_semantics = [#tpu.dimension_semantics<arbitrary>], iteration_bounds = array<i64: 128>, scalar_prefetch = 0 : i64, scratch_operands = 0 : i64, tpu.core_type = #tpu.core_type<tc>, window_params = [{transform_indices = @transform_0, window_bounds = array<i64: 1, 3136, 2>}, {transform_indices = @transform_1, window_bounds = array<i64: 1, 3136, 1>}, {transform_indices = @transform_2, window_bounds = array<i64: 1, 3136, 1>}]} {
    %get3A = arith.constant 0 : index
    %get3A_0 = arith.constant 0 : index
    %get3A_1 = arith.constant 0 : index
    %get3A_2 = vector.load %arg1[%get3A, %get3A_0, %get3A_1] : memref<1x3136x2xi32, #tpu.memory_space<vmem>>, vector<1x3136x1xi32>
    %get3A_3 = vector.shape_cast %get3A_2 : vector<1x3136x1xi32> to vector<3136x1xi32>
    %mul3A = arith.constant 196 : i32
    %mul3A_4 = arith.muli %arg0, %mul3A : i32
    %add3A = vector.broadcast %mul3A_4 : i32 to vector<3136x1xi32>
    %add3A_5 = arith.addi %get3A_3, %add3A : vector<3136x1xi32>
    %swap3A = arith.constant 0 : index
    %swap3A_6 = arith.constant 0 : index
    %swap3A_7 = arith.constant 0 : index
    %swap3A_8 = vector.load %arg2[%swap3A, %swap3A_6, %swap3A_7] : memref<1x3136x1xi32, #tpu.memory_space<vmem>>, vector<1x3136x1xi32>
    %swap3A_9 = vector.shape_cast %swap3A_8 : vector<1x3136x1xi32> to vector<3136x1xi32>
    %swap3A_10 = vector.shape_cast %add3A_5 : vector<3136x1xi32> to vector<1x3136x1xi32>
    tpu.vector_store %arg2[%swap3A, %swap3A_6, %swap3A_7], %swap3A_10 {strides = array<i32>} : memref<1x3136x1xi32, #tpu.memory_space<vmem>>, vector<1x3136x1xi32>,
    %get3A_11 = arith.constant 0 : index
    %get3A_12 = arith.constant 0 : index
    %get3A_13 = arith.constant 1 : index
    %get3A_14 = vector.load %arg1[%get3A_11, %get3A_12, %get3A_13] : memref<1x3136x2xi32, #tpu.memory_space<vmem>>, vector<1x3136x1xi32>
    %get3A_15 = vector.shape_cast %get3A_14 : vector<1x3136x1xi32> to vector<3136x1xi32>
    %jit3A = arith.constant 4 : i32
    %eq3A = arith.constant 0 : i32
    %eq3A_16 = arith.cmpi eq, %jit3A, %eq3A : i32
    %jit3A_17 = arith.constant 1 : i32
    %select_n3A = arith.select %eq3A_16, %jit3A_17, %jit3A : i32
    %rem3A = arith.remsi %arg0, %select_n3A : i32
    %ne3A = arith.constant 0 : i32
    %ne3A_18 = arith.cmpi ne, %rem3A, %ne3A : i32
    %lt3A = arith.constant 0 : i32
    %lt3A_19 = arith.cmpi slt, %rem3A, %lt3A : i32
    %lt3A_20 = arith.constant 0 : i32
    %lt3A_21 = arith.cmpi slt, %select_n3A, %lt3A_20 : i32
    %ne3A_22 = arith.xori %lt3A_19, %lt3A_21 : i1
    %and3A = arith.andi %ne3A_22, %ne3A_18 : i1
    %add3A_23 = arith.addi %rem3A, %select_n3A : i32
    %select_n3A_24 = arith.select %and3A, %add3A_23, %rem3A : i32
    %mul3A_25 = arith.constant 196 : i32
    %mul3A_26 = arith.muli %select_n3A_24, %mul3A_25 : i32
    %add3A_27 = vector.broadcast %mul3A_26 : i32 to vector<3136x1xi32>
    %add3A_28 = arith.addi %get3A_15, %add3A_27 : vector<3136x1xi32>
    %swap3A_29 = arith.constant 0 : index
    %swap3A_30 = arith.constant 0 : index
    %swap3A_31 = arith.constant 0 : index
    %swap3A_32 = vector.load %arg3[%swap3A_29, %swap3A_30, %swap3A_31] : memref<1x3136x1xi32, #tpu.memory_space<vmem>>, vector<1x3136x1xi32>
    %swap3A_33 = vector.shape_cast %swap3A_32 : vector<1x3136x1xi32> to vector<3136x1xi32>
    %swap3A_34 = vector.shape_cast %add3A_28 : vector<3136x1xi32> to vector<1x3136x1xi32>
    tpu.vector_store %arg3[%swap3A_29, %swap3A_30, %swap3A_31], %swap3A_34 {strides = array<i32>} : memref<1x3136x1xi32, #tpu.memory_space<vmem>>, vector<1x3136x1xi32>,
    return
  }
  func.func @transform_0(%arg0: i32) -> (i32, i32, i32) {
    %c0_i32 = arith.constant 0 : i32
    %c0_i32_0 = arith.constant 0 : i32
    %c0_i32_1 = arith.constant 0 : i32
    return %arg0, %c0_i32, %c0_i32_0 : i32, i32, i32
  }
  func.func @transform_1(%arg0: i32) -> (i32, i32, i32) {
    %c0_i32 = arith.constant 0 : i32
    %c0_i32_0 = arith.constant 0 : i32
    %c0_i32_1 = arith.constant 0 : i32
    return %arg0, %c0_i32, %c0_i32_0 : i32, i32, i32
  }
  func.func @transform_2(%arg0: i32) -> (i32, i32, i32) {
    %c0_i32 = arith.constant 0 : i32
    %c0_i32_0 = arith.constant 0 : i32
    %c0_i32_1 = arith.constant 0 : i32
    return %arg0, %c0_i32, %c0_i32_0 : i32, i32, i32
  }
}

module attributes {stable_mosaic.version = 14 : i64} {
  func.func @_enc_body(%arg0: i32, %arg1: memref<3136x9xf32, #tpu.memory_space<vmem>>, %arg2: memref<9x128xf32, #tpu.memory_space<vmem>>, %arg3: memref<1x128xf32, #tpu.memory_space<vmem>>, %arg4: memref<3136x128xf32, #tpu.memory_space<vmem>>) attributes {dimension_semantics = [#tpu.dimension_semantics<arbitrary>], iteration_bounds = array<i64: 8>, scalar_prefetch = 0 : i64, scratch_operands = 0 : i64, tpu.core_type = #tpu.core_type<tc>, window_params = [{transform_indices = @transform_0, window_bounds = array<i64: 3136, 9>}, {pipeline_mode = #tpu.pipeline_mode<synchronous>, transform_indices = @transform_1, window_bounds = array<i64: 9, 128>}, {pipeline_mode = #tpu.pipeline_mode<synchronous>, transform_indices = @transform_2, window_bounds = array<i64: 1, 128>}, {transform_indices = @transform_3, window_bounds = array<i64: 3136, 128>}]} {
    %get3A = arith.constant 0 : index
    %get3A_0 = arith.constant 0 : index
    %get3A_1 = vector.load %arg1[%get3A, %get3A_0] : memref<3136x9xf32, #tpu.memory_space<vmem>>, vector<3136x9xf32>
    %get3A_2 = arith.constant 0 : index
    %get3A_3 = arith.constant 0 : index
    %get3A_4 = vector.load %arg2[%get3A_2, %get3A_3] : memref<9x128xf32, #tpu.memory_space<vmem>>, vector<9x128xf32>
    %convert_element_type3A = arith.truncf %get3A_1 : vector<3136x9xf32> to vector<3136x9xbf16>
    %convert_element_type3A_5 = arith.truncf %get3A_4 : vector<9x128xf32> to vector<9x128xbf16>
    %dot_general3A = arith.constant dense<0.000000e+00> : vector<3136x128xf32>
    %dot_general3A_6 = tpu.matmul %convert_element_type3A, %convert_element_type3A_5, %dot_general3A {dimension_numbers = #tpu.dot_dimension_numbers<[1], [0], [0], [1], [0, 0, 1, 1], [], []>, transpose_lhs_hint = false} : vector<3136x9xbf16>, vector<9x128xbf16>, vector<3136x128xf32> -> vector<3136x128xf32>
    %get3A_7 = arith.constant 0 : index
    %get3A_8 = arith.constant 0 : index
    %get3A_9 = vector.load %arg3[%get3A_7, %get3A_8] : memref<1x128xf32, #tpu.memory_space<vmem>>, vector<1x128xf32>
    %add3A = vector.broadcast %get3A_9 : vector<1x128xf32> to vector<3136x128xf32>
    %add3A_10 = arith.addf %dot_general3A_6, %add3A : vector<3136x128xf32>
    %swap3A = arith.constant 0 : index
    %swap3A_11 = arith.constant 0 : index
    %swap3A_12 = vector.load %arg4[%swap3A, %swap3A_11] : memref<3136x128xf32, #tpu.memory_space<vmem>>, vector<3136x128xf32>
    tpu.vector_store %arg4[%swap3A, %swap3A_11], %add3A_10 {strides = array<i32>} : memref<3136x128xf32, #tpu.memory_space<vmem>>, vector<3136x128xf32>,
    return
  }
  func.func @transform_0(%arg0: i32) -> (i32, i32) {
    %c0_i32 = arith.constant 0 : i32
    %c0_i32_0 = arith.constant 0 : i32
    return %arg0, %c0_i32 : i32, i32
  }
  func.func @transform_1(%arg0: i32) -> (i32, i32) {
    %c0_i32 = arith.constant 0 : i32
    %c0_i32_0 = arith.constant 0 : i32
    %c0_i32_1 = arith.constant 0 : i32
    return %c0_i32, %c0_i32_0 : i32, i32
  }
  func.func @transform_2(%arg0: i32) -> (i32, i32) {
    %c0_i32 = arith.constant 0 : i32
    %c0_i32_0 = arith.constant 0 : i32
    %c0_i32_1 = arith.constant 0 : i32
    return %c0_i32, %c0_i32_0 : i32, i32
  }
  func.func @transform_3(%arg0: i32) -> (i32, i32) {
    %c0_i32 = arith.constant 0 : i32
    %c0_i32_0 = arith.constant 0 : i32
    return %arg0, %c0_i32 : i32, i32
  }
}

module attributes {stable_mosaic.version = 14 : i64} {
  func.func @_eemb_body(%arg0: i32, %arg1: memref<1x3136x3xf32, #tpu.memory_space<vmem>>, %arg2: memref<3x128xf32, #tpu.memory_space<vmem>>, %arg3: memref<1x128xf32, #tpu.memory_space<vmem>>, %arg4: memref<1x3136x128xf32, #tpu.memory_space<vmem>>) attributes {dimension_semantics = [#tpu.dimension_semantics<arbitrary>], iteration_bounds = array<i64: 128>, scalar_prefetch = 0 : i64, scratch_operands = 0 : i64, tpu.core_type = #tpu.core_type<tc>, window_params = [{transform_indices = @transform_0, window_bounds = array<i64: 1, 3136, 3>}, {pipeline_mode = #tpu.pipeline_mode<synchronous>, transform_indices = @transform_1, window_bounds = array<i64: 3, 128>}, {pipeline_mode = #tpu.pipeline_mode<synchronous>, transform_indices = @transform_2, window_bounds = array<i64: 1, 128>}, {transform_indices = @transform_3, window_bounds = array<i64: 1, 3136, 128>}]} {
    %get3A = arith.constant 0 : index
    %get3A_0 = arith.constant 0 : index
    %get3A_1 = arith.constant 0 : index
    %get3A_2 = vector.load %arg1[%get3A, %get3A_0, %get3A_1] : memref<1x3136x3xf32, #tpu.memory_space<vmem>>, vector<1x3136x3xf32>
    %get3A_3 = vector.shape_cast %get3A_2 : vector<1x3136x3xf32> to vector<3136x3xf32>
    %get3A_4 = arith.constant 0 : index
    %get3A_5 = arith.constant 0 : index
    %get3A_6 = vector.load %arg2[%get3A_4, %get3A_5] : memref<3x128xf32, #tpu.memory_space<vmem>>, vector<3x128xf32>
    %convert_element_type3A = arith.truncf %get3A_3 : vector<3136x3xf32> to vector<3136x3xbf16>
    %convert_element_type3A_7 = arith.truncf %get3A_6 : vector<3x128xf32> to vector<3x128xbf16>
    %dot_general3A = arith.constant dense<0.000000e+00> : vector<3136x128xf32>
    %dot_general3A_8 = tpu.matmul %convert_element_type3A, %convert_element_type3A_7, %dot_general3A {dimension_numbers = #tpu.dot_dimension_numbers<[1], [0], [0], [1], [0, 0, 1, 1], [], []>, transpose_lhs_hint = false} : vector<3136x3xbf16>, vector<3x128xbf16>, vector<3136x128xf32> -> vector<3136x128xf32>
    %get3A_9 = arith.constant 0 : index
    %get3A_10 = arith.constant 0 : index
    %get3A_11 = vector.load %arg3[%get3A_9, %get3A_10] : memref<1x128xf32, #tpu.memory_space<vmem>>, vector<1x128xf32>
    %add3A = vector.broadcast %get3A_11 : vector<1x128xf32> to vector<3136x128xf32>
    %add3A_12 = arith.addf %dot_general3A_8, %add3A : vector<3136x128xf32>
    %swap3A = arith.constant 0 : index
    %swap3A_13 = arith.constant 0 : index
    %swap3A_14 = arith.constant 0 : index
    %swap3A_15 = vector.load %arg4[%swap3A, %swap3A_13, %swap3A_14] : memref<1x3136x128xf32, #tpu.memory_space<vmem>>, vector<1x3136x128xf32>
    %swap3A_16 = vector.shape_cast %swap3A_15 : vector<1x3136x128xf32> to vector<3136x128xf32>
    %swap3A_17 = vector.shape_cast %add3A_12 : vector<3136x128xf32> to vector<1x3136x128xf32>
    tpu.vector_store %arg4[%swap3A, %swap3A_13, %swap3A_14], %swap3A_17 {strides = array<i32>} : memref<1x3136x128xf32, #tpu.memory_space<vmem>>, vector<1x3136x128xf32>,
    return
  }
  func.func @transform_0(%arg0: i32) -> (i32, i32, i32) {
    %c0_i32 = arith.constant 0 : i32
    %c0_i32_0 = arith.constant 0 : i32
    %c0_i32_1 = arith.constant 0 : i32
    return %arg0, %c0_i32, %c0_i32_0 : i32, i32, i32
  }
  func.func @transform_1(%arg0: i32) -> (i32, i32) {
    %c0_i32 = arith.constant 0 : i32
    %c0_i32_0 = arith.constant 0 : i32
    %c0_i32_1 = arith.constant 0 : i32
    return %c0_i32, %c0_i32_0 : i32, i32
  }
  func.func @transform_2(%arg0: i32) -> (i32, i32) {
    %c0_i32 = arith.constant 0 : i32
    %c0_i32_0 = arith.constant 0 : i32
    %c0_i32_1 = arith.constant 0 : i32
    return %c0_i32, %c0_i32_0 : i32, i32
  }
  func.func @transform_3(%arg0: i32) -> (i32, i32, i32) {
    %c0_i32 = arith.constant 0 : i32
    %c0_i32_0 = arith.constant 0 : i32
    %c0_i32_1 = arith.constant 0 : i32
    return %arg0, %c0_i32, %c0_i32_0 : i32, i32, i32
  }
}

module attributes {stable_mosaic.version = 14 : i64} {
  func.func @_mlp_body(%arg0: i32, %arg1: memref<1x196x128xf32, #tpu.memory_space<vmem>>, %arg2: memref<1x196x128xf32, #tpu.memory_space<vmem>>, %arg3: memref<128x256xf32, #tpu.memory_space<vmem>>, %arg4: memref<1x256xf32, #tpu.memory_space<vmem>>, %arg5: memref<256x128xf32, #tpu.memory_space<vmem>>, %arg6: memref<1x128xf32, #tpu.memory_space<vmem>>, %arg7: memref<1x1xf32, #tpu.memory_space<vmem>>, %arg8: memref<1x196x128xf32, #tpu.memory_space<vmem>>, %arg9: memref<1x1x128xf32, #tpu.memory_space<vmem>>, %arg10: memref<1x1x128xf32, #tpu.memory_space<vmem>>) attributes {dimension_semantics = [#tpu.dimension_semantics<arbitrary>], iteration_bounds = array<i64: 128>, scalar_prefetch = 0 : i64, scratch_operands = 0 : i64, tpu.core_type = #tpu.core_type<tc>, window_params = [{transform_indices = @transform_0, window_bounds = array<i64: 1, 196, 128>}, {transform_indices = @transform_1, window_bounds = array<i64: 1, 196, 128>}, {pipeline_mode = #tpu.pipeline_mode<synchronous>, transform_indices = @transform_2, window_bounds = array<i64: 128, 256>}, {pipeline_mode = #tpu.pipeline_mode<synchronous>, transform_indices = @transform_3, window_bounds = array<i64: 1, 256>}, {pipeline_mode = #tpu.pipeline_mode<synchronous>, transform_indices = @transform_4, window_bounds = array<i64: 256, 128>}, {pipeline_mode = #tpu.pipeline_mode<synchronous>, transform_indices = @transform_5, window_bounds = array<i64: 1, 128>}, {pipeline_mode = #tpu.pipeline_mode<synchronous>, transform_indices = @transform_6, window_bounds = array<i64: 1, 1>}, {transform_indices = @transform_7, window_bounds = array<i64: 1, 196, 128>}, {transform_indices = @transform_8, window_bounds = array<i64: 1, 1, 128>}, {transform_indices = @transform_9, window_bounds = array<i64: 1, 1, 128>}]} {
    %get3A = arith.constant 0 : index
    %get3A_0 = arith.constant 0 : index
    %get3A_1 = vector.load %arg7[%get3A, %get3A_0] : memref<1x1xf32, #tpu.memory_space<vmem>>, vector<1x1xf32>
    %get3A_2 = vector.extract %get3A_1[0, 0] : f32 from vector<1x1xf32>
    %add3A = arith.constant 1.000000e+00 : f32
    %add3A_3 = arith.addf %add3A, %get3A_2 : f32
    %get3A_4 = arith.constant 0 : index
    %get3A_5 = arith.constant 0 : index
    %get3A_6 = arith.constant 0 : index
    %get3A_7 = vector.load %arg1[%get3A_4, %get3A_5, %get3A_6] : memref<1x196x128xf32, #tpu.memory_space<vmem>>, vector<1x196x128xf32>
    %get3A_8 = vector.shape_cast %get3A_7 : vector<1x196x128xf32> to vector<196x128xf32>
    %mul3A = vector.broadcast %add3A_3 : f32 to vector<196x128xf32>
    %mul3A_9 = arith.mulf %mul3A, %get3A_8 : vector<196x128xf32>
    %get3A_10 = arith.constant 0 : index
    %get3A_11 = arith.constant 0 : index
    %get3A_12 = arith.constant 0 : index
    %get3A_13 = vector.load %arg2[%get3A_10, %get3A_11, %get3A_12] : memref<1x196x128xf32, #tpu.memory_space<vmem>>, vector<1x196x128xf32>
    %get3A_14 = vector.shape_cast %get3A_13 : vector<1x196x128xf32> to vector<196x128xf32>
    %add3A_15 = arith.addf %mul3A_9, %get3A_14 : vector<196x128xf32>
    %get3A_16 = arith.constant 0 : index
    %get3A_17 = arith.constant 0 : index
    %get3A_18 = vector.load %arg3[%get3A_16, %get3A_17] : memref<128x256xf32, #tpu.memory_space<vmem>>, vector<128x256xf32>
    %convert_element_type3A = arith.truncf %add3A_15 : vector<196x128xf32> to vector<196x128xbf16>
    %convert_element_type3A_19 = arith.truncf %get3A_18 : vector<128x256xf32> to vector<128x256xbf16>
    %dot_general3A = arith.constant dense<0.000000e+00> : vector<196x256xf32>
    %dot_general3A_20 = tpu.matmul %convert_element_type3A, %convert_element_type3A_19, %dot_general3A {dimension_numbers = #tpu.dot_dimension_numbers<[1], [0], [0], [1], [0, 0, 1, 1], [], []>, transpose_lhs_hint = false} : vector<196x128xbf16>, vector<128x256xbf16>, vector<196x256xf32> -> vector<196x256xf32>
    %get3A_21 = arith.constant 0 : index
    %get3A_22 = arith.constant 0 : index
    %get3A_23 = vector.load %arg4[%get3A_21, %get3A_22] : memref<1x256xf32, #tpu.memory_space<vmem>>, vector<1x256xf32>
    %add3A_24 = vector.broadcast %get3A_23 : vector<1x256xf32> to vector<196x256xf32>
    %add3A_25 = arith.addf %dot_general3A_20, %add3A_24 : vector<196x256xf32>
    %max3A = arith.constant 0.000000e+00 : f32
    %max3A_26 = vector.broadcast %max3A : f32 to vector<196x256xf32>
    %max3A_27 = arith.maximumf %add3A_25, %max3A_26 : vector<196x256xf32>
    %get3A_28 = arith.constant 0 : index
    %get3A_29 = arith.constant 0 : index
    %get3A_30 = vector.load %arg5[%get3A_28, %get3A_29] : memref<256x128xf32, #tpu.memory_space<vmem>>, vector<256x128xf32>
    %convert_element_type3A_31 = arith.truncf %max3A_27 : vector<196x256xf32> to vector<196x256xbf16>
    %convert_element_type3A_32 = arith.truncf %get3A_30 : vector<256x128xf32> to vector<256x128xbf16>
    %dot_general3A_33 = arith.constant dense<0.000000e+00> : vector<196x128xf32>
    %dot_general3A_34 = tpu.matmul %convert_element_type3A_31, %convert_element_type3A_32, %dot_general3A_33 {dimension_numbers = #tpu.dot_dimension_numbers<[1], [0], [0], [1], [0, 0, 1, 1], [], []>, transpose_lhs_hint = false} : vector<196x256xbf16>, vector<256x128xbf16>, vector<196x128xf32> -> vector<196x128xf32>
    %get3A_35 = arith.constant 0 : index
    %get3A_36 = arith.constant 0 : index
    %get3A_37 = vector.load %arg6[%get3A_35, %get3A_36] : memref<1x128xf32, #tpu.memory_space<vmem>>, vector<1x128xf32>
    %add3A_38 = vector.broadcast %get3A_37 : vector<1x128xf32> to vector<196x128xf32>
    %add3A_39 = arith.addf %dot_general3A_34, %add3A_38 : vector<196x128xf32>
    %swap3A = arith.constant 0 : index
    %swap3A_40 = arith.constant 0 : index
    %swap3A_41 = arith.constant 0 : index
    %swap3A_42 = vector.load %arg8[%swap3A, %swap3A_40, %swap3A_41] : memref<1x196x128xf32, #tpu.memory_space<vmem>>, vector<1x196x128xf32>
    %swap3A_43 = vector.shape_cast %swap3A_42 : vector<1x196x128xf32> to vector<196x128xf32>
    %swap3A_44 = vector.shape_cast %add3A_39 : vector<196x128xf32> to vector<1x196x128xf32>
    tpu.vector_store %arg8[%swap3A, %swap3A_40, %swap3A_41], %swap3A_44 {strides = array<i32>} : memref<1x196x128xf32, #tpu.memory_space<vmem>>, vector<1x196x128xf32>,
    %reduce_sum3A = arith.constant dense<0.000000e+00> : vector<128xf32>
    %reduce_sum3A_45 = vector.multi_reduction <add>, %add3A_39, %reduce_sum3A [0] : vector<196x128xf32> to vector<128xf32>
    %swap3A_46 = arith.constant 0 : index
    %swap3A_47 = arith.constant 0 : index
    %swap3A_48 = arith.constant 0 : index
    %swap3A_49 = vector.load %arg9[%swap3A_46, %swap3A_47, %swap3A_48] : memref<1x1x128xf32, #tpu.memory_space<vmem>>, vector<1x1x128xf32>
    %swap3A_50 = vector.shape_cast %swap3A_49 : vector<1x1x128xf32> to vector<128xf32>
    %swap3A_51 = vector.shape_cast %reduce_sum3A_45 : vector<128xf32> to vector<1x1x128xf32>
    tpu.vector_store %arg9[%swap3A_46, %swap3A_47, %swap3A_48], %swap3A_51 {strides = array<i32>} : memref<1x1x128xf32, #tpu.memory_space<vmem>>, vector<1x1x128xf32>,
    %mul3A_52 = arith.mulf %add3A_39, %add3A_39 : vector<196x128xf32>
    %reduce_sum3A_53 = arith.constant dense<0.000000e+00> : vector<128xf32>
    %reduce_sum3A_54 = vector.multi_reduction <add>, %mul3A_52, %reduce_sum3A_53 [0] : vector<196x128xf32> to vector<128xf32>
    %swap3A_55 = arith.constant 0 : index
    %swap3A_56 = arith.constant 0 : index
    %swap3A_57 = arith.constant 0 : index
    %swap3A_58 = vector.load %arg10[%swap3A_55, %swap3A_56, %swap3A_57] : memref<1x1x128xf32, #tpu.memory_space<vmem>>, vector<1x1x128xf32>
    %swap3A_59 = vector.shape_cast %swap3A_58 : vector<1x1x128xf32> to vector<128xf32>
    %swap3A_60 = vector.shape_cast %reduce_sum3A_54 : vector<128xf32> to vector<1x1x128xf32>
    tpu.vector_store %arg10[%swap3A_55, %swap3A_56, %swap3A_57], %swap3A_60 {strides = array<i32>} : memref<1x1x128xf32, #tpu.memory_space<vmem>>, vector<1x1x128xf32>,
    return
  }
  func.func @transform_0(%arg0: i32) -> (i32, i32, i32) {
    %c0_i32 = arith.constant 0 : i32
    %c0_i32_0 = arith.constant 0 : i32
    %c0_i32_1 = arith.constant 0 : i32
    return %arg0, %c0_i32, %c0_i32_0 : i32, i32, i32
  }
  func.func @transform_1(%arg0: i32) -> (i32, i32, i32) {
    %c0_i32 = arith.constant 0 : i32
    %c0_i32_0 = arith.constant 0 : i32
    %c0_i32_1 = arith.constant 0 : i32
    return %arg0, %c0_i32, %c0_i32_0 : i32, i32, i32
  }
  func.func @transform_2(%arg0: i32) -> (i32, i32) {
    %c0_i32 = arith.constant 0 : i32
    %c0_i32_0 = arith.constant 0 : i32
    %c0_i32_1 = arith.constant 0 : i32
    return %c0_i32, %c0_i32_0 : i32, i32
  }
  func.func @transform_3(%arg0: i32) -> (i32, i32) {
    %c0_i32 = arith.constant 0 : i32
    %c0_i32_0 = arith.constant 0 : i32
    %c0_i32_1 = arith.constant 0 : i32
    return %c0_i32, %c0_i32_0 : i32, i32
  }
  func.func @transform_4(%arg0: i32) -> (i32, i32) {
    %c0_i32 = arith.constant 0 : i32
    %c0_i32_0 = arith.constant 0 : i32
    %c0_i32_1 = arith.constant 0 : i32
    return %c0_i32, %c0_i32_0 : i32, i32
  }
  func.func @transform_5(%arg0: i32) -> (i32, i32) {
    %c0_i32 = arith.constant 0 : i32
    %c0_i32_0 = arith.constant 0 : i32
    %c0_i32_1 = arith.constant 0 : i32
    return %c0_i32, %c0_i32_0 : i32, i32
  }
  func.func @transform_6(%arg0: i32) -> (i32, i32) {
    %c0_i32 = arith.constant 0 : i32
    %c0_i32_0 = arith.constant 0 : i32
    %c0_i32_1 = arith.constant 0 : i32
    return %c0_i32, %c0_i32_0 : i32, i32
  }
  func.func @transform_7(%arg0: i32) -> (i32, i32, i32) {
    %c0_i32 = arith.constant 0 : i32
    %c0_i32_0 = arith.constant 0 : i32
    %c0_i32_1 = arith.constant 0 : i32
    return %arg0, %c0_i32, %c0_i32_0 : i32, i32, i32
  }
  func.func @transform_8(%arg0: i32) -> (i32, i32, i32) {
    %c0_i32 = arith.constant 0 : i32
    %c0_i32_0 = arith.constant 0 : i32
    %c0_i32_1 = arith.constant 0 : i32
    return %arg0, %c0_i32, %c0_i32_0 : i32, i32, i32
  }
  func.func @transform_9(%arg0: i32) -> (i32, i32, i32) {
    %c0_i32 = arith.constant 0 : i32
    %c0_i32_0 = arith.constant 0 : i32
    %c0_i32_1 = arith.constant 0 : i32
    return %arg0, %c0_i32, %c0_i32_0 : i32, i32, i32
  }
}

module attributes {stable_mosaic.version = 14 : i64} {
  func.func @_bn_body(%arg0: i32, %arg1: memref<1x196x128xf32, #tpu.memory_space<vmem>>, %arg2: memref<128x1x128xf32, #tpu.memory_space<vmem>>, %arg3: memref<128x1x128xf32, #tpu.memory_space<vmem>>, %arg4: memref<1x128xf32, #tpu.memory_space<vmem>>, %arg5: memref<1x128xf32, #tpu.memory_space<vmem>>, %arg6: memref<1x196x128xf32, #tpu.memory_space<vmem>>, %arg7: memref<1x1x128xf32, #tpu.memory_space<vmem>>) attributes {dimension_semantics = [#tpu.dimension_semantics<arbitrary>], iteration_bounds = array<i64: 128>, scalar_prefetch = 0 : i64, scratch_operands = 0 : i64, tpu.core_type = #tpu.core_type<tc>, window_params = [{transform_indices = @transform_0, window_bounds = array<i64: 1, 196, 128>}, {pipeline_mode = #tpu.pipeline_mode<synchronous>, transform_indices = @transform_1, window_bounds = array<i64: 128, 1, 128>}, {pipeline_mode = #tpu.pipeline_mode<synchronous>, transform_indices = @transform_2, window_bounds = array<i64: 128, 1, 128>}, {pipeline_mode = #tpu.pipeline_mode<synchronous>, transform_indices = @transform_3, window_bounds = array<i64: 1, 128>}, {pipeline_mode = #tpu.pipeline_mode<synchronous>, transform_indices = @transform_4, window_bounds = array<i64: 1, 128>}, {transform_indices = @transform_5, window_bounds = array<i64: 1, 196, 128>}, {transform_indices = @transform_6, window_bounds = array<i64: 1, 1, 128>}]} {
    %get3A = arith.constant 0 : index
    %get3A_0 = arith.constant 0 : index
    %get3A_1 = arith.constant 0 : index
    %get3A_2 = vector.load %arg2[%get3A, %get3A_0, %get3A_1] : memref<128x1x128xf32, #tpu.memory_space<vmem>>, vector<128x1x128xf32>
    %reduce_sum3A = arith.constant dense<0.000000e+00> : vector<128xf32>
    %reduce_sum3A_3 = vector.multi_reduction <add>, %get3A_2, %reduce_sum3A [0, 1] : vector<128x1x128xf32> to vector<128xf32>
    %get3A_4 = arith.constant 0 : index
    %get3A_5 = arith.constant 0 : index
    %get3A_6 = arith.constant 0 : index
    %get3A_7 = vector.load %arg3[%get3A_4, %get3A_5, %get3A_6] : memref<128x1x128xf32, #tpu.memory_space<vmem>>, vector<128x1x128xf32>
    %reduce_sum3A_8 = arith.constant dense<0.000000e+00> : vector<128xf32>
    %reduce_sum3A_9 = vector.multi_reduction <add>, %get3A_7, %reduce_sum3A_8 [0, 1] : vector<128x1x128xf32> to vector<128xf32>
    %div3A = arith.constant 2.508800e+04 : f32
    %div3A_10 = vector.broadcast %div3A : f32 to vector<128xf32>
    %div3A_11 = arith.divf %reduce_sum3A_3, %div3A_10 : vector<128xf32>
    %broadcast_in_dim3A = vector.shape_cast %div3A_11 : vector<128xf32> to vector<1x128xf32>
    %div3A_12 = arith.constant 2.508800e+04 : f32
    %div3A_13 = vector.broadcast %div3A_12 : f32 to vector<128xf32>
    %div3A_14 = arith.divf %reduce_sum3A_9, %div3A_13 : vector<128xf32>
    %broadcast_in_dim3A_15 = vector.shape_cast %div3A_14 : vector<128xf32> to vector<1x128xf32>
    %mul3A = arith.mulf %broadcast_in_dim3A, %broadcast_in_dim3A : vector<1x128xf32>
    %sub3A = arith.subf %broadcast_in_dim3A_15, %mul3A : vector<1x128xf32>
    %get3A_16 = arith.constant 0 : index
    %get3A_17 = arith.constant 0 : index
    %get3A_18 = arith.constant 0 : index
    %get3A_19 = vector.load %arg1[%get3A_16, %get3A_17, %get3A_18] : memref<1x196x128xf32, #tpu.memory_space<vmem>>, vector<1x196x128xf32>
    %get3A_20 = vector.shape_cast %get3A_19 : vector<1x196x128xf32> to vector<196x128xf32>
    %sub3A_21 = vector.broadcast %broadcast_in_dim3A : vector<1x128xf32> to vector<196x128xf32>
    %sub3A_22 = arith.subf %get3A_20, %sub3A_21 : vector<196x128xf32>
    %add3A = arith.constant 9.99999974E-6 : f32
    %add3A_23 = vector.broadcast %add3A : f32 to vector<1x128xf32>
    %add3A_24 = arith.addf %sub3A, %add3A_23 : vector<1x128xf32>
    %sqrt3A = math.sqrt %add3A_24 : vector<1x128xf32>
    %div3A_25 = vector.broadcast %sqrt3A : vector<1x128xf32> to vector<196x128xf32>
    %div3A_26 = arith.divf %sub3A_22, %div3A_25 : vector<196x128xf32>
    %get3A_27 = arith.constant 0 : index
    %get3A_28 = arith.constant 0 : index
    %get3A_29 = vector.load %arg4[%get3A_27, %get3A_28] : memref<1x128xf32, #tpu.memory_space<vmem>>, vector<1x128xf32>
    %mul3A_30 = vector.broadcast %get3A_29 : vector<1x128xf32> to vector<196x128xf32>
    %mul3A_31 = arith.mulf %div3A_26, %mul3A_30 : vector<196x128xf32>
    %get3A_32 = arith.constant 0 : index
    %get3A_33 = arith.constant 0 : index
    %get3A_34 = vector.load %arg5[%get3A_32, %get3A_33] : memref<1x128xf32, #tpu.memory_space<vmem>>, vector<1x128xf32>
    %add3A_35 = vector.broadcast %get3A_34 : vector<1x128xf32> to vector<196x128xf32>
    %add3A_36 = arith.addf %mul3A_31, %add3A_35 : vector<196x128xf32>
    %max3A = arith.constant 0.000000e+00 : f32
    %max3A_37 = vector.broadcast %max3A : f32 to vector<196x128xf32>
    %max3A_38 = arith.maximumf %add3A_36, %max3A_37 : vector<196x128xf32>
    %swap3A = arith.constant 0 : index
    %swap3A_39 = arith.constant 0 : index
    %swap3A_40 = arith.constant 0 : index
    %swap3A_41 = vector.load %arg6[%swap3A, %swap3A_39, %swap3A_40] : memref<1x196x128xf32, #tpu.memory_space<vmem>>, vector<1x196x128xf32>
    %swap3A_42 = vector.shape_cast %swap3A_41 : vector<1x196x128xf32> to vector<196x128xf32>
    %swap3A_43 = vector.shape_cast %max3A_38 : vector<196x128xf32> to vector<1x196x128xf32>
    tpu.vector_store %arg6[%swap3A, %swap3A_39, %swap3A_40], %swap3A_43 {strides = array<i32>} : memref<1x196x128xf32, #tpu.memory_space<vmem>>, vector<1x196x128xf32>,
    %reduce_sum3A_44 = arith.constant dense<0.000000e+00> : vector<128xf32>
    %reduce_sum3A_45 = vector.multi_reduction <add>, %max3A_38, %reduce_sum3A_44 [0] : vector<196x128xf32> to vector<128xf32>
    %swap3A_46 = arith.constant 0 : index
    %swap3A_47 = arith.constant 0 : index
    %swap3A_48 = arith.constant 0 : index
    %swap3A_49 = vector.load %arg7[%swap3A_46, %swap3A_47, %swap3A_48] : memref<1x1x128xf32, #tpu.memory_space<vmem>>, vector<1x1x128xf32>
    %swap3A_50 = vector.shape_cast %swap3A_49 : vector<1x1x128xf32> to vector<128xf32>
    %swap3A_51 = vector.shape_cast %reduce_sum3A_45 : vector<128xf32> to vector<1x1x128xf32>
    tpu.vector_store %arg7[%swap3A_46, %swap3A_47, %swap3A_48], %swap3A_51 {strides = array<i32>} : memref<1x1x128xf32, #tpu.memory_space<vmem>>, vector<1x1x128xf32>,
    return
  }
  func.func @transform_0(%arg0: i32) -> (i32, i32, i32) {
    %c0_i32 = arith.constant 0 : i32
    %c0_i32_0 = arith.constant 0 : i32
    %c0_i32_1 = arith.constant 0 : i32
    return %arg0, %c0_i32, %c0_i32_0 : i32, i32, i32
  }
  func.func @transform_1(%arg0: i32) -> (i32, i32, i32) {
    %c0_i32 = arith.constant 0 : i32
    %c0_i32_0 = arith.constant 0 : i32
    %c0_i32_1 = arith.constant 0 : i32
    %c0_i32_2 = arith.constant 0 : i32
    return %c0_i32, %c0_i32_0, %c0_i32_1 : i32, i32, i32
  }
  func.func @transform_2(%arg0: i32) -> (i32, i32, i32) {
    %c0_i32 = arith.constant 0 : i32
    %c0_i32_0 = arith.constant 0 : i32
    %c0_i32_1 = arith.constant 0 : i32
    %c0_i32_2 = arith.constant 0 : i32
    return %c0_i32, %c0_i32_0, %c0_i32_1 : i32, i32, i32
  }
  func.func @transform_3(%arg0: i32) -> (i32, i32) {
    %c0_i32 = arith.constant 0 : i32
    %c0_i32_0 = arith.constant 0 : i32
    %c0_i32_1 = arith.constant 0 : i32
    return %c0_i32, %c0_i32_0 : i32, i32
  }
  func.func @transform_4(%arg0: i32) -> (i32, i32) {
    %c0_i32 = arith.constant 0 : i32
    %c0_i32_0 = arith.constant 0 : i32
    %c0_i32_1 = arith.constant 0 : i32
    return %c0_i32, %c0_i32_0 : i32, i32
  }
  func.func @transform_5(%arg0: i32) -> (i32, i32, i32) {
    %c0_i32 = arith.constant 0 : i32
    %c0_i32_0 = arith.constant 0 : i32
    %c0_i32_1 = arith.constant 0 : i32
    return %arg0, %c0_i32, %c0_i32_0 : i32, i32, i32
  }
  func.func @transform_6(%arg0: i32) -> (i32, i32, i32) {
    %c0_i32 = arith.constant 0 : i32
    %c0_i32_0 = arith.constant 0 : i32
    %c0_i32_1 = arith.constant 0 : i32
    return %arg0, %c0_i32, %c0_i32_0 : i32, i32, i32
  }
}

module attributes {stable_mosaic.version = 14 : i64} {
  func.func @_vn_body(%arg0: memref<128x1x128xf32, #tpu.memory_space<vmem>>, %arg1: memref<128x1x128xf32, #tpu.memory_space<vmem>>, %arg2: memref<128x256xf32, #tpu.memory_space<vmem>>, %arg3: memref<1x256xf32, #tpu.memory_space<vmem>>, %arg4: memref<256x128xf32, #tpu.memory_space<vmem>>, %arg5: memref<1x128xf32, #tpu.memory_space<vmem>>, %arg6: memref<128x1x128xf32, #tpu.memory_space<vmem>>) attributes {dimension_semantics = [], scalar_prefetch = 0 : i64, scratch_operands = 0 : i64, tpu.core_type = #tpu.core_type<tc>} {
    %get3A = arith.constant 0 : index
    %get3A_0 = arith.constant 0 : index
    %get3A_1 = arith.constant 0 : index
    %get3A_2 = vector.load %arg0[%get3A, %get3A_0, %get3A_1] : memref<128x1x128xf32, #tpu.memory_space<vmem>>, vector<128x1x128xf32>
    %get3A_3 = vector.shape_cast %get3A_2 : vector<128x1x128xf32> to vector<128x128xf32>
    %get3A_4 = arith.constant 0 : index
    %get3A_5 = arith.constant 0 : index
    %get3A_6 = arith.constant 0 : index
    %get3A_7 = vector.load %arg1[%get3A_4, %get3A_5, %get3A_6] : memref<128x1x128xf32, #tpu.memory_space<vmem>>, vector<128x1x128xf32>
    %get3A_8 = vector.shape_cast %get3A_7 : vector<128x1x128xf32> to vector<128x128xf32>
    %add3A = arith.addf %get3A_3, %get3A_8 : vector<128x128xf32>
    %get3A_9 = arith.constant 0 : index
    %get3A_10 = arith.constant 0 : index
    %get3A_11 = vector.load %arg2[%get3A_9, %get3A_10] : memref<128x256xf32, #tpu.memory_space<vmem>>, vector<128x256xf32>
    %convert_element_type3A = arith.truncf %add3A : vector<128x128xf32> to vector<128x128xbf16>
    %convert_element_type3A_12 = arith.truncf %get3A_11 : vector<128x256xf32> to vector<128x256xbf16>
    %dot_general3A = arith.constant dense<0.000000e+00> : vector<128x256xf32>
    %dot_general3A_13 = tpu.matmul %convert_element_type3A, %convert_element_type3A_12, %dot_general3A {dimension_numbers = #tpu.dot_dimension_numbers<[1], [0], [0], [1], [0, 0, 1, 1], [], []>, transpose_lhs_hint = false} : vector<128x128xbf16>, vector<128x256xbf16>, vector<128x256xf32> -> vector<128x256xf32>
    %get3A_14 = arith.constant 0 : index
    %get3A_15 = arith.constant 0 : index
    %get3A_16 = vector.load %arg3[%get3A_14, %get3A_15] : memref<1x256xf32, #tpu.memory_space<vmem>>, vector<1x256xf32>
    %add3A_17 = vector.broadcast %get3A_16 : vector<1x256xf32> to vector<128x256xf32>
    %add3A_18 = arith.addf %dot_general3A_13, %add3A_17 : vector<128x256xf32>
    %max3A = arith.constant 0.000000e+00 : f32
    %max3A_19 = vector.broadcast %max3A : f32 to vector<128x256xf32>
    %max3A_20 = arith.maximumf %add3A_18, %max3A_19 : vector<128x256xf32>
    %get3A_21 = arith.constant 0 : index
    %get3A_22 = arith.constant 0 : index
    %get3A_23 = vector.load %arg4[%get3A_21, %get3A_22] : memref<256x128xf32, #tpu.memory_space<vmem>>, vector<256x128xf32>
    %convert_element_type3A_24 = arith.truncf %max3A_20 : vector<128x256xf32> to vector<128x256xbf16>
    %convert_element_type3A_25 = arith.truncf %get3A_23 : vector<256x128xf32> to vector<256x128xbf16>
    %dot_general3A_26 = arith.constant dense<0.000000e+00> : vector<128x128xf32>
    %dot_general3A_27 = tpu.matmul %convert_element_type3A_24, %convert_element_type3A_25, %dot_general3A_26 {dimension_numbers = #tpu.dot_dimension_numbers<[1], [0], [0], [1], [0, 0, 1, 1], [], []>, transpose_lhs_hint = false} : vector<128x256xbf16>, vector<256x128xbf16>, vector<128x128xf32> -> vector<128x128xf32>
    %get3A_28 = arith.constant 0 : index
    %get3A_29 = arith.constant 0 : index
    %get3A_30 = vector.load %arg5[%get3A_28, %get3A_29] : memref<1x128xf32, #tpu.memory_space<vmem>>, vector<1x128xf32>
    %add3A_31 = vector.broadcast %get3A_30 : vector<1x128xf32> to vector<128x128xf32>
    %add3A_32 = arith.addf %dot_general3A_27, %add3A_31 : vector<128x128xf32>
    %broadcast_in_dim3A = vector.shape_cast %add3A_32 : vector<128x128xf32> to vector<128x1x128xf32>
    %swap3A = arith.constant 0 : index
    %swap3A_33 = arith.constant 0 : index
    %swap3A_34 = arith.constant 0 : index
    %swap3A_35 = vector.load %arg6[%swap3A, %swap3A_33, %swap3A_34] : memref<128x1x128xf32, #tpu.memory_space<vmem>>, vector<128x1x128xf32>
    tpu.vector_store %arg6[%swap3A, %swap3A_33, %swap3A_34], %broadcast_in_dim3A {strides = array<i32>} : memref<128x1x128xf32, #tpu.memory_space<vmem>>, vector<128x1x128xf32>,
    return
  }
}

module attributes {stable_mosaic.version = 14 : i64} {
  func.func @_hplus_body(%arg0: i32, %arg1: memref<1x196x128xf32, #tpu.memory_space<vmem>>, %arg2: memref<1x1x128xf32, #tpu.memory_space<vmem>>, %arg3: memref<1x196x128xf32, #tpu.memory_space<vmem>>) attributes {dimension_semantics = [#tpu.dimension_semantics<arbitrary>], iteration_bounds = array<i64: 128>, scalar_prefetch = 0 : i64, scratch_operands = 0 : i64, tpu.core_type = #tpu.core_type<tc>, window_params = [{transform_indices = @transform_0, window_bounds = array<i64: 1, 196, 128>}, {transform_indices = @transform_1, window_bounds = array<i64: 1, 1, 128>}, {transform_indices = @transform_2, window_bounds = array<i64: 1, 196, 128>}]} {
    %get3A = arith.constant 0 : index
    %get3A_0 = arith.constant 0 : index
    %get3A_1 = arith.constant 0 : index
    %get3A_2 = vector.load %arg1[%get3A, %get3A_0, %get3A_1] : memref<1x196x128xf32, #tpu.memory_space<vmem>>, vector<1x196x128xf32>
    %get3A_3 = vector.shape_cast %get3A_2 : vector<1x196x128xf32> to vector<196x128xf32>
    %get3A_4 = arith.constant 0 : index
    %get3A_5 = arith.constant 0 : index
    %get3A_6 = arith.constant 0 : index
    %get3A_7 = vector.load %arg2[%get3A_4, %get3A_5, %get3A_6] : memref<1x1x128xf32, #tpu.memory_space<vmem>>, vector<1x1x128xf32>
    %get3A_8 = vector.shape_cast %get3A_7 : vector<1x1x128xf32> to vector<1x128xf32>
    %add3A = vector.broadcast %get3A_8 : vector<1x128xf32> to vector<196x128xf32>
    %add3A_9 = arith.addf %get3A_3, %add3A : vector<196x128xf32>
    %swap3A = arith.constant 0 : index
    %swap3A_10 = arith.constant 0 : index
    %swap3A_11 = arith.constant 0 : index
    %swap3A_12 = vector.load %arg3[%swap3A, %swap3A_10, %swap3A_11] : memref<1x196x128xf32, #tpu.memory_space<vmem>>, vector<1x196x128xf32>
    %swap3A_13 = vector.shape_cast %swap3A_12 : vector<1x196x128xf32> to vector<196x128xf32>
    %swap3A_14 = vector.shape_cast %add3A_9 : vector<196x128xf32> to vector<1x196x128xf32>
    tpu.vector_store %arg3[%swap3A, %swap3A_10, %swap3A_11], %swap3A_14 {strides = array<i32>} : memref<1x196x128xf32, #tpu.memory_space<vmem>>, vector<1x196x128xf32>,
    return
  }
  func.func @transform_0(%arg0: i32) -> (i32, i32, i32) {
    %c0_i32 = arith.constant 0 : i32
    %c0_i32_0 = arith.constant 0 : i32
    %c0_i32_1 = arith.constant 0 : i32
    return %arg0, %c0_i32, %c0_i32_0 : i32, i32, i32
  }
  func.func @transform_1(%arg0: i32) -> (i32, i32, i32) {
    %c0_i32 = arith.constant 0 : i32
    %c0_i32_0 = arith.constant 0 : i32
    %c0_i32_1 = arith.constant 0 : i32
    return %arg0, %c0_i32, %c0_i32_0 : i32, i32, i32
  }
  func.func @transform_2(%arg0: i32) -> (i32, i32, i32) {
    %c0_i32 = arith.constant 0 : i32
    %c0_i32_0 = arith.constant 0 : i32
    %c0_i32_1 = arith.constant 0 : i32
    return %arg0, %c0_i32, %c0_i32_0 : i32, i32, i32
  }
}

module attributes {stable_mosaic.version = 14 : i64} {
  func.func @_bn_body(%arg0: i32, %arg1: memref<1x196x128xf32, #tpu.memory_space<vmem>>, %arg2: memref<128x1x128xf32, #tpu.memory_space<vmem>>, %arg3: memref<128x1x128xf32, #tpu.memory_space<vmem>>, %arg4: memref<1x128xf32, #tpu.memory_space<vmem>>, %arg5: memref<1x128xf32, #tpu.memory_space<vmem>>, %arg6: memref<1x196x128xf32, #tpu.memory_space<vmem>>, %arg7: memref<1x1x128xf32, #tpu.memory_space<vmem>>) attributes {dimension_semantics = [#tpu.dimension_semantics<arbitrary>], iteration_bounds = array<i64: 128>, scalar_prefetch = 0 : i64, scratch_operands = 0 : i64, tpu.core_type = #tpu.core_type<tc>, window_params = [{transform_indices = @transform_0, window_bounds = array<i64: 1, 196, 128>}, {pipeline_mode = #tpu.pipeline_mode<synchronous>, transform_indices = @transform_1, window_bounds = array<i64: 128, 1, 128>}, {pipeline_mode = #tpu.pipeline_mode<synchronous>, transform_indices = @transform_2, window_bounds = array<i64: 128, 1, 128>}, {pipeline_mode = #tpu.pipeline_mode<synchronous>, transform_indices = @transform_3, window_bounds = array<i64: 1, 128>}, {pipeline_mode = #tpu.pipeline_mode<synchronous>, transform_indices = @transform_4, window_bounds = array<i64: 1, 128>}, {transform_indices = @transform_5, window_bounds = array<i64: 1, 196, 128>}, {transform_indices = @transform_6, window_bounds = array<i64: 1, 1, 128>}]} {
    %get3A = arith.constant 0 : index
    %get3A_0 = arith.constant 0 : index
    %get3A_1 = arith.constant 0 : index
    %get3A_2 = vector.load %arg2[%get3A, %get3A_0, %get3A_1] : memref<128x1x128xf32, #tpu.memory_space<vmem>>, vector<128x1x128xf32>
    %reduce_sum3A = arith.constant dense<0.000000e+00> : vector<128xf32>
    %reduce_sum3A_3 = vector.multi_reduction <add>, %get3A_2, %reduce_sum3A [0, 1] : vector<128x1x128xf32> to vector<128xf32>
    %get3A_4 = arith.constant 0 : index
    %get3A_5 = arith.constant 0 : index
    %get3A_6 = arith.constant 0 : index
    %get3A_7 = vector.load %arg3[%get3A_4, %get3A_5, %get3A_6] : memref<128x1x128xf32, #tpu.memory_space<vmem>>, vector<128x1x128xf32>
    %reduce_sum3A_8 = arith.constant dense<0.000000e+00> : vector<128xf32>
    %reduce_sum3A_9 = vector.multi_reduction <add>, %get3A_7, %reduce_sum3A_8 [0, 1] : vector<128x1x128xf32> to vector<128xf32>
    %div3A = arith.constant 2.508800e+04 : f32
    %div3A_10 = vector.broadcast %div3A : f32 to vector<128xf32>
    %div3A_11 = arith.divf %reduce_sum3A_3, %div3A_10 : vector<128xf32>
    %broadcast_in_dim3A = vector.shape_cast %div3A_11 : vector<128xf32> to vector<1x128xf32>
    %div3A_12 = arith.constant 2.508800e+04 : f32
    %div3A_13 = vector.broadcast %div3A_12 : f32 to vector<128xf32>
    %div3A_14 = arith.divf %reduce_sum3A_9, %div3A_13 : vector<128xf32>
    %broadcast_in_dim3A_15 = vector.shape_cast %div3A_14 : vector<128xf32> to vector<1x128xf32>
    %mul3A = arith.mulf %broadcast_in_dim3A, %broadcast_in_dim3A : vector<1x128xf32>
    %sub3A = arith.subf %broadcast_in_dim3A_15, %mul3A : vector<1x128xf32>
    %get3A_16 = arith.constant 0 : index
    %get3A_17 = arith.constant 0 : index
    %get3A_18 = arith.constant 0 : index
    %get3A_19 = vector.load %arg1[%get3A_16, %get3A_17, %get3A_18] : memref<1x196x128xf32, #tpu.memory_space<vmem>>, vector<1x196x128xf32>
    %get3A_20 = vector.shape_cast %get3A_19 : vector<1x196x128xf32> to vector<196x128xf32>
    %sub3A_21 = vector.broadcast %broadcast_in_dim3A : vector<1x128xf32> to vector<196x128xf32>
    %sub3A_22 = arith.subf %get3A_20, %sub3A_21 : vector<196x128xf32>
    %add3A = arith.constant 9.99999974E-6 : f32
    %add3A_23 = vector.broadcast %add3A : f32 to vector<1x128xf32>
    %add3A_24 = arith.addf %sub3A, %add3A_23 : vector<1x128xf32>
    %sqrt3A = math.sqrt %add3A_24 : vector<1x128xf32>
    %div3A_25 = vector.broadcast %sqrt3A : vector<1x128xf32> to vector<196x128xf32>
    %div3A_26 = arith.divf %sub3A_22, %div3A_25 : vector<196x128xf32>
    %get3A_27 = arith.constant 0 : index
    %get3A_28 = arith.constant 0 : index
    %get3A_29 = vector.load %arg4[%get3A_27, %get3A_28] : memref<1x128xf32, #tpu.memory_space<vmem>>, vector<1x128xf32>
    %mul3A_30 = vector.broadcast %get3A_29 : vector<1x128xf32> to vector<196x128xf32>
    %mul3A_31 = arith.mulf %div3A_26, %mul3A_30 : vector<196x128xf32>
    %get3A_32 = arith.constant 0 : index
    %get3A_33 = arith.constant 0 : index
    %get3A_34 = vector.load %arg5[%get3A_32, %get3A_33] : memref<1x128xf32, #tpu.memory_space<vmem>>, vector<1x128xf32>
    %add3A_35 = vector.broadcast %get3A_34 : vector<1x128xf32> to vector<196x128xf32>
    %add3A_36 = arith.addf %mul3A_31, %add3A_35 : vector<196x128xf32>
    %swap3A = arith.constant 0 : index
    %swap3A_37 = arith.constant 0 : index
    %swap3A_38 = arith.constant 0 : index
    %swap3A_39 = vector.load %arg6[%swap3A, %swap3A_37, %swap3A_38] : memref<1x196x128xf32, #tpu.memory_space<vmem>>, vector<1x196x128xf32>
    %swap3A_40 = vector.shape_cast %swap3A_39 : vector<1x196x128xf32> to vector<196x128xf32>
    %swap3A_41 = vector.shape_cast %add3A_36 : vector<196x128xf32> to vector<1x196x128xf32>
    tpu.vector_store %arg6[%swap3A, %swap3A_37, %swap3A_38], %swap3A_41 {strides = array<i32>} : memref<1x196x128xf32, #tpu.memory_space<vmem>>, vector<1x196x128xf32>,
    %reduce_sum3A_42 = arith.constant dense<0.000000e+00> : vector<128xf32>
    %reduce_sum3A_43 = vector.multi_reduction <add>, %add3A_36, %reduce_sum3A_42 [0] : vector<196x128xf32> to vector<128xf32>
    %swap3A_44 = arith.constant 0 : index
    %swap3A_45 = arith.constant 0 : index
    %swap3A_46 = arith.constant 0 : index
    %swap3A_47 = vector.load %arg7[%swap3A_44, %swap3A_45, %swap3A_46] : memref<1x1x128xf32, #tpu.memory_space<vmem>>, vector<1x1x128xf32>
    %swap3A_48 = vector.shape_cast %swap3A_47 : vector<1x1x128xf32> to vector<128xf32>
    %swap3A_49 = vector.shape_cast %reduce_sum3A_43 : vector<128xf32> to vector<1x1x128xf32>
    tpu.vector_store %arg7[%swap3A_44, %swap3A_45, %swap3A_46], %swap3A_49 {strides = array<i32>} : memref<1x1x128xf32, #tpu.memory_space<vmem>>, vector<1x1x128xf32>,
    return
  }
  func.func @transform_0(%arg0: i32) -> (i32, i32, i32) {
    %c0_i32 = arith.constant 0 : i32
    %c0_i32_0 = arith.constant 0 : i32
    %c0_i32_1 = arith.constant 0 : i32
    return %arg0, %c0_i32, %c0_i32_0 : i32, i32, i32
  }
  func.func @transform_1(%arg0: i32) -> (i32, i32, i32) {
    %c0_i32 = arith.constant 0 : i32
    %c0_i32_0 = arith.constant 0 : i32
    %c0_i32_1 = arith.constant 0 : i32
    %c0_i32_2 = arith.constant 0 : i32
    return %c0_i32, %c0_i32_0, %c0_i32_1 : i32, i32, i32
  }
  func.func @transform_2(%arg0: i32) -> (i32, i32, i32) {
    %c0_i32 = arith.constant 0 : i32
    %c0_i32_0 = arith.constant 0 : i32
    %c0_i32_1 = arith.constant 0 : i32
    %c0_i32_2 = arith.constant 0 : i32
    return %c0_i32, %c0_i32_0, %c0_i32_1 : i32, i32, i32
  }
  func.func @transform_3(%arg0: i32) -> (i32, i32) {
    %c0_i32 = arith.constant 0 : i32
    %c0_i32_0 = arith.constant 0 : i32
    %c0_i32_1 = arith.constant 0 : i32
    return %c0_i32, %c0_i32_0 : i32, i32
  }
  func.func @transform_4(%arg0: i32) -> (i32, i32) {
    %c0_i32 = arith.constant 0 : i32
    %c0_i32_0 = arith.constant 0 : i32
    %c0_i32_1 = arith.constant 0 : i32
    return %c0_i32, %c0_i32_0 : i32, i32
  }
  func.func @transform_5(%arg0: i32) -> (i32, i32, i32) {
    %c0_i32 = arith.constant 0 : i32
    %c0_i32_0 = arith.constant 0 : i32
    %c0_i32_1 = arith.constant 0 : i32
    return %arg0, %c0_i32, %c0_i32_0 : i32, i32, i32
  }
  func.func @transform_6(%arg0: i32) -> (i32, i32, i32) {
    %c0_i32 = arith.constant 0 : i32
    %c0_i32_0 = arith.constant 0 : i32
    %c0_i32_1 = arith.constant 0 : i32
    return %arg0, %c0_i32, %c0_i32_0 : i32, i32, i32
  }
}

module attributes {stable_mosaic.version = 14 : i64} {
  func.func @_pred_body(%arg0: memref<128x1x128xf32, #tpu.memory_space<vmem>>, %arg1: memref<128x12xf32, #tpu.memory_space<vmem>>, %arg2: memref<1x12xf32, #tpu.memory_space<vmem>>, %arg3: memref<128x12xf32, #tpu.memory_space<vmem>>) attributes {dimension_semantics = [], scalar_prefetch = 0 : i64, scratch_operands = 0 : i64, tpu.core_type = #tpu.core_type<tc>} {
    %get3A = arith.constant 0 : index
    %get3A_0 = arith.constant 0 : index
    %get3A_1 = arith.constant 0 : index
    %get3A_2 = vector.load %arg0[%get3A, %get3A_0, %get3A_1] : memref<128x1x128xf32, #tpu.memory_space<vmem>>, vector<128x1x128xf32>
    %get3A_3 = vector.shape_cast %get3A_2 : vector<128x1x128xf32> to vector<128x128xf32>
    %mul3A = arith.constant 0.00510204071 : f32
    %mul3A_4 = vector.broadcast %mul3A : f32 to vector<128x128xf32>
    %mul3A_5 = arith.mulf %get3A_3, %mul3A_4 : vector<128x128xf32>
    %get3A_6 = arith.constant 0 : index
    %get3A_7 = arith.constant 0 : index
    %get3A_8 = vector.load %arg1[%get3A_6, %get3A_7] : memref<128x12xf32, #tpu.memory_space<vmem>>, vector<128x12xf32>
    %convert_element_type3A = arith.truncf %mul3A_5 : vector<128x128xf32> to vector<128x128xbf16>
    %convert_element_type3A_9 = arith.truncf %get3A_8 : vector<128x12xf32> to vector<128x12xbf16>
    %dot_general3A = arith.constant dense<0.000000e+00> : vector<128x12xf32>
    %dot_general3A_10 = tpu.matmul %convert_element_type3A, %convert_element_type3A_9, %dot_general3A {dimension_numbers = #tpu.dot_dimension_numbers<[1], [0], [0], [1], [0, 0, 1, 1], [], []>, transpose_lhs_hint = false} : vector<128x128xbf16>, vector<128x12xbf16>, vector<128x12xf32> -> vector<128x12xf32>
    %get3A_11 = arith.constant 0 : index
    %get3A_12 = arith.constant 0 : index
    %get3A_13 = vector.load %arg2[%get3A_11, %get3A_12] : memref<1x12xf32, #tpu.memory_space<vmem>>, vector<1x12xf32>
    %add3A = vector.broadcast %get3A_13 : vector<1x12xf32> to vector<128x12xf32>
    %add3A_14 = arith.addf %dot_general3A_10, %add3A : vector<128x12xf32>
    %swap3A = arith.constant 0 : index
    %swap3A_15 = arith.constant 0 : index
    %swap3A_16 = vector.load %arg3[%swap3A, %swap3A_15] : memref<128x12xf32, #tpu.memory_space<vmem>>, vector<128x12xf32>
    tpu.vector_store %arg3[%swap3A, %swap3A_15], %add3A_14 {strides = array<i32>} : memref<128x12xf32, #tpu.memory_space<vmem>>, vector<128x12xf32>,
    return
  }
}

</mosaic_0001>

<sc_bundles>
// kernel: kernel.21.cloned.1.call-start
scs
__scs_entry_jumppad:
0x0: {  	(pc) =	sbr.rel $0x88, $3  }
0x1: {  	(tag) =	ssettag $0x0;
	lr =	simm.s32 $0x1  }
0x2: {  	[smem:$0x3F8D] =	sst lr;
	_ =	strace $0xD0000000  }
0x3: {  	_ = 	snop  }
0x4: {  	_ = 	snop  }
0x5: {  	_ = 	snop  }
0x6: {  	_ = 	snop  }
0x7: {  	_ = 	snop  }
__scs_overlays_trampoline_lowered:
0x8: {  	[smem:$0x3F9C] =	sst s0  }
0x9: {  	[smem:$0x3F9D] =	sst s1  }
0xa: {  	[smem:$0x3F9E] =	sst s2  }
0xb: {  	[smem:$0x3F9F] =	sst s3  }
0xc: {  	[smem:$0x3FA0] =	sst s4  }
0xd: {  	[smem:$0x3FA1] =	sst s5  }
0xe: {  	[smem:$0x3FA2] =	sst s6  }
0xf: {  	[smem:$0x3FA3] =	sst s7  }
0x10: {  	[smem:$0x3FA4] =	sst s8  }
0x11: {  	[smem:$0x3FA5] =	sst s9;
	s0 =	simm.s32 @!p0 $0x0  }
0x12: {  	s1 =	sld [smem:$0x3F8B];
	s0 =	simm.s32 @p0 $0x1  }
0x13: {  	[smem:$0x3FA6] =	sst s0;
	s0 =	simm.s32 @!p1 $0x0  }
0x14: {  	s2 =	sld [smem:$0x3F8A];
	s0 =	simm.s32 @p1 $0x1  }
0x15: {  	[smem:$0x3FA7] =	sst s0;
	s0 =	simm.s32 @!p2 $0x0  }
0x16: {  	s3 =	sld [smem:$0x3FDB];
	s0 =	simm.s32 @p2 $0x1  }
0x17: {  	s4 =	simm.s32 $0x1BF5;
	[smem:$0x3FA9] =	sst s0  }
0x18: {  	s0 =	sld [smem:$0x3F8C];
	_ =	swait.ge [sflag:s4], $0x0  }
0x19: {  	s7 =	sld [smem:$0x3F8D]  }
0x1a: {  	s8 =	sadd.s32 $0xFFFFE003, lr  }
0x1b: {  	s9 =	sadd.s32 $0xFFFFFEF7, lr;
	s5 =	simm.s32 $0xFFFFFFFF;
	p2 =	slt.u32 s8, $0xFFFFF086  }
0x1c: {  	p1 =	slt.u32 s9, $0xF7A;
	s5 =	simm.s32 @!p2 $0x0  }
0x1d: {  	s5 =	simm.s32 @p1 $0x1;
	p0 =	seq.s32 s7, s2  }
0x1e: {  	s7 =	smul.u32 @!p0 $0xF7A, s2;
	p2 =	seq.s32 @!p0 s5, $0x0  }
0x1f: {  	s9 =	smul.u32 $0xF7A, s1;
	s8 =	simm.s32 @!p0 $0x1BF5;
	p2 =	por !p2, p0  }
0x20: {  	[sflag:s8] =	ssyncset.s32 @!p0 $0xFFFFF086;
	s6 =	sadd.s32 @!p0 s3, s7;
	s7 =	simm.s32 @!p0 $0x108  }
0x21: {  	s3 =	sadd.s32 s3, s9;
	s6 =	sadd.s32 @!p0 $0x88, s6;
	s7 =	simm.s32 @p2 $0x1082  }
0x22: {  	[simem:s7], [sflag:s8] =	dma.local @!p0 [hbm:s6], $0xF7A  }
0x23: {  	s9 =	sor.u32 $0xD0000000, s2;
	s6 =	simm.s32 $0x108;
	_ =	swait.ge @!p0 [sflag:s8], $0x0  }
0x24: {  	s3 =	sadd.s32 $0x88, s3;
	s6 =	simm.s32 @!p1 $0x1082;
	[sflag:s4] =	ssyncset.s32 $0xFFFFF086  }
0x25: {  	[simem:s6], [sflag:s4] =	dma.local [hbm:s3], $0xF7A  }
0x26: {  	[smem:$0x3F8D] =	sst s1;
	(tag) =	ssettag s2;
	_ =	strace s9  }
0x27: {  	s1 =	sld [smem:$0x3F9D]  }
0x28: {  	s2 =	sld [smem:$0x3F9E]  }
0x29: {  	s4 =	sld [smem:$0x3FA0]  }
0x2a: {  	p0 =	seq.s32 s5, $0x0;
	s5 =	sld [smem:$0x3FA1]  }
0x2b: {  	s6 =	sld [smem:$0x3FA2]  }
0x2c: {  	s7 =	sld [smem:$0x3FA3]  }
0x2d: {  	s3 =	simm.s32 $0x108;
	s8 =	sld [smem:$0x3FA4]  }
0x2e: {  	s3 =	simm.s32 @!p0 $0x1082;
	s9 =	sld [smem:$0x3FA5]  }
0x2f: {  	lr =	sadd.s32 s0, s3;
	s0 =	sld [smem:$0x3F9C]  }
0x30: {  	s3 =	sld [smem:$0x3F9F]  }
0x31: {  	[smem:$0x3FA8] =	sst s10  }
0x32: {  	s10 =	sld [smem:$0x3FA6];
	_ =	sdelay $0x3  }
0x33: {  	p0 =	seq.s32 s10, $0x1;
	s10 =	sld [smem:$0x3FA8];
	_ =	sdelay $0x3  }
0x34: {  	[smem:$0x3FA8] =	sst s10  }
0x35: {  	s10 =	sld [smem:$0x3FA7];
	_ =	sdelay $0x3  }
0x36: {  	p1 =	seq.s32 s10, $0x1;
	s10 =	sld [smem:$0x3FA8];
	_ =	sdelay $0x3  }
0x37: {  	[smem:$0x3FA8] =	sst s10  }
0x38: {  	s10 =	sld [smem:$0x3FA9]  }
0x39: {  	_ = 	snop;
	(pc) =	sbr.ind lr, $3  }
0x3a: {  	_ = 	snop  }
0x3b: {  	_ = 	snop  }
0x3c: {  	p2 =	seq.s32 s10, $0x1;
	s10 =	sld [smem:$0x3FA8]  }
0x3d: {  	_ =	shalt  }
0x3e: {  	_ =	shalt  }
0x3f: {  	_ =	shalt  }
0x40: {  	_ =	shalt  }
0x41: {  	_ =	shalt  }
0x42: {  	_ =	shalt  }
0x43: {  	_ =	shalt  }
0x44: {  	_ =	shalt  }
0x45: {  	_ =	shalt  }
0x46: {  	_ =	shalt  }
0x47: {  	_ =	shalt  }
0x48: {  	_ =	shalt  }
0x49: {  	_ =	shalt  }
0x4a: {  	_ =	shalt  }
0x4b: {  	_ =	shalt  }
0x4c: {  	_ =	shalt  }
0x4d: {  	_ =	shalt  }
0x4e: {  	_ =	shalt  }
0x4f: {  	_ =	shalt  }
0x50: {  	_ =	shalt  }
0x51: {  	_ =	shalt  }
0x52: {  	_ =	shalt  }
0x53: {  	_ =	shalt  }
0x54: {  	_ =	shalt  }
0x55: {  	_ =	shalt  }
0x56: {  	_ =	shalt  }
0x57: {  	_ =	shalt  }
0x58: {  	_ =	shalt  }
0x59: {  	_ =	shalt  }
0x5a: {  	_ =	shalt  }
0x5b: {  	_ =	shalt  }
0x5c: {  	_ =	shalt  }
0x5d: {  	_ =	shalt  }
0x5e: {  	_ =	shalt  }
0x5f: {  	_ =	shalt  }
0x60: {  	_ =	shalt  }
0x61: {  	_ =	shalt  }
0x62: {  	_ =	shalt  }
0x63: {  	_ =	shalt  }
0x64: {  	_ =	shalt  }
0x65: {  	_ =	shalt  }
0x66: {  	_ =	shalt  }
0x67: {  	_ =	shalt  }
0x68: {  	_ =	shalt  }
0x69: {  	_ =	shalt  }
0x6a: {  	_ =	shalt  }
0x6b: {  	_ =	shalt  }
0x6c: {  	_ =	shalt  }
0x6d: {  	_ =	shalt  }
0x6e: {  	_ =	shalt  }
0x6f: {  	_ =	shalt  }
0x70: {  	_ =	shalt  }
0x71: {  	_ =	shalt  }
0x72: {  	_ =	shalt  }
0x73: {  	_ =	shalt  }
0x74: {  	_ =	shalt  }
0x75: {  	_ =	shalt  }
0x76: {  	_ =	shalt  }
0x77: {  	_ =	shalt  }
0x78: {  	_ =	shalt  }
0x79: {  	_ =	shalt  }
0x7a: {  	_ =	shalt  }
0x7b: {  	_ =	shalt  }
0x7c: {  	_ =	shalt  }
0x7d: {  	_ =	shalt  }
0x7e: {  	_ =	shalt  }
0x7f: {  	_ =	shalt  }
0x80: {  	_ =	shalt  }
0x81: {  	_ =	shalt  }
0x82: {  	_ =	shalt  }
0x83: {  	_ =	shalt  }
0x84: {  	_ =	shalt  }
0x85: {  	_ =	shalt  }
0x86: {  	_ =	shalt  }
0x87: {  	_ =	shalt  }
.Lfunc_end0:
.L_simem_size_0:
called_computation_lowered:
.L_overlay_start_0:
0x88: {  	s2 =	sld [smem:$0x3FD9]  }
0x89: {  	s3 =	sld [smem:$0x3FFE];
	_ =	sdelay $0x1  }
0x8a: {  	s1 =	srdreg.scid  }
0x8b: {  	s0 =	sand.u32 $0x1, s1  }
0x8c: {  	s16 =	sshll.u32 s0, $0xA;
	s2 =	sadd.s32 s3, s2  }
0x8d: {  	s2 =	sadd.s32 s2, s16  }
0x8e: {  	[smem:$0x3FB4] =	sst s2  }
0x8f: {  	_ = 	snop  }
0x90: {  	(tm) =	ssettm $0x1  }
0x91: {  	s17 =	sld [smem:$0x3FFB];
	_ =	sdelay $0x3  }
0x92: {  	_ =	strace s17  }
0x93: {  	s2 =	sld [smem:$0x3FFC];
	_ =	sdelay $0x3  }
0x94: {  	_ =	strace s2  }
0x95: {  	s2 =	sld [smem:$0x3FFD];
	_ =	sdelay $0x3  }
0x96: {  	_ =	strace s2  }
0x97: {  	_ =	strace $0x8FFFFFFF  }
0x98: {  	s18 =	sld [smem:$0x3FDB];
	_ =	sdelay $0x1  }
0x99: {  	s19 =	simm.s32 $_scs_section_size  }
0x9a: {  	s4 =	simm.s32 $_size__tile_overlayer_lowered;
	s5 =	simm.s32 $_tile_overlayer_lowered  }
0x9b: {  	s22 =	simm.s32 $0x1BFF;
	s21 =	sshll.u32 s5, $0x1;
	s2 =	sadd.s32 s19, s18  }
0x9c: {  	s6 =	simm.s32 $0x0;
	s20 =	sshll.u32 s4, $0x1;
	s4 =	sadd.s32 s21, s2  }
0x9d: {  	[timem:s6], [sflag:s22] =	dma.local [hbm:s4], s20  }
0x9e: {  	_ =	swait.ge [sflag:s22], s20  }
0x9f: {  	s3 =	ssub.s32 $0x0, s20;
	[sflag:s22] =	ssyncset.done $0x0  }
0xa0: {  	[sflag:s22] =	ssyncadd.s32 s3;
	_ =	sdelay $0x1  }
0xa1: {  	s23 =	simm.s32 $0x1B8B  }
0xa2: {  	_ =	swait.ge [sflag:s23], $0x1  }
0xa3: {  	[sflag:s23] =	ssyncset.done $0x0  }
0xa4: {  	s25 =	simm.s32 $0x1B8E;
	s24 =	sld [smem:$0x3FFE];
	[sflag:s23] =	ssyncadd.s32 $0xFFFFFFFF  }
0xa5: {  	s26 =	simm.s32 $execute0_lowered;
	[smem:$0x3FD2] =	sst s25  }
0xa6: {  	s4 =	sshll.u32 s26, $0x1;
	_ =	strace $0x80000046;
	[dreg:$0x1] =	wrdreg $0xFFFFFFFF  }
0xa7: {  	s28 =	simm.s32 $_size_execute0_lowered;
	s2 =	sadd.s32 s2, s4;
	[dreg:$0x0] =	wrdreg $0x0  }
0xa8: {  	s4 =	sshll.u32 s28, $0x1;
	[dreg:$0x2] =	wrdreg s2  }
0xa9: {  	[dreg:$0x3] =	wrdreg s4  }
0xaa: {  	[dreg:$0x4] =	wrdreg $0xC0  }
0xab: {  	_ =	task [dreg:s6], $0x5FFFF  }
0xac: {  	[dreg:$0x1] =	wrdreg $0xFFFFFFFF  }
0xad: {  	[dreg:$0x0] =	wrdreg $0x60  }
0xae: {  	[dreg:$0x2] =	wrdreg s24  }
0xaf: {  	[dreg:$0x3] =	wrdreg $0x9  }
0xb0: {  	_ =	task.clear_ibuf [dreg:s6], $0x4FFFF;
	_ =	strace $0x90000046  }
0xb1: {  	s29 =	simm.s32 $0x9;
	_ =	strace $0x80000048  }
0xb2: {  	_ =	swait.ge [sflag:s29], $0x1  }
0xb3: {  	[sflag:s29] =	ssyncadd.s32 $0xFFFFFFFF  }
0xb4: {  	_ =	strace $0x90000048  }
0xb5: {  	_ =	sfence  }
0xb6: {  	s30 =	sld [smem:$0x0];
	_ =	sdelay $0x2  }
0xb7: {  	s31 =	sshll.u32 s1, $0xD;
	s1 =	sshrl.u32 s1, $0x2  }
0xb8: {  	s3 =	sand.u32 $0x4000, s31;
	s1 =	sadd.s32 s1, s30  }
0xb9: {  	s0 =	sor.u32 s3, s0;
	s1 =	sshll.u32 s1, $0x11  }
0xba: {  	s0 =	sor.u32 s1, s0  }
0xbb: {  	s0 =	sadd.s32 $0x8F2B, s0  }
0xbc: {  	[sflag:s0] =	ssyncadd.remote.s32 $0x1  }
0xbd: {  	_ =	sfence.sel $0xFFFF  }
0xbe: {  	[dreg:$0x0] =	wrdreg $0xFFFFFFFF;
	(pc) =	sbr.abs _section_cstart, $3  }
0xbf: {  	[dreg:$0x1] =	wrdreg $0xFFFFFFFF  }
0xc0: {  	_ =	task.clear_ibuf [dreg:s6], $0x2FFFF;
	_ =	strace $0x9FFFFFFF  }
0xc1: {  	(tm) =	ssettm $0x7FFFFFFF  }
tec
execute0_lowered:
.L_overlay_start_1:
0x0: {  	(tag) =	ssettag $0x1  }
0x1: {  	s8 =	rddreg [dreg:$0x0]  }
0x2: {  	s1 =	srdreg.scid;
	s0 =	rddreg [dreg:$0x1];
	s2 =	simm.s32 $0x0  }
0x3: {  	s11 =	simm.s32 $0x1;
	s12 =	simm.s32 $0x70;
	s13 =	simm.s32 $0x100  }
0x4: {  	s14 =	simm.s32 $0x2;
	s15 =	simm.s32 $0x3;
	s16 =	simm.s32 $0x4  }
0x5: {  	s17 =	simm.s32 $0x7100;
	s18 =	simm.s32 $0x5;
	s5 =	sand.u32 $0x1, s1  }
0x6: {  	s19 =	simm.s32 $0x0;
	s1 =	stileid.u32;
	s3 =	sshll.u32 s5, $0x4  }
0x7: {  	[smem:$0x7FF] =	sst s2;
	s6 =	sadd.s32 $0x77600, s8;
	s4 =	sor.u32 s1, s3  }
0x8: {  	s7 =	sadd.s32 $0x6A4000, s8;
	s9 =	ssub.s32 $0x2, s5;
	s4 =	smul.u32 $0x3100, s4  }
0x9: {  	_ =	strace $0x80000047;
	s5 =	sadd.s32 $0x6B200, s8;
	s10 =	sshrl.u32 s9, $0x1  }
0xa: {  	s3 =	sadd.s32 $0x9200, s8;
	s9 =	ssub.s32 s9, s10;
	s8 =	sadd.s32 s4, s8  }
0xb: {  	v0 =	vimm.f32 $0.0e+00;
	s10 =	simm.s32 $0x3900;
	s9 =	smax.u32 s9, $0x1;
	s8 =	sadd.s32 $0xCC4000, s8  }
.LBB2_1:
0xc: {  	s21 =	simm.s32 $0x0;
	s20 =	simm.s32 $0x200  }
.LBB2_2:
0xd: {  	p0 =	sne.s32 s20, $0x61E00;
	[tilespmem:s21+$0x7170] =	vst v0  }
0xe: {  	[tilespmem:s21+$0x7100] =	vst v0  }
0xf: {  	[tilespmem:s21+$0x7110] =	vst v0  }
.Ltmp0:
0x10: {  	[tilespmem:s21+$0x7120] =	vst v0;
	(pc) =	sbr.rel @p0 .LBB2_2-.Ltmp0, $4  }
0x11: {  	[tilespmem:s21+$0x7130] =	vst v0  }
0x12: {  	[tilespmem:s21+$0x7140] =	vst v0  }
0x13: {  	[tilespmem:s21+$0x7150] =	vst v0  }
0x14: {  	[tilespmem:s21+$0x7160] =	vst v0;
	s21 =	sshra.s32 s20, $0x2;
	s20 =	sadd.s32 $0x200, s20  }
0x15: {  	[tilespmem:s21+$0x7170] =	vst v0  }
0x16: {  	[tilespmem:s21+$0x7100] =	vst v0  }
0x17: {  	[tilespmem:s21+$0x7110] =	vst v0  }
0x18: {  	[tilespmem:s21+$0x7120] =	vst v0  }
0x19: {  	[tilespmem:s21+$0x7130] =	vst v0  }
0x1a: {  	[tilespmem:s21+$0x7140] =	vst v0  }
0x1b: {  	[tilespmem:s21+$0x7150] =	vst v0  }
0x1c: {  	s20 =	simm.s32 $0x0;
	[tilespmem:s21+$0x7160] =	vst v0;
	s21 =	simm.s32 $0x0  }
.LBB2_4:
0x1d: {  	s22 =	smul.u32 $0x70, s21;
	_ =	sdelay $0x1  }
0x1e: {  	s23 =	sadd.s32 s4, s22  }
0x1f: {  	s22 =	sshrl.u32 s23, $0x3  }
0x20: {  	s24 =	sadd.s32 s5, s22  }
0x21: {  	[tilespmem:s20], [sflag:$0x1] =	stream.linear.gather [hbm4b:s24+s20], $0x70, $0x38;
	[tilespmem:$0x1F900] =	vst v63  }
0x22: {  	s23 =	sshll.u32 s23, $0x4;
	s30 =	sadd.s32 s6, s22;
	s22 =	simm.s32 $0x80  }
0x23: {  	[tilespmem:s22], [sflag:$0x2] =	stream.linear.gather [hbm4b:s30+s20], $0x70, $0x38;
	[tilespmem:$0x1F900] =	vst v63  }
0x24: {  	s23 =	sadd.s32 s7, s23  }
0x25: {  	[tilespmem:s10], [sflag:$0x3] =	stream.linear.gather [hbm4b:s23+s20], $0x3800, $0x38;
	[tilespmem:$0x1F900] =	vst v63  }
0x26: {  	_ =	swait.ge [sflag:s11], $0x70  }
0x27: {  	[sflag:s11] =	ssyncset.done $0x0  }
0x28: {  	[sflag:s11] =	ssyncadd.s32 $0xFFFFFF90  }
0x29: {  	[tilespmem:s13], [sflag:$0x4] =	stream.indirect.gather [hbm4b:s3+s12], $0x80, s20, s12, $0xb8;
	[tilespmem:$0x1F900] =	vst v63  }
0x2a: {  	_ =	swait.ge [sflag:s14], $0x70  }
0x2b: {  	[sflag:s14] =	ssyncset.done $0x0  }
0x2c: {  	[sflag:s14] =	ssyncadd.s32 $0xFFFFFF90  }
0x2d: {  	_ =	swait.ge [sflag:s15], $0x3800  }
0x2e: {  	[sflag:s15] =	ssyncset.done $0x0  }
0x2f: {  	[sflag:s15] =	ssyncadd.s32 $0xFFFFC800  }
0x30: {  	_ =	swait.ge [sflag:s16], $0x3800  }
0x31: {  	[sflag:s16] =	ssyncset.done $0x0  }
0x32: {  	[sflag:s16] =	ssyncadd.s32 $0xFFFFC800  }
0x33: {  	v1 =	vld [tilespmem:s22+$0x0];
	_ =	sdelay $0x4  }
0x34: {  	(v2sf) =	vpush v1, $0x0;
	_ =	sdelay $0xc  }
0x35: {  	s25 =	simm.s32 $0x0  }
0x36: {  	v2 =	vld [tilespmem:s25+$0x100]  }
0x37: {  	v1 =	vld [tilespmem:s25+$0x3900];
	s31 =	spop (v2sf)  }
0x38: {  	s23 =	sshll.u32 s31, $0x9  }
0x39: {  	s23 =	sshra.s32 s23, $0x2  }
0x3a: {  	v3 =	vld [tilespmem:s23+$0x7100];
	_ =	sdelay $0x1  }
0x3b: {  	v1 =	vadd.f32 v1, v2;
	_ =	sdelay $0x1  }
0x3c: {  	v1 =	vmax.f32 v1, $0.0e+00  }
0x3d: {  	v1 =	vadd.f32 v1, v3;
	_ =	sdelay $0x1  }
0x3e: {  	[tilespmem:s23+$0x7100] =	vst v1  }
0x3f: {  	v1 =	vld [tilespmem:s25+$0x110]  }
0x40: {  	v2 =	vld [tilespmem:s25+$0x3910];
	_ =	sdelay $0x2  }
0x41: {  	v3 =	vld [tilespmem:s23+$0x7110];
	_ =	sdelay $0x1  }
0x42: {  	v1 =	vadd.f32 v2, v1;
	_ =	sdelay $0x1  }
0x43: {  	v1 =	vmax.f32 v1, $0.0e+00  }
0x44: {  	v1 =	vadd.f32 v1, v3;
	_ =	sdelay $0x1  }
0x45: {  	[tilespmem:s23+$0x7110] =	vst v1  }
0x46: {  	v1 =	vld [tilespmem:s25+$0x120]  }
0x47: {  	v2 =	vld [tilespmem:s25+$0x3920];
	_ =	sdelay $0x2  }
0x48: {  	v3 =	vld [tilespmem:s23+$0x7120];
	_ =	sdelay $0x1  }
0x49: {  	v1 =	vadd.f32 v2, v1;
	_ =	sdelay $0x1  }
0x4a: {  	v1 =	vmax.f32 v1, $0.0e+00  }
0x4b: {  	v1 =	vadd.f32 v1, v3;
	_ =	sdelay $0x1  }
0x4c: {  	[tilespmem:s23+$0x7120] =	vst v1  }
0x4d: {  	v1 =	vld [tilespmem:s25+$0x130]  }
0x4e: {  	v2 =	vld [tilespmem:s25+$0x3930];
	_ =	sdelay $0x2  }
0x4f: {  	v3 =	vld [tilespmem:s23+$0x7130];
	_ =	sdelay $0x1  }
0x50: {  	v1 =	vadd.f32 v2, v1;
	_ =	sdelay $0x1  }
0x51: {  	v1 =	vmax.f32 v1, $0.0e+00  }
0x52: {  	v1 =	vadd.f32 v1, v3;
	_ =	sdelay $0x1  }
0x53: {  	[tilespmem:s23+$0x7130] =	vst v1  }
0x54: {  	v1 =	vld [tilespmem:s25+$0x140]  }
0x55: {  	v2 =	vld [tilespmem:s25+$0x3940];
	_ =	sdelay $0x2  }
0x56: {  	v3 =	vld [tilespmem:s23+$0x7140];
	_ =	sdelay $0x1  }
0x57: {  	v1 =	vadd.f32 v2, v1;
	_ =	sdelay $0x1  }
0x58: {  	v1 =	vmax.f32 v1, $0.0e+00  }
0x59: {  	v1 =	vadd.f32 v1, v3;
	_ =	sdelay $0x1  }
0x5a: {  	[tilespmem:s23+$0x7140] =	vst v1  }
0x5b: {  	v1 =	vld [tilespmem:s25+$0x150]  }
0x5c: {  	v2 =	vld [tilespmem:s25+$0x3950];
	_ =	sdelay $0x2  }
0x5d: {  	v3 =	vld [tilespmem:s23+$0x7150];
	_ =	sdelay $0x1  }
0x5e: {  	v1 =	vadd.f32 v2, v1;
	_ =	sdelay $0x1  }
0x5f: {  	v1 =	vmax.f32 v1, $0.0e+00  }
0x60: {  	v1 =	vadd.f32 v1, v3;
	_ =	sdelay $0x1  }
0x61: {  	[tilespmem:s23+$0x7150] =	vst v1  }
0x62: {  	v1 =	vld [tilespmem:s25+$0x160]  }
0x63: {  	v3 =	vld [tilespmem:s25+$0x3960];
	_ =	sdelay $0x2  }
0x64: {  	v2 =	vld [tilespmem:s23+$0x7160];
	_ =	sdelay $0x1  }
0x65: {  	v1 =	vadd.f32 v3, v1;
	_ =	sdelay $0x1  }
0x66: {  	v1 =	vmax.f32 v1, $0.0e+00  }
0x67: {  	v2 =	vadd.f32 v1, v2;
	_ =	sdelay $0x1  }
0x68: {  	v1 =	vld [tilespmem:s23+$0x7170];
	[tilespmem:s23+$0x7160] =	vst v2  }
0x69: {  	v2 =	vld [tilespmem:s25+$0x170]  }
0x6a: {  	s24 =	simm.s32 $0x200;
	v3 =	vld [tilespmem:s25+$0x3970]  }
.LBB2_5:
0x6b: {  	_ = 	snop  }
0x6c: {  	p0 =	sne.s32 s24, $0xDE00  }
0x6d: {  	s22 =	sadd.s32 $0x1, s22;
	s25 =	smov.u32 s24;
	s24 =	sadd.s32 $0x200, s24  }
0x6e: {  	_ = 	snop  }
0x6f: {  	v2 =	vadd.f32 v3, v2;
	_ =	sdelay $0x1  }
0x70: {  	v2 =	vmax.f32 v2, $0.0e+00  }
0x71: {  	v1 =	vadd.f32 v2, v1;
	_ =	sdelay $0x1  }
0x72: {  	[tilespmem:s23+$0x7170] =	vst v1  }
0x73: {  	v1 =	vld [tilespmem:s22+$0x0];
	_ =	sdelay $0x4  }
0x74: {  	(v2sf) =	vpush v1, $0x0;
	_ =	sdelay $0xc  }
0x75: {  	s25 =	sshra.s32 s25, $0x2  }
0x76: {  	v1 =	vld [tilespmem:s25+$0x3900]  }
0x77: {  	v2 =	vld [tilespmem:s25+$0x100];
	s23 =	spop (v2sf)  }
0x78: {  	s23 =	sshll.u32 s23, $0x9  }
0x79: {  	s23 =	sshra.s32 s23, $0x2  }
0x7a: {  	v3 =	vld [tilespmem:s23+$0x7100];
	_ =	sdelay $0x1  }
0x7b: {  	v1 =	vadd.f32 v1, v2;
	_ =	sdelay $0x1  }
0x7c: {  	v1 =	vmax.f32 v1, $0.0e+00  }
0x7d: {  	v1 =	vadd.f32 v1, v3;
	_ =	sdelay $0x1  }
0x7e: {  	[tilespmem:s23+$0x7100] =	vst v1  }
0x7f: {  	v1 =	vld [tilespmem:s25+$0x110]  }
0x80: {  	v2 =	vld [tilespmem:s25+$0x3910];
	_ =	sdelay $0x1  }
0x81: {  	v3 =	vld [tilespmem:s23+$0x7110];
	_ =	sdelay $0x2  }
0x82: {  	v1 =	vadd.f32 v2, v1;
	_ =	sdelay $0x1  }
0x83: {  	v1 =	vmax.f32 v1, $0.0e+00  }
0x84: {  	v1 =	vadd.f32 v1, v3;
	_ =	sdelay $0x1  }
0x85: {  	[tilespmem:s23+$0x7110] =	vst v1  }
0x86: {  	v1 =	vld [tilespmem:s25+$0x120]  }
0x87: {  	v2 =	vld [tilespmem:s25+$0x3920]  }
0x88: {  	v3 =	vld [tilespmem:s23+$0x7120];
	_ =	sdelay $0x3  }
0x89: {  	v1 =	vadd.f32 v2, v1;
	_ =	sdelay $0x1  }
0x8a: {  	v1 =	vmax.f32 v1, $0.0e+00  }
0x8b: {  	v1 =	vadd.f32 v1, v3;
	_ =	sdelay $0x1  }
0x8c: {  	[tilespmem:s23+$0x7120] =	vst v1;
	v1 =	vld [tilespmem:s23+$0x7130]  }
0x8d: {  	v2 =	vld [tilespmem:s25+$0x130]  }
0x8e: {  	v3 =	vld [tilespmem:s25+$0x3930];
	_ =	sdelay $0x4  }
0x8f: {  	v2 =	vadd.f32 v3, v2;
	_ =	sdelay $0x1  }
0x90: {  	v2 =	vmax.f32 v2, $0.0e+00  }
0x91: {  	v1 =	vadd.f32 v2, v1;
	_ =	sdelay $0x1  }
0x92: {  	[tilespmem:s23+$0x7130] =	vst v1;
	v1 =	vld [tilespmem:s23+$0x7140]  }
0x93: {  	v2 =	vld [tilespmem:s25+$0x140]  }
0x94: {  	v3 =	vld [tilespmem:s25+$0x3940];
	_ =	sdelay $0x4  }
0x95: {  	v2 =	vadd.f32 v3, v2;
	_ =	sdelay $0x1  }
0x96: {  	v2 =	vmax.f32 v2, $0.0e+00  }
0x97: {  	v1 =	vadd.f32 v2, v1;
	_ =	sdelay $0x1  }
0x98: {  	[tilespmem:s23+$0x7140] =	vst v1;
	v1 =	vld [tilespmem:s23+$0x7150]  }
0x99: {  	v2 =	vld [tilespmem:s25+$0x150]  }
0x9a: {  	v3 =	vld [tilespmem:s25+$0x3950];
	_ =	sdelay $0x4  }
0x9b: {  	v2 =	vadd.f32 v3, v2;
	_ =	sdelay $0x1  }
0x9c: {  	v2 =	vmax.f32 v2, $0.0e+00  }
0x9d: {  	v1 =	vadd.f32 v2, v1  }
0x9e: {  	v2 =	vld [tilespmem:s23+$0x7160]  }
0x9f: {  	[tilespmem:s23+$0x7150] =	vst v1  }
0xa0: {  	v1 =	vld [tilespmem:s25+$0x160]  }
0xa1: {  	v3 =	vld [tilespmem:s25+$0x3960];
	_ =	sdelay $0x4  }
0xa2: {  	v1 =	vadd.f32 v3, v1;
	_ =	sdelay $0x1  }
0xa3: {  	v1 =	vmax.f32 v1, $0.0e+00  }
.Ltmp1:
0xa4: {  	v2 =	vadd.f32 v1, v2;
	v1 =	vld [tilespmem:s23+$0x7170];
	(pc) =	sbr.rel @p0 .LBB2_5-.Ltmp1, $4  }
0xa5: {  	_ = 	snop  }
0xa6: {  	[tilespmem:s23+$0x7160] =	vst v2  }
0xa7: {  	v2 =	vld [tilespmem:s25+$0x170]  }
0xa8: {  	v3 =	vld [tilespmem:s25+$0x3970]  }
0xa9: {  	_ =	sdelay $0x2  }
0xaa: {  	s21 =	sadd.s32 $0x1, s21  }
0xab: {  	p0 =	sne.s32 s21, $0x70;
	v2 =	vadd.f32 v3, v2  }
.Ltmp2:
0xac: {  	_ = 	snop;
	(pc) =	sbr.rel @p0 .LBB2_4-.Ltmp2, $3  }
0xad: {  	v2 =	vmax.f32 v2, $0.0e+00  }
0xae: {  	v1 =	vadd.f32 v2, v1;
	_ =	sdelay $0x1  }
0xaf: {  	[tilespmem:s23+$0x7170] =	vst v1  }
0xb0: {  	s19 =	sadd.s32 $0x1, s19  }
0xb1: {  	p0 =	sne.s32 s19, s9  }
.Ltmp3:
0xb2: {  	_ = 	snop;
	(pc) =	sbr.rel @p0 .LBB2_1-.Ltmp3, $4  }
0xb3: {  	[hbm4b:s8+s2] =	stream.linear.scatter [tilespmem:s17], [sflag:$0x5], $0x18800, $0x38;
	[tilespmem:$0x1F900] =	vst v63  }
0xb4: {  	_ =	swait.ge [sflag:s18], $0x18800  }
0xb5: {  	[sflag:s18] =	ssyncset.done $0x0  }
0xb6: {  	[sflag:s18] =	ssyncadd.s32 $0xFFFE7800  }
0xb7: {  	_ =	sfence.sel $0x180000  }
0xb8: {  	[bflag:$0x0] =	sbarrier.arrive $0xFFFF  }
0xb9: {  	p0 =	sne.s32 s1, $0x0;
	_ =	strace $0x90000047  }
0xba: {  	s0 =	sadd.s32 @!p0 $0x100000, s0;
	[bflag:$0x2] =	sbarrier.arrive $0xFFFF  }
0xbb: {  	[sflag:s0] =	ssyncadd.tile.s32 @!p0 $0x1;
	_ =	shalt  }
.Lfunc_end2:
_tile_overlayer_lowered:
.L_overlay_start_2:
0xbc: {  	(tag) =	ssettag $0x2  }
0xbd: {  	s0 =	rddreg [dreg:$0x0];
	s2 =	stileid.u32  }
0xbe: {  	s1 =	rddreg [dreg:$0x1];
	p0 =	sne.s32 s2, $0x0  }
0xbf: {  	s3 =	rddreg [dreg:$0x2];
	[bflag:$0x3] =	sbarrier.arrive $0xFFFF;
	s2 =	simm.s32 @!p0 $0x1C05  }
0xc0: {  	[timem:s3], [sflag:s2] =	dma.local @!p0 [hbm:s0], s1  }
0xc1: {  	s0 =	simm.s32 @!p0 $0x5  }
0xc2: {  	_ =	swait.ge @!p0 [sflag:s0], s1  }
0xc3: {  	s1 =	ssub.s32 @!p0 $0x0, s1;
	[sflag:s0] =	ssyncset.done @!p0 $0x0  }
0xc4: {  	[sflag:s0] =	ssyncadd.s32 @!p0 s1  }
0xc5: {  	[bflag:$0x3] =	sbarrier.arrive $0xFFFF  }
0xc6: {  	_ =	shalt  }

// kernel: kernel.24.cloned.1.call-start
scs
__scs_entry_jumppad:
0x0: {  	(pc) =	sbr.rel $0x88, $3  }
0x1: {  	(tag) =	ssettag $0x0;
	lr =	simm.s32 $0x1  }
0x2: {  	[smem:$0x3F8D] =	sst lr;
	_ =	strace $0xD0000000  }
0x3: {  	_ = 	snop  }
0x4: {  	_ = 	snop  }
0x5: {  	_ = 	snop  }
0x6: {  	_ = 	snop  }
0x7: {  	_ = 	snop  }
__scs_overlays_trampoline_lowered:
0x8: {  	[smem:$0x3F9C] =	sst s0  }
0x9: {  	[smem:$0x3F9D] =	sst s1  }
0xa: {  	[smem:$0x3F9E] =	sst s2  }
0xb: {  	[smem:$0x3F9F] =	sst s3  }
0xc: {  	[smem:$0x3FA0] =	sst s4  }
0xd: {  	[smem:$0x3FA1] =	sst s5  }
0xe: {  	[smem:$0x3FA2] =	sst s6  }
0xf: {  	[smem:$0x3FA3] =	sst s7  }
0x10: {  	[smem:$0x3FA4] =	sst s8  }
0x11: {  	[smem:$0x3FA5] =	sst s9;
	s0 =	simm.s32 @!p0 $0x0  }
0x12: {  	s1 =	sld [smem:$0x3F8B];
	s0 =	simm.s32 @p0 $0x1  }
0x13: {  	[smem:$0x3FA6] =	sst s0;
	s0 =	simm.s32 @!p1 $0x0  }
0x14: {  	s2 =	sld [smem:$0x3F8A];
	s0 =	simm.s32 @p1 $0x1  }
0x15: {  	[smem:$0x3FA7] =	sst s0;
	s0 =	simm.s32 @!p2 $0x0  }
0x16: {  	s3 =	sld [smem:$0x3FDB];
	s0 =	simm.s32 @p2 $0x1  }
0x17: {  	s4 =	simm.s32 $0x1BF5;
	[smem:$0x3FA9] =	sst s0  }
0x18: {  	s0 =	sld [smem:$0x3F8C];
	_ =	swait.ge [sflag:s4], $0x0  }
0x19: {  	s7 =	sld [smem:$0x3F8D]  }
0x1a: {  	s8 =	sadd.s32 $0xFFFFE003, lr  }
0x1b: {  	s9 =	sadd.s32 $0xFFFFFEF7, lr;
	s5 =	simm.s32 $0xFFFFFFFF;
	p2 =	slt.u32 s8, $0xFFFFF086  }
0x1c: {  	p1 =	slt.u32 s9, $0xF7A;
	s5 =	simm.s32 @!p2 $0x0  }
0x1d: {  	s5 =	simm.s32 @p1 $0x1;
	p0 =	seq.s32 s7, s2  }
0x1e: {  	s7 =	smul.u32 @!p0 $0xF7A, s2;
	p2 =	seq.s32 @!p0 s5, $0x0  }
0x1f: {  	s9 =	smul.u32 $0xF7A, s1;
	s8 =	simm.s32 @!p0 $0x1BF5;
	p2 =	por !p2, p0  }
0x20: {  	[sflag:s8] =	ssyncset.s32 @!p0 $0xFFFFF086;
	s6 =	sadd.s32 @!p0 s3, s7;
	s7 =	simm.s32 @!p0 $0x108  }
0x21: {  	s3 =	sadd.s32 s3, s9;
	s6 =	sadd.s32 @!p0 $0x88, s6;
	s7 =	simm.s32 @p2 $0x1082  }
0x22: {  	[simem:s7], [sflag:s8] =	dma.local @!p0 [hbm:s6], $0xF7A  }
0x23: {  	s9 =	sor.u32 $0xD0000000, s2;
	s6 =	simm.s32 $0x108;
	_ =	swait.ge @!p0 [sflag:s8], $0x0  }
0x24: {  	s3 =	sadd.s32 $0x88, s3;
	s6 =	simm.s32 @!p1 $0x1082;
	[sflag:s4] =	ssyncset.s32 $0xFFFFF086  }
0x25: {  	[simem:s6], [sflag:s4] =	dma.local [hbm:s3], $0xF7A  }
0x26: {  	[smem:$0x3F8D] =	sst s1;
	(tag) =	ssettag s2;
	_ =	strace s9  }
0x27: {  	s1 =	sld [smem:$0x3F9D]  }
0x28: {  	s2 =	sld [smem:$0x3F9E]  }
0x29: {  	s4 =	sld [smem:$0x3FA0]  }
0x2a: {  	p0 =	seq.s32 s5, $0x0;
	s5 =	sld [smem:$0x3FA1]  }
0x2b: {  	s6 =	sld [smem:$0x3FA2]  }
0x2c: {  	s7 =	sld [smem:$0x3FA3]  }
0x2d: {  	s3 =	simm.s32 $0x108;
	s8 =	sld [smem:$0x3FA4]  }
0x2e: {  	s3 =	simm.s32 @!p0 $0x1082;
	s9 =	sld [smem:$0x3FA5]  }
0x2f: {  	lr =	sadd.s32 s0, s3;
	s0 =	sld [smem:$0x3F9C]  }
0x30: {  	s3 =	sld [smem:$0x3F9F]  }
0x31: {  	[smem:$0x3FA8] =	sst s10  }
0x32: {  	s10 =	sld [smem:$0x3FA6];
	_ =	sdelay $0x3  }
0x33: {  	p0 =	seq.s32 s10, $0x1;
	s10 =	sld [smem:$0x3FA8];
	_ =	sdelay $0x3  }
0x34: {  	[smem:$0x3FA8] =	sst s10  }
0x35: {  	s10 =	sld [smem:$0x3FA7];
	_ =	sdelay $0x3  }
0x36: {  	p1 =	seq.s32 s10, $0x1;
	s10 =	sld [smem:$0x3FA8];
	_ =	sdelay $0x3  }
0x37: {  	[smem:$0x3FA8] =	sst s10  }
0x38: {  	s10 =	sld [smem:$0x3FA9]  }
0x39: {  	_ = 	snop;
	(pc) =	sbr.ind lr, $3  }
0x3a: {  	_ = 	snop  }
0x3b: {  	_ = 	snop  }
0x3c: {  	p2 =	seq.s32 s10, $0x1;
	s10 =	sld [smem:$0x3FA8]  }
0x3d: {  	_ =	shalt  }
0x3e: {  	_ =	shalt  }
0x3f: {  	_ =	shalt  }
0x40: {  	_ =	shalt  }
0x41: {  	_ =	shalt  }
0x42: {  	_ =	shalt  }
0x43: {  	_ =	shalt  }
0x44: {  	_ =	shalt  }
0x45: {  	_ =	shalt  }
0x46: {  	_ =	shalt  }
0x47: {  	_ =	shalt  }
0x48: {  	_ =	shalt  }
0x49: {  	_ =	shalt  }
0x4a: {  	_ =	shalt  }
0x4b: {  	_ =	shalt  }
0x4c: {  	_ =	shalt  }
0x4d: {  	_ =	shalt  }
0x4e: {  	_ =	shalt  }
0x4f: {  	_ =	shalt  }
0x50: {  	_ =	shalt  }
0x51: {  	_ =	shalt  }
0x52: {  	_ =	shalt  }
0x53: {  	_ =	shalt  }
0x54: {  	_ =	shalt  }
0x55: {  	_ =	shalt  }
0x56: {  	_ =	shalt  }
0x57: {  	_ =	shalt  }
0x58: {  	_ =	shalt  }
0x59: {  	_ =	shalt  }
0x5a: {  	_ =	shalt  }
0x5b: {  	_ =	shalt  }
0x5c: {  	_ =	shalt  }
0x5d: {  	_ =	shalt  }
0x5e: {  	_ =	shalt  }
0x5f: {  	_ =	shalt  }
0x60: {  	_ =	shalt  }
0x61: {  	_ =	shalt  }
0x62: {  	_ =	shalt  }
0x63: {  	_ =	shalt  }
0x64: {  	_ =	shalt  }
0x65: {  	_ =	shalt  }
0x66: {  	_ =	shalt  }
0x67: {  	_ =	shalt  }
0x68: {  	_ =	shalt  }
0x69: {  	_ =	shalt  }
0x6a: {  	_ =	shalt  }
0x6b: {  	_ =	shalt  }
0x6c: {  	_ =	shalt  }
0x6d: {  	_ =	shalt  }
0x6e: {  	_ =	shalt  }
0x6f: {  	_ =	shalt  }
0x70: {  	_ =	shalt  }
0x71: {  	_ =	shalt  }
0x72: {  	_ =	shalt  }
0x73: {  	_ =	shalt  }
0x74: {  	_ =	shalt  }
0x75: {  	_ =	shalt  }
0x76: {  	_ =	shalt  }
0x77: {  	_ =	shalt  }
0x78: {  	_ =	shalt  }
0x79: {  	_ =	shalt  }
0x7a: {  	_ =	shalt  }
0x7b: {  	_ =	shalt  }
0x7c: {  	_ =	shalt  }
0x7d: {  	_ =	shalt  }
0x7e: {  	_ =	shalt  }
0x7f: {  	_ =	shalt  }
0x80: {  	_ =	shalt  }
0x81: {  	_ =	shalt  }
0x82: {  	_ =	shalt  }
0x83: {  	_ =	shalt  }
0x84: {  	_ =	shalt  }
0x85: {  	_ =	shalt  }
0x86: {  	_ =	shalt  }
0x87: {  	_ =	shalt  }
.Lfunc_end0:
.L_simem_size_0:
called_computation.1_lowered:
.L_overlay_start_0:
0x88: {  	s2 =	sld [smem:$0x3FD9]  }
0x89: {  	s3 =	sld [smem:$0x3FFE];
	_ =	sdelay $0x1  }
0x8a: {  	s1 =	srdreg.scid  }
0x8b: {  	s0 =	sand.u32 $0x1, s1  }
0x8c: {  	s16 =	sshll.u32 s0, $0xA;
	s2 =	sadd.s32 s3, s2  }
0x8d: {  	s2 =	sadd.s32 s2, s16  }
0x8e: {  	[smem:$0x3FB4] =	sst s2  }
0x8f: {  	_ = 	snop  }
0x90: {  	(tm) =	ssettm $0x1  }
0x91: {  	s17 =	sld [smem:$0x3FFB];
	_ =	sdelay $0x3  }
0x92: {  	_ =	strace s17  }
0x93: {  	s2 =	sld [smem:$0x3FFC];
	_ =	sdelay $0x3  }
0x94: {  	_ =	strace s2  }
0x95: {  	s2 =	sld [smem:$0x3FFD];
	_ =	sdelay $0x3  }
0x96: {  	_ =	strace s2  }
0x97: {  	_ =	strace $0x8FFFFFFF  }
0x98: {  	s18 =	sld [smem:$0x3FDB];
	_ =	sdelay $0x1  }
0x99: {  	s19 =	simm.s32 $_scs_section_size  }
0x9a: {  	s4 =	simm.s32 $_size__tile_overlayer_lowered;
	s5 =	simm.s32 $_tile_overlayer_lowered  }
0x9b: {  	s22 =	simm.s32 $0x1BFF;
	s21 =	sshll.u32 s5, $0x1;
	s2 =	sadd.s32 s19, s18  }
0x9c: {  	s6 =	simm.s32 $0x0;
	s20 =	sshll.u32 s4, $0x1;
	s4 =	sadd.s32 s21, s2  }
0x9d: {  	[timem:s6], [sflag:s22] =	dma.local [hbm:s4], s20  }
0x9e: {  	_ =	swait.ge [sflag:s22], s20  }
0x9f: {  	s3 =	ssub.s32 $0x0, s20;
	[sflag:s22] =	ssyncset.done $0x0  }
0xa0: {  	[sflag:s22] =	ssyncadd.s32 s3;
	_ =	sdelay $0x1  }
0xa1: {  	s23 =	simm.s32 $0x1B8B  }
0xa2: {  	_ =	swait.ge [sflag:s23], $0x1  }
0xa3: {  	[sflag:s23] =	ssyncset.done $0x0  }
0xa4: {  	s25 =	simm.s32 $0x1B8E;
	s24 =	sld [smem:$0x3FFE];
	[sflag:s23] =	ssyncadd.s32 $0xFFFFFFFF  }
0xa5: {  	s26 =	simm.s32 $execute0_lowered;
	[smem:$0x3FD2] =	sst s25  }
0xa6: {  	s4 =	sshll.u32 s26, $0x1;
	_ =	strace $0x80000049;
	[dreg:$0x1] =	wrdreg $0xFFFFFFFF  }
0xa7: {  	s28 =	simm.s32 $_size_execute0_lowered;
	s2 =	sadd.s32 s2, s4;
	[dreg:$0x0] =	wrdreg $0x0  }
0xa8: {  	s4 =	sshll.u32 s28, $0x1;
	[dreg:$0x2] =	wrdreg s2  }
0xa9: {  	[dreg:$0x3] =	wrdreg s4  }
0xaa: {  	[dreg:$0x4] =	wrdreg $0xC0  }
0xab: {  	_ =	task [dreg:s6], $0x5FFFF  }
0xac: {  	[dreg:$0x1] =	wrdreg $0xFFFFFFFF  }
0xad: {  	[dreg:$0x0] =	wrdreg $0x60  }
0xae: {  	[dreg:$0x2] =	wrdreg s24  }
0xaf: {  	[dreg:$0x3] =	wrdreg $0x9  }
0xb0: {  	_ =	task.clear_ibuf [dreg:s6], $0x4FFFF;
	_ =	strace $0x90000049  }
0xb1: {  	s29 =	simm.s32 $0x9;
	_ =	strace $0x8000004B  }
0xb2: {  	_ =	swait.ge [sflag:s29], $0x1  }
0xb3: {  	[sflag:s29] =	ssyncadd.s32 $0xFFFFFFFF  }
0xb4: {  	_ =	strace $0x9000004B  }
0xb5: {  	_ =	sfence  }
0xb6: {  	s30 =	sld [smem:$0x0];
	_ =	sdelay $0x2  }
0xb7: {  	s31 =	sshll.u32 s1, $0xD;
	s1 =	sshrl.u32 s1, $0x2  }
0xb8: {  	s3 =	sand.u32 $0x4000, s31;
	s1 =	sadd.s32 s1, s30  }
0xb9: {  	s0 =	sor.u32 s3, s0;
	s1 =	sshll.u32 s1, $0x11  }
0xba: {  	s0 =	sor.u32 s1, s0  }
0xbb: {  	s0 =	sadd.s32 $0x8F2B, s0  }
0xbc: {  	[sflag:s0] =	ssyncadd.remote.s32 $0x1  }
0xbd: {  	_ =	sfence.sel $0xFFFF  }
0xbe: {  	[dreg:$0x0] =	wrdreg $0xFFFFFFFF;
	(pc) =	sbr.abs _section_cstart, $3  }
0xbf: {  	[dreg:$0x1] =	wrdreg $0xFFFFFFFF  }
0xc0: {  	_ =	task.clear_ibuf [dreg:s6], $0x2FFFF;
	_ =	strace $0x9FFFFFFF  }
0xc1: {  	(tm) =	ssettm $0x7FFFFFFF  }
tec
execute0_lowered:
.L_overlay_start_1:
0x0: {  	(tag) =	ssettag $0x1  }
0x1: {  	s8 =	rddreg [dreg:$0x0]  }
0x2: {  	s1 =	srdreg.scid;
	s0 =	rddreg [dreg:$0x1];
	s2 =	simm.s32 $0x0  }
0x3: {  	s11 =	simm.s32 $0x1;
	s12 =	simm.s32 $0x70;
	s13 =	simm.s32 $0x100  }
0x4: {  	s14 =	simm.s32 $0x2;
	s15 =	simm.s32 $0x3;
	s16 =	simm.s32 $0x4  }
0x5: {  	s17 =	simm.s32 $0x7100;
	s18 =	simm.s32 $0x5;
	s5 =	sand.u32 $0x1, s1  }
0x6: {  	s19 =	simm.s32 $0x0;
	s1 =	stileid.u32;
	s3 =	sshll.u32 s5, $0x4  }
0x7: {  	[smem:$0x7FF] =	sst s2;
	s6 =	sadd.s32 $0x77600, s8;
	s4 =	sor.u32 s1, s3  }
0x8: {  	s7 =	sadd.s32 $0xD8A000, s8;
	s9 =	ssub.s32 $0x2, s5;
	s4 =	smul.u32 $0x3100, s4  }
0x9: {  	_ =	strace $0x8000004A;
	s5 =	sadd.s32 $0x6B200, s8;
	s10 =	sshrl.u32 s9, $0x1  }
0xa: {  	s3 =	sadd.s32 $0x708000, s8;
	s9 =	ssub.s32 s9, s10;
	s8 =	sadd.s32 s4, s8  }
0xb: {  	v0 =	vimm.f32 $0.0e+00;
	s10 =	simm.s32 $0x3900;
	s9 =	smax.u32 s9, $0x1;
	s8 =	sadd.s32 $0x76A000, s8  }
.LBB2_1:
0xc: {  	s21 =	simm.s32 $0x0;
	s20 =	simm.s32 $0x200  }
.LBB2_2:
0xd: {  	p0 =	sne.s32 s20, $0x61E00;
	[tilespmem:s21+$0x7170] =	vst v0  }
0xe: {  	[tilespmem:s21+$0x7100] =	vst v0  }
0xf: {  	[tilespmem:s21+$0x7110] =	vst v0  }
.Ltmp0:
0x10: {  	[tilespmem:s21+$0x7120] =	vst v0;
	(pc) =	sbr.rel @p0 .LBB2_2-.Ltmp0, $4  }
0x11: {  	[tilespmem:s21+$0x7130] =	vst v0  }
0x12: {  	[tilespmem:s21+$0x7140] =	vst v0  }
0x13: {  	[tilespmem:s21+$0x7150] =	vst v0  }
0x14: {  	[tilespmem:s21+$0x7160] =	vst v0;
	s21 =	sshra.s32 s20, $0x2;
	s20 =	sadd.s32 $0x200, s20  }
0x15: {  	[tilespmem:s21+$0x7170] =	vst v0  }
0x16: {  	[tilespmem:s21+$0x7100] =	vst v0  }
0x17: {  	[tilespmem:s21+$0x7110] =	vst v0  }
0x18: {  	[tilespmem:s21+$0x7120] =	vst v0  }
0x19: {  	[tilespmem:s21+$0x7130] =	vst v0  }
0x1a: {  	[tilespmem:s21+$0x7140] =	vst v0  }
0x1b: {  	[tilespmem:s21+$0x7150] =	vst v0  }
0x1c: {  	s20 =	simm.s32 $0x0;
	[tilespmem:s21+$0x7160] =	vst v0;
	s21 =	simm.s32 $0x0  }
.LBB2_4:
0x1d: {  	s22 =	smul.u32 $0x70, s21;
	_ =	sdelay $0x1  }
0x1e: {  	s23 =	sadd.s32 s4, s22  }
0x1f: {  	s22 =	sshrl.u32 s23, $0x3  }
0x20: {  	s24 =	sadd.s32 s5, s22  }
0x21: {  	[tilespmem:s20], [sflag:$0x1] =	stream.linear.gather [hbm4b:s24+s20], $0x70, $0x38;
	[tilespmem:$0x1F900] =	vst v63  }
0x22: {  	s23 =	sshll.u32 s23, $0x4;
	s30 =	sadd.s32 s6, s22;
	s22 =	simm.s32 $0x80  }
0x23: {  	[tilespmem:s22], [sflag:$0x2] =	stream.linear.gather [hbm4b:s30+s20], $0x70, $0x38;
	[tilespmem:$0x1F900] =	vst v63  }
0x24: {  	s23 =	sadd.s32 s7, s23  }
0x25: {  	[tilespmem:s10], [sflag:$0x3] =	stream.linear.gather [hbm4b:s23+s20], $0x3800, $0x38;
	[tilespmem:$0x1F900] =	vst v63  }
0x26: {  	_ =	swait.ge [sflag:s11], $0x70  }
0x27: {  	[sflag:s11] =	ssyncset.done $0x0  }
0x28: {  	[sflag:s11] =	ssyncadd.s32 $0xFFFFFF90  }
0x29: {  	[tilespmem:s13], [sflag:$0x4] =	stream.indirect.gather [hbm4b:s3+s12], $0x80, s20, s12, $0xb8;
	[tilespmem:$0x1F900] =	vst v63  }
0x2a: {  	_ =	swait.ge [sflag:s14], $0x70  }
0x2b: {  	[sflag:s14] =	ssyncset.done $0x0  }
0x2c: {  	[sflag:s14] =	ssyncadd.s32 $0xFFFFFF90  }
0x2d: {  	_ =	swait.ge [sflag:s15], $0x3800  }
0x2e: {  	[sflag:s15] =	ssyncset.done $0x0  }
0x2f: {  	[sflag:s15] =	ssyncadd.s32 $0xFFFFC800  }
0x30: {  	_ =	swait.ge [sflag:s16], $0x3800  }
0x31: {  	[sflag:s16] =	ssyncset.done $0x0  }
0x32: {  	[sflag:s16] =	ssyncadd.s32 $0xFFFFC800  }
0x33: {  	v1 =	vld [tilespmem:s22+$0x0];
	_ =	sdelay $0x4  }
0x34: {  	(v2sf) =	vpush v1, $0x0;
	_ =	sdelay $0xc  }
0x35: {  	s25 =	simm.s32 $0x0  }
0x36: {  	v2 =	vld [tilespmem:s25+$0x100]  }
0x37: {  	v1 =	vld [tilespmem:s25+$0x3900];
	s31 =	spop (v2sf)  }
0x38: {  	s23 =	sshll.u32 s31, $0x9  }
0x39: {  	s23 =	sshra.s32 s23, $0x2  }
0x3a: {  	v3 =	vld [tilespmem:s23+$0x7100];
	_ =	sdelay $0x1  }
0x3b: {  	v1 =	vadd.f32 v1, v2;
	_ =	sdelay $0x1  }
0x3c: {  	v1 =	vmax.f32 v1, $0.0e+00  }
0x3d: {  	v1 =	vadd.f32 v1, v3;
	_ =	sdelay $0x1  }
0x3e: {  	[tilespmem:s23+$0x7100] =	vst v1  }
0x3f: {  	v1 =	vld [tilespmem:s25+$0x110]  }
0x40: {  	v2 =	vld [tilespmem:s25+$0x3910];
	_ =	sdelay $0x2  }
0x41: {  	v3 =	vld [tilespmem:s23+$0x7110];
	_ =	sdelay $0x1  }
0x42: {  	v1 =	vadd.f32 v2, v1;
	_ =	sdelay $0x1  }
0x43: {  	v1 =	vmax.f32 v1, $0.0e+00  }
0x44: {  	v1 =	vadd.f32 v1, v3;
	_ =	sdelay $0x1  }
0x45: {  	[tilespmem:s23+$0x7110] =	vst v1  }
0x46: {  	v1 =	vld [tilespmem:s25+$0x120]  }
0x47: {  	v2 =	vld [tilespmem:s25+$0x3920];
	_ =	sdelay $0x2  }
0x48: {  	v3 =	vld [tilespmem:s23+$0x7120];
	_ =	sdelay $0x1  }
0x49: {  	v1 =	vadd.f32 v2, v1;
	_ =	sdelay $0x1  }
0x4a: {  	v1 =	vmax.f32 v1, $0.0e+00  }
0x4b: {  	v1 =	vadd.f32 v1, v3;
	_ =	sdelay $0x1  }
0x4c: {  	[tilespmem:s23+$0x7120] =	vst v1  }
0x4d: {  	v1 =	vld [tilespmem:s25+$0x130]  }
0x4e: {  	v2 =	vld [tilespmem:s25+$0x3930];
	_ =	sdelay $0x2  }
0x4f: {  	v3 =	vld [tilespmem:s23+$0x7130];
	_ =	sdelay $0x1  }
0x50: {  	v1 =	vadd.f32 v2, v1;
	_ =	sdelay $0x1  }
0x51: {  	v1 =	vmax.f32 v1, $0.0e+00  }
0x52: {  	v1 =	vadd.f32 v1, v3;
	_ =	sdelay $0x1  }
0x53: {  	[tilespmem:s23+$0x7130] =	vst v1  }
0x54: {  	v1 =	vld [tilespmem:s25+$0x140]  }
0x55: {  	v2 =	vld [tilespmem:s25+$0x3940];
	_ =	sdelay $0x2  }
0x56: {  	v3 =	vld [tilespmem:s23+$0x7140];
	_ =	sdelay $0x1  }
0x57: {  	v1 =	vadd.f32 v2, v1;
	_ =	sdelay $0x1  }
0x58: {  	v1 =	vmax.f32 v1, $0.0e+00  }
0x59: {  	v1 =	vadd.f32 v1, v3;
	_ =	sdelay $0x1  }
0x5a: {  	[tilespmem:s23+$0x7140] =	vst v1  }
0x5b: {  	v1 =	vld [tilespmem:s25+$0x150]  }
0x5c: {  	v2 =	vld [tilespmem:s25+$0x3950];
	_ =	sdelay $0x2  }
0x5d: {  	v3 =	vld [tilespmem:s23+$0x7150];
	_ =	sdelay $0x1  }
0x5e: {  	v1 =	vadd.f32 v2, v1;
	_ =	sdelay $0x1  }
0x5f: {  	v1 =	vmax.f32 v1, $0.0e+00  }
0x60: {  	v1 =	vadd.f32 v1, v3;
	_ =	sdelay $0x1  }
0x61: {  	[tilespmem:s23+$0x7150] =	vst v1  }
0x62: {  	v1 =	vld [tilespmem:s25+$0x160]  }
0x63: {  	v3 =	vld [tilespmem:s25+$0x3960];
	_ =	sdelay $0x2  }
0x64: {  	v2 =	vld [tilespmem:s23+$0x7160];
	_ =	sdelay $0x1  }
0x65: {  	v1 =	vadd.f32 v3, v1;
	_ =	sdelay $0x1  }
0x66: {  	v1 =	vmax.f32 v1, $0.0e+00  }
0x67: {  	v2 =	vadd.f32 v1, v2;
	_ =	sdelay $0x1  }
0x68: {  	v1 =	vld [tilespmem:s23+$0x7170];
	[tilespmem:s23+$0x7160] =	vst v2  }
0x69: {  	v2 =	vld [tilespmem:s25+$0x170]  }
0x6a: {  	s24 =	simm.s32 $0x200;
	v3 =	vld [tilespmem:s25+$0x3970]  }
.LBB2_5:
0x6b: {  	_ = 	snop  }
0x6c: {  	p0 =	sne.s32 s24, $0xDE00  }
0x6d: {  	s22 =	sadd.s32 $0x1, s22;
	s25 =	smov.u32 s24;
	s24 =	sadd.s32 $0x200, s24  }
0x6e: {  	_ = 	snop  }
0x6f: {  	v2 =	vadd.f32 v3, v2;
	_ =	sdelay $0x1  }
0x70: {  	v2 =	vmax.f32 v2, $0.0e+00  }
0x71: {  	v1 =	vadd.f32 v2, v1;
	_ =	sdelay $0x1  }
0x72: {  	[tilespmem:s23+$0x7170] =	vst v1  }
0x73: {  	v1 =	vld [tilespmem:s22+$0x0];
	_ =	sdelay $0x4  }
0x74: {  	(v2sf) =	vpush v1, $0x0;
	_ =	sdelay $0xc  }
0x75: {  	s25 =	sshra.s32 s25, $0x2  }
0x76: {  	v1 =	vld [tilespmem:s25+$0x3900]  }
0x77: {  	v2 =	vld [tilespmem:s25+$0x100];
	s23 =	spop (v2sf)  }
0x78: {  	s23 =	sshll.u32 s23, $0x9  }
0x79: {  	s23 =	sshra.s32 s23, $0x2  }
0x7a: {  	v3 =	vld [tilespmem:s23+$0x7100];
	_ =	sdelay $0x1  }
0x7b: {  	v1 =	vadd.f32 v1, v2;
	_ =	sdelay $0x1  }
0x7c: {  	v1 =	vmax.f32 v1, $0.0e+00  }
0x7d: {  	v1 =	vadd.f32 v1, v3;
	_ =	sdelay $0x1  }
0x7e: {  	[tilespmem:s23+$0x7100] =	vst v1  }
0x7f: {  	v1 =	vld [tilespmem:s25+$0x110]  }
0x80: {  	v2 =	vld [tilespmem:s25+$0x3910];
	_ =	sdelay $0x1  }
0x81: {  	v3 =	vld [tilespmem:s23+$0x7110];
	_ =	sdelay $0x2  }
0x82: {  	v1 =	vadd.f32 v2, v1;
	_ =	sdelay $0x1  }
0x83: {  	v1 =	vmax.f32 v1, $0.0e+00  }
0x84: {  	v1 =	vadd.f32 v1, v3;
	_ =	sdelay $0x1  }
0x85: {  	[tilespmem:s23+$0x7110] =	vst v1  }
0x86: {  	v1 =	vld [tilespmem:s25+$0x120]  }
0x87: {  	v2 =	vld [tilespmem:s25+$0x3920]  }
0x88: {  	v3 =	vld [tilespmem:s23+$0x7120];
	_ =	sdelay $0x3  }
0x89: {  	v1 =	vadd.f32 v2, v1;
	_ =	sdelay $0x1  }
0x8a: {  	v1 =	vmax.f32 v1, $0.0e+00  }
0x8b: {  	v1 =	vadd.f32 v1, v3;
	_ =	sdelay $0x1  }
0x8c: {  	[tilespmem:s23+$0x7120] =	vst v1;
	v1 =	vld [tilespmem:s23+$0x7130]  }
0x8d: {  	v2 =	vld [tilespmem:s25+$0x130]  }
0x8e: {  	v3 =	vld [tilespmem:s25+$0x3930];
	_ =	sdelay $0x4  }
0x8f: {  	v2 =	vadd.f32 v3, v2;
	_ =	sdelay $0x1  }
0x90: {  	v2 =	vmax.f32 v2, $0.0e+00  }
0x91: {  	v1 =	vadd.f32 v2, v1;
	_ =	sdelay $0x1  }
0x92: {  	[tilespmem:s23+$0x7130] =	vst v1;
	v1 =	vld [tilespmem:s23+$0x7140]  }
0x93: {  	v2 =	vld [tilespmem:s25+$0x140]  }
0x94: {  	v3 =	vld [tilespmem:s25+$0x3940];
	_ =	sdelay $0x4  }
0x95: {  	v2 =	vadd.f32 v3, v2;
	_ =	sdelay $0x1  }
0x96: {  	v2 =	vmax.f32 v2, $0.0e+00  }
0x97: {  	v1 =	vadd.f32 v2, v1;
	_ =	sdelay $0x1  }
0x98: {  	[tilespmem:s23+$0x7140] =	vst v1;
	v1 =	vld [tilespmem:s23+$0x7150]  }
0x99: {  	v2 =	vld [tilespmem:s25+$0x150]  }
0x9a: {  	v3 =	vld [tilespmem:s25+$0x3950];
	_ =	sdelay $0x4  }
0x9b: {  	v2 =	vadd.f32 v3, v2;
	_ =	sdelay $0x1  }
0x9c: {  	v2 =	vmax.f32 v2, $0.0e+00  }
0x9d: {  	v1 =	vadd.f32 v2, v1  }
0x9e: {  	v2 =	vld [tilespmem:s23+$0x7160]  }
0x9f: {  	[tilespmem:s23+$0x7150] =	vst v1  }
0xa0: {  	v1 =	vld [tilespmem:s25+$0x160]  }
0xa1: {  	v3 =	vld [tilespmem:s25+$0x3960];
	_ =	sdelay $0x4  }
0xa2: {  	v1 =	vadd.f32 v3, v1;
	_ =	sdelay $0x1  }
0xa3: {  	v1 =	vmax.f32 v1, $0.0e+00  }
.Ltmp1:
0xa4: {  	v2 =	vadd.f32 v1, v2;
	v1 =	vld [tilespmem:s23+$0x7170];
	(pc) =	sbr.rel @p0 .LBB2_5-.Ltmp1, $4  }
0xa5: {  	_ = 	snop  }
0xa6: {  	[tilespmem:s23+$0x7160] =	vst v2  }
0xa7: {  	v2 =	vld [tilespmem:s25+$0x170]  }
0xa8: {  	v3 =	vld [tilespmem:s25+$0x3970]  }
0xa9: {  	_ =	sdelay $0x2  }
0xaa: {  	s21 =	sadd.s32 $0x1, s21  }
0xab: {  	p0 =	sne.s32 s21, $0x70;
	v2 =	vadd.f32 v3, v2  }
.Ltmp2:
0xac: {  	_ = 	snop;
	(pc) =	sbr.rel @p0 .LBB2_4-.Ltmp2, $3  }
0xad: {  	v2 =	vmax.f32 v2, $0.0e+00  }
0xae: {  	v1 =	vadd.f32 v2, v1;
	_ =	sdelay $0x1  }
0xaf: {  	[tilespmem:s23+$0x7170] =	vst v1  }
0xb0: {  	s19 =	sadd.s32 $0x1, s19  }
0xb1: {  	p0 =	sne.s32 s19, s9  }
.Ltmp3:
0xb2: {  	_ = 	snop;
	(pc) =	sbr.rel @p0 .LBB2_1-.Ltmp3, $4  }
0xb3: {  	[hbm4b:s8+s2] =	stream.linear.scatter [tilespmem:s17], [sflag:$0x5], $0x18800, $0x38;
	[tilespmem:$0x1F900] =	vst v63  }
0xb4: {  	_ =	swait.ge [sflag:s18], $0x18800  }
0xb5: {  	[sflag:s18] =	ssyncset.done $0x0  }
0xb6: {  	[sflag:s18] =	ssyncadd.s32 $0xFFFE7800  }
0xb7: {  	_ =	sfence.sel $0x180000  }
0xb8: {  	[bflag:$0x0] =	sbarrier.arrive $0xFFFF  }
0xb9: {  	p0 =	sne.s32 s1, $0x0;
	_ =	strace $0x9000004A  }
0xba: {  	s0 =	sadd.s32 @!p0 $0x100000, s0;
	[bflag:$0x2] =	sbarrier.arrive $0xFFFF  }
0xbb: {  	[sflag:s0] =	ssyncadd.tile.s32 @!p0 $0x1;
	_ =	shalt  }
.Lfunc_end2:
_tile_overlayer_lowered:
.L_overlay_start_2:
0xbc: {  	(tag) =	ssettag $0x2  }
0xbd: {  	s0 =	rddreg [dreg:$0x0];
	s2 =	stileid.u32  }
0xbe: {  	s1 =	rddreg [dreg:$0x1];
	p0 =	sne.s32 s2, $0x0  }
0xbf: {  	s3 =	rddreg [dreg:$0x2];
	[bflag:$0x3] =	sbarrier.arrive $0xFFFF;
	s2 =	simm.s32 @!p0 $0x1C05  }
0xc0: {  	[timem:s3], [sflag:s2] =	dma.local @!p0 [hbm:s0], s1  }
0xc1: {  	s0 =	simm.s32 @!p0 $0x5  }
0xc2: {  	_ =	swait.ge @!p0 [sflag:s0], s1  }
0xc3: {  	s1 =	ssub.s32 @!p0 $0x0, s1;
	[sflag:s0] =	ssyncset.done @!p0 $0x0  }
0xc4: {  	[sflag:s0] =	ssyncadd.s32 @!p0 s1  }
0xc5: {  	[bflag:$0x3] =	sbarrier.arrive $0xFFFF  }
0xc6: {  	_ =	shalt  }

// kernel: kernel.27.cloned.1.call-start
scs
__scs_entry_jumppad:
0x0: {  	(pc) =	sbr.rel $0x88, $3  }
0x1: {  	(tag) =	ssettag $0x0;
	lr =	simm.s32 $0x1  }
0x2: {  	[smem:$0x3F8D] =	sst lr;
	_ =	strace $0xD0000000  }
0x3: {  	_ = 	snop  }
0x4: {  	_ = 	snop  }
0x5: {  	_ = 	snop  }
0x6: {  	_ = 	snop  }
0x7: {  	_ = 	snop  }
__scs_overlays_trampoline_lowered:
0x8: {  	[smem:$0x3F9C] =	sst s0  }
0x9: {  	[smem:$0x3F9D] =	sst s1  }
0xa: {  	[smem:$0x3F9E] =	sst s2  }
0xb: {  	[smem:$0x3F9F] =	sst s3  }
0xc: {  	[smem:$0x3FA0] =	sst s4  }
0xd: {  	[smem:$0x3FA1] =	sst s5  }
0xe: {  	[smem:$0x3FA2] =	sst s6  }
0xf: {  	[smem:$0x3FA3] =	sst s7  }
0x10: {  	[smem:$0x3FA4] =	sst s8  }
0x11: {  	[smem:$0x3FA5] =	sst s9;
	s0 =	simm.s32 @!p0 $0x0  }
0x12: {  	s1 =	sld [smem:$0x3F8B];
	s0 =	simm.s32 @p0 $0x1  }
0x13: {  	[smem:$0x3FA6] =	sst s0;
	s0 =	simm.s32 @!p1 $0x0  }
0x14: {  	s2 =	sld [smem:$0x3F8A];
	s0 =	simm.s32 @p1 $0x1  }
0x15: {  	[smem:$0x3FA7] =	sst s0;
	s0 =	simm.s32 @!p2 $0x0  }
0x16: {  	s3 =	sld [smem:$0x3FDB];
	s0 =	simm.s32 @p2 $0x1  }
0x17: {  	s4 =	simm.s32 $0x1BF5;
	[smem:$0x3FA9] =	sst s0  }
0x18: {  	s0 =	sld [smem:$0x3F8C];
	_ =	swait.ge [sflag:s4], $0x0  }
0x19: {  	s7 =	sld [smem:$0x3F8D]  }
0x1a: {  	s8 =	sadd.s32 $0xFFFFE003, lr  }
0x1b: {  	s9 =	sadd.s32 $0xFFFFFEF7, lr;
	s5 =	simm.s32 $0xFFFFFFFF;
	p2 =	slt.u32 s8, $0xFFFFF086  }
0x1c: {  	p1 =	slt.u32 s9, $0xF7A;
	s5 =	simm.s32 @!p2 $0x0  }
0x1d: {  	s5 =	simm.s32 @p1 $0x1;
	p0 =	seq.s32 s7, s2  }
0x1e: {  	s7 =	smul.u32 @!p0 $0xF7A, s2;
	p2 =	seq.s32 @!p0 s5, $0x0  }
0x1f: {  	s9 =	smul.u32 $0xF7A, s1;
	s8 =	simm.s32 @!p0 $0x1BF5;
	p2 =	por !p2, p0  }
0x20: {  	[sflag:s8] =	ssyncset.s32 @!p0 $0xFFFFF086;
	s6 =	sadd.s32 @!p0 s3, s7;
	s7 =	simm.s32 @!p0 $0x108  }
0x21: {  	s3 =	sadd.s32 s3, s9;
	s6 =	sadd.s32 @!p0 $0x88, s6;
	s7 =	simm.s32 @p2 $0x1082  }
0x22: {  	[simem:s7], [sflag:s8] =	dma.local @!p0 [hbm:s6], $0xF7A  }
0x23: {  	s9 =	sor.u32 $0xD0000000, s2;
	s6 =	simm.s32 $0x108;
	_ =	swait.ge @!p0 [sflag:s8], $0x0  }
0x24: {  	s3 =	sadd.s32 $0x88, s3;
	s6 =	simm.s32 @!p1 $0x1082;
	[sflag:s4] =	ssyncset.s32 $0xFFFFF086  }
0x25: {  	[simem:s6], [sflag:s4] =	dma.local [hbm:s3], $0xF7A  }
0x26: {  	[smem:$0x3F8D] =	sst s1;
	(tag) =	ssettag s2;
	_ =	strace s9  }
0x27: {  	s1 =	sld [smem:$0x3F9D]  }
0x28: {  	s2 =	sld [smem:$0x3F9E]  }
0x29: {  	s4 =	sld [smem:$0x3FA0]  }
0x2a: {  	p0 =	seq.s32 s5, $0x0;
	s5 =	sld [smem:$0x3FA1]  }
0x2b: {  	s6 =	sld [smem:$0x3FA2]  }
0x2c: {  	s7 =	sld [smem:$0x3FA3]  }
0x2d: {  	s3 =	simm.s32 $0x108;
	s8 =	sld [smem:$0x3FA4]  }
0x2e: {  	s3 =	simm.s32 @!p0 $0x1082;
	s9 =	sld [smem:$0x3FA5]  }
0x2f: {  	lr =	sadd.s32 s0, s3;
	s0 =	sld [smem:$0x3F9C]  }
0x30: {  	s3 =	sld [smem:$0x3F9F]  }
0x31: {  	[smem:$0x3FA8] =	sst s10  }
0x32: {  	s10 =	sld [smem:$0x3FA6];
	_ =	sdelay $0x3  }
0x33: {  	p0 =	seq.s32 s10, $0x1;
	s10 =	sld [smem:$0x3FA8];
	_ =	sdelay $0x3  }
0x34: {  	[smem:$0x3FA8] =	sst s10  }
0x35: {  	s10 =	sld [smem:$0x3FA7];
	_ =	sdelay $0x3  }
0x36: {  	p1 =	seq.s32 s10, $0x1;
	s10 =	sld [smem:$0x3FA8];
	_ =	sdelay $0x3  }
0x37: {  	[smem:$0x3FA8] =	sst s10  }
0x38: {  	s10 =	sld [smem:$0x3FA9]  }
0x39: {  	_ = 	snop;
	(pc) =	sbr.ind lr, $3  }
0x3a: {  	_ = 	snop  }
0x3b: {  	_ = 	snop  }
0x3c: {  	p2 =	seq.s32 s10, $0x1;
	s10 =	sld [smem:$0x3FA8]  }
0x3d: {  	_ =	shalt  }
0x3e: {  	_ =	shalt  }
0x3f: {  	_ =	shalt  }
0x40: {  	_ =	shalt  }
0x41: {  	_ =	shalt  }
0x42: {  	_ =	shalt  }
0x43: {  	_ =	shalt  }
0x44: {  	_ =	shalt  }
0x45: {  	_ =	shalt  }
0x46: {  	_ =	shalt  }
0x47: {  	_ =	shalt  }
0x48: {  	_ =	shalt  }
0x49: {  	_ =	shalt  }
0x4a: {  	_ =	shalt  }
0x4b: {  	_ =	shalt  }
0x4c: {  	_ =	shalt  }
0x4d: {  	_ =	shalt  }
0x4e: {  	_ =	shalt  }
0x4f: {  	_ =	shalt  }
0x50: {  	_ =	shalt  }
0x51: {  	_ =	shalt  }
0x52: {  	_ =	shalt  }
0x53: {  	_ =	shalt  }
0x54: {  	_ =	shalt  }
0x55: {  	_ =	shalt  }
0x56: {  	_ =	shalt  }
0x57: {  	_ =	shalt  }
0x58: {  	_ =	shalt  }
0x59: {  	_ =	shalt  }
0x5a: {  	_ =	shalt  }
0x5b: {  	_ =	shalt  }
0x5c: {  	_ =	shalt  }
0x5d: {  	_ =	shalt  }
0x5e: {  	_ =	shalt  }
0x5f: {  	_ =	shalt  }
0x60: {  	_ =	shalt  }
0x61: {  	_ =	shalt  }
0x62: {  	_ =	shalt  }
0x63: {  	_ =	shalt  }
0x64: {  	_ =	shalt  }
0x65: {  	_ =	shalt  }
0x66: {  	_ =	shalt  }
0x67: {  	_ =	shalt  }
0x68: {  	_ =	shalt  }
0x69: {  	_ =	shalt  }
0x6a: {  	_ =	shalt  }
0x6b: {  	_ =	shalt  }
0x6c: {  	_ =	shalt  }
0x6d: {  	_ =	shalt  }
0x6e: {  	_ =	shalt  }
0x6f: {  	_ =	shalt  }
0x70: {  	_ =	shalt  }
0x71: {  	_ =	shalt  }
0x72: {  	_ =	shalt  }
0x73: {  	_ =	shalt  }
0x74: {  	_ =	shalt  }
0x75: {  	_ =	shalt  }
0x76: {  	_ =	shalt  }
0x77: {  	_ =	shalt  }
0x78: {  	_ =	shalt  }
0x79: {  	_ =	shalt  }
0x7a: {  	_ =	shalt  }
0x7b: {  	_ =	shalt  }
0x7c: {  	_ =	shalt  }
0x7d: {  	_ =	shalt  }
0x7e: {  	_ =	shalt  }
0x7f: {  	_ =	shalt  }
0x80: {  	_ =	shalt  }
0x81: {  	_ =	shalt  }
0x82: {  	_ =	shalt  }
0x83: {  	_ =	shalt  }
0x84: {  	_ =	shalt  }
0x85: {  	_ =	shalt  }
0x86: {  	_ =	shalt  }
0x87: {  	_ =	shalt  }
.Lfunc_end0:
.L_simem_size_0:
called_computation.2_lowered:
.L_overlay_start_0:
0x88: {  	s2 =	sld [smem:$0x3FD9]  }
0x89: {  	s3 =	sld [smem:$0x3FFE];
	_ =	sdelay $0x1  }
0x8a: {  	s1 =	srdreg.scid  }
0x8b: {  	s0 =	sand.u32 $0x1, s1  }
0x8c: {  	s16 =	sshll.u32 s0, $0xA;
	s2 =	sadd.s32 s3, s2  }
0x8d: {  	s2 =	sadd.s32 s2, s16  }
0x8e: {  	[smem:$0x3FB4] =	sst s2  }
0x8f: {  	_ = 	snop  }
0x90: {  	(tm) =	ssettm $0x1  }
0x91: {  	s17 =	sld [smem:$0x3FFB];
	_ =	sdelay $0x3  }
0x92: {  	_ =	strace s17  }
0x93: {  	s2 =	sld [smem:$0x3FFC];
	_ =	sdelay $0x3  }
0x94: {  	_ =	strace s2  }
0x95: {  	s2 =	sld [smem:$0x3FFD];
	_ =	sdelay $0x3  }
0x96: {  	_ =	strace s2  }
0x97: {  	_ =	strace $0x8FFFFFFF  }
0x98: {  	s18 =	sld [smem:$0x3FDB];
	_ =	sdelay $0x1  }
0x99: {  	s19 =	simm.s32 $_scs_section_size  }
0x9a: {  	s4 =	simm.s32 $_size__tile_overlayer_lowered;
	s5 =	simm.s32 $_tile_overlayer_lowered  }
0x9b: {  	s22 =	simm.s32 $0x1BFF;
	s21 =	sshll.u32 s5, $0x1;
	s2 =	sadd.s32 s19, s18  }
0x9c: {  	s6 =	simm.s32 $0x0;
	s20 =	sshll.u32 s4, $0x1;
	s4 =	sadd.s32 s21, s2  }
0x9d: {  	[timem:s6], [sflag:s22] =	dma.local [hbm:s4], s20  }
0x9e: {  	_ =	swait.ge [sflag:s22], s20  }
0x9f: {  	s3 =	ssub.s32 $0x0, s20;
	[sflag:s22] =	ssyncset.done $0x0  }
0xa0: {  	[sflag:s22] =	ssyncadd.s32 s3;
	_ =	sdelay $0x1  }
0xa1: {  	s23 =	simm.s32 $0x1B8B  }
0xa2: {  	_ =	swait.ge [sflag:s23], $0x1  }
0xa3: {  	[sflag:s23] =	ssyncset.done $0x0  }
0xa4: {  	s25 =	simm.s32 $0x1B8E;
	s24 =	sld [smem:$0x3FFE];
	[sflag:s23] =	ssyncadd.s32 $0xFFFFFFFF  }
0xa5: {  	s26 =	simm.s32 $execute0_lowered;
	[smem:$0x3FD2] =	sst s25  }
0xa6: {  	s4 =	sshll.u32 s26, $0x1;
	_ =	strace $0x8000004C;
	[dreg:$0x1] =	wrdreg $0xFFFFFFFF  }
0xa7: {  	s28 =	simm.s32 $_size_execute0_lowered;
	s2 =	sadd.s32 s2, s4;
	[dreg:$0x0] =	wrdreg $0x0  }
0xa8: {  	s4 =	sshll.u32 s28, $0x1;
	[dreg:$0x2] =	wrdreg s2  }
0xa9: {  	[dreg:$0x3] =	wrdreg s4  }
0xaa: {  	[dreg:$0x4] =	wrdreg $0xC0  }
0xab: {  	_ =	task [dreg:s6], $0x5FFFF  }
0xac: {  	[dreg:$0x1] =	wrdreg $0xFFFFFFFF  }
0xad: {  	[dreg:$0x0] =	wrdreg $0x60  }
0xae: {  	[dreg:$0x2] =	wrdreg s24  }
0xaf: {  	[dreg:$0x3] =	wrdreg $0x9  }
0xb0: {  	_ =	task.clear_ibuf [dreg:s6], $0x4FFFF;
	_ =	strace $0x9000004C  }
0xb1: {  	s29 =	simm.s32 $0x9;
	_ =	strace $0x8000004E  }
0xb2: {  	_ =	swait.ge [sflag:s29], $0x1  }
0xb3: {  	[sflag:s29] =	ssyncadd.s32 $0xFFFFFFFF  }
0xb4: {  	_ =	strace $0x9000004E  }
0xb5: {  	_ =	sfence  }
0xb6: {  	s30 =	sld [smem:$0x0];
	_ =	sdelay $0x2  }
0xb7: {  	s31 =	sshll.u32 s1, $0xD;
	s1 =	sshrl.u32 s1, $0x2  }
0xb8: {  	s3 =	sand.u32 $0x4000, s31;
	s1 =	sadd.s32 s1, s30  }
0xb9: {  	s0 =	sor.u32 s3, s0;
	s1 =	sshll.u32 s1, $0x11  }
0xba: {  	s0 =	sor.u32 s1, s0  }
0xbb: {  	s0 =	sadd.s32 $0x8F2B, s0  }
0xbc: {  	[sflag:s0] =	ssyncadd.remote.s32 $0x1  }
0xbd: {  	_ =	sfence.sel $0xFFFF  }
0xbe: {  	[dreg:$0x0] =	wrdreg $0xFFFFFFFF;
	(pc) =	sbr.abs _section_cstart, $3  }
0xbf: {  	[dreg:$0x1] =	wrdreg $0xFFFFFFFF  }
0xc0: {  	_ =	task.clear_ibuf [dreg:s6], $0x2FFFF;
	_ =	strace $0x9FFFFFFF  }
0xc1: {  	(tm) =	ssettm $0x7FFFFFFF  }
tec
execute0_lowered:
.L_overlay_start_1:
0x0: {  	(tag) =	ssettag $0x1  }
0x1: {  	s8 =	rddreg [dreg:$0x0]  }
0x2: {  	s1 =	srdreg.scid;
	s0 =	rddreg [dreg:$0x1];
	s2 =	simm.s32 $0x0  }
0x3: {  	s11 =	simm.s32 $0x1;
	s12 =	simm.s32 $0x70;
	s13 =	simm.s32 $0x100  }
0x4: {  	s14 =	simm.s32 $0x2;
	s15 =	simm.s32 $0x3;
	s16 =	simm.s32 $0x4  }
0x5: {  	s17 =	simm.s32 $0x7100;
	s18 =	simm.s32 $0x5;
	s5 =	sand.u32 $0x1, s1  }
0x6: {  	s19 =	simm.s32 $0x0;
	s1 =	stileid.u32;
	s3 =	sshll.u32 s5, $0x4  }
0x7: {  	[smem:$0x7FF] =	sst s2;
	s6 =	sadd.s32 $0x77600, s8;
	s4 =	sor.u32 s1, s3  }
0x8: {  	s7 =	sadd.s32 $0x13B1600, s8;
	s9 =	ssub.s32 $0x2, s5;
	s4 =	smul.u32 $0x3100, s4  }
0x9: {  	_ =	strace $0x8000004D;
	s5 =	sadd.s32 $0x6B200, s8;
	s10 =	sshrl.u32 s9, $0x1  }
0xa: {  	s3 =	sadd.s32 $0x9200, s8;
	s9 =	ssub.s32 s9, s10;
	s8 =	sadd.s32 s4, s8  }
0xb: {  	v0 =	vimm.f32 $0.0e+00;
	s10 =	simm.s32 $0x3900;
	s9 =	smax.u32 s9, $0x1;
	s8 =	sadd.s32 $0xE7A00, s8  }
.LBB2_1:
0xc: {  	s21 =	simm.s32 $0x0;
	s20 =	simm.s32 $0x200  }
.LBB2_2:
0xd: {  	p0 =	sne.s32 s20, $0x61E00;
	[tilespmem:s21+$0x7170] =	vst v0  }
0xe: {  	[tilespmem:s21+$0x7100] =	vst v0  }
0xf: {  	[tilespmem:s21+$0x7110] =	vst v0  }
.Ltmp0:
0x10: {  	[tilespmem:s21+$0x7120] =	vst v0;
	(pc) =	sbr.rel @p0 .LBB2_2-.Ltmp0, $4  }
0x11: {  	[tilespmem:s21+$0x7130] =	vst v0  }
0x12: {  	[tilespmem:s21+$0x7140] =	vst v0  }
0x13: {  	[tilespmem:s21+$0x7150] =	vst v0  }
0x14: {  	[tilespmem:s21+$0x7160] =	vst v0;
	s21 =	sshra.s32 s20, $0x2;
	s20 =	sadd.s32 $0x200, s20  }
0x15: {  	[tilespmem:s21+$0x7170] =	vst v0  }
0x16: {  	[tilespmem:s21+$0x7100] =	vst v0  }
0x17: {  	[tilespmem:s21+$0x7110] =	vst v0  }
0x18: {  	[tilespmem:s21+$0x7120] =	vst v0  }
0x19: {  	[tilespmem:s21+$0x7130] =	vst v0  }
0x1a: {  	[tilespmem:s21+$0x7140] =	vst v0  }
0x1b: {  	[tilespmem:s21+$0x7150] =	vst v0  }
0x1c: {  	s20 =	simm.s32 $0x0;
	[tilespmem:s21+$0x7160] =	vst v0;
	s21 =	simm.s32 $0x0  }
.LBB2_4:
0x1d: {  	s22 =	smul.u32 $0x70, s21;
	_ =	sdelay $0x1  }
0x1e: {  	s23 =	sadd.s32 s4, s22  }
0x1f: {  	s22 =	sshrl.u32 s23, $0x3  }
0x20: {  	s24 =	sadd.s32 s5, s22  }
0x21: {  	[tilespmem:s20], [sflag:$0x1] =	stream.linear.gather [hbm4b:s24+s20], $0x70, $0x38;
	[tilespmem:$0x1F900] =	vst v63  }
0x22: {  	s23 =	sshll.u32 s23, $0x4;
	s30 =	sadd.s32 s6, s22;
	s22 =	simm.s32 $0x80  }
0x23: {  	[tilespmem:s22], [sflag:$0x2] =	stream.linear.gather [hbm4b:s30+s20], $0x70, $0x38;
	[tilespmem:$0x1F900] =	vst v63  }
0x24: {  	s23 =	sadd.s32 s7, s23  }
0x25: {  	[tilespmem:s10], [sflag:$0x3] =	stream.linear.gather [hbm4b:s23+s20], $0x3800, $0x38;
	[tilespmem:$0x1F900] =	vst v63  }
0x26: {  	_ =	swait.ge [sflag:s11], $0x70  }
0x27: {  	[sflag:s11] =	ssyncset.done $0x0  }
0x28: {  	[sflag:s11] =	ssyncadd.s32 $0xFFFFFF90  }
0x29: {  	[tilespmem:s13], [sflag:$0x4] =	stream.indirect.gather [hbm4b:s3+s12], $0x80, s20, s12, $0xb8;
	[tilespmem:$0x1F900] =	vst v63  }
0x2a: {  	_ =	swait.ge [sflag:s14], $0x70  }
0x2b: {  	[sflag:s14] =	ssyncset.done $0x0  }
0x2c: {  	[sflag:s14] =	ssyncadd.s32 $0xFFFFFF90  }
0x2d: {  	_ =	swait.ge [sflag:s15], $0x3800  }
0x2e: {  	[sflag:s15] =	ssyncset.done $0x0  }
0x2f: {  	[sflag:s15] =	ssyncadd.s32 $0xFFFFC800  }
0x30: {  	_ =	swait.ge [sflag:s16], $0x3800  }
0x31: {  	[sflag:s16] =	ssyncset.done $0x0  }
0x32: {  	[sflag:s16] =	ssyncadd.s32 $0xFFFFC800  }
0x33: {  	v1 =	vld [tilespmem:s22+$0x0];
	_ =	sdelay $0x4  }
0x34: {  	(v2sf) =	vpush v1, $0x0;
	_ =	sdelay $0xc  }
0x35: {  	s25 =	simm.s32 $0x0  }
0x36: {  	v2 =	vld [tilespmem:s25+$0x100]  }
0x37: {  	v1 =	vld [tilespmem:s25+$0x3900];
	s31 =	spop (v2sf)  }
0x38: {  	s23 =	sshll.u32 s31, $0x9  }
0x39: {  	s23 =	sshra.s32 s23, $0x2  }
0x3a: {  	v3 =	vld [tilespmem:s23+$0x7100];
	_ =	sdelay $0x1  }
0x3b: {  	v1 =	vadd.f32 v1, v2;
	_ =	sdelay $0x1  }
0x3c: {  	v1 =	vmax.f32 v1, $0.0e+00  }
0x3d: {  	v1 =	vadd.f32 v1, v3;
	_ =	sdelay $0x1  }
0x3e: {  	[tilespmem:s23+$0x7100] =	vst v1  }
0x3f: {  	v1 =	vld [tilespmem:s25+$0x110]  }
0x40: {  	v2 =	vld [tilespmem:s25+$0x3910];
	_ =	sdelay $0x2  }
0x41: {  	v3 =	vld [tilespmem:s23+$0x7110];
	_ =	sdelay $0x1  }
0x42: {  	v1 =	vadd.f32 v2, v1;
	_ =	sdelay $0x1  }
0x43: {  	v1 =	vmax.f32 v1, $0.0e+00  }
0x44: {  	v1 =	vadd.f32 v1, v3;
	_ =	sdelay $0x1  }
0x45: {  	[tilespmem:s23+$0x7110] =	vst v1  }
0x46: {  	v1 =	vld [tilespmem:s25+$0x120]  }
0x47: {  	v2 =	vld [tilespmem:s25+$0x3920];
	_ =	sdelay $0x2  }
0x48: {  	v3 =	vld [tilespmem:s23+$0x7120];
	_ =	sdelay $0x1  }
0x49: {  	v1 =	vadd.f32 v2, v1;
	_ =	sdelay $0x1  }
0x4a: {  	v1 =	vmax.f32 v1, $0.0e+00  }
0x4b: {  	v1 =	vadd.f32 v1, v3;
	_ =	sdelay $0x1  }
0x4c: {  	[tilespmem:s23+$0x7120] =	vst v1  }
0x4d: {  	v1 =	vld [tilespmem:s25+$0x130]  }
0x4e: {  	v2 =	vld [tilespmem:s25+$0x3930];
	_ =	sdelay $0x2  }
0x4f: {  	v3 =	vld [tilespmem:s23+$0x7130];
	_ =	sdelay $0x1  }
0x50: {  	v1 =	vadd.f32 v2, v1;
	_ =	sdelay $0x1  }
0x51: {  	v1 =	vmax.f32 v1, $0.0e+00  }
0x52: {  	v1 =	vadd.f32 v1, v3;
	_ =	sdelay $0x1  }
0x53: {  	[tilespmem:s23+$0x7130] =	vst v1  }
0x54: {  	v1 =	vld [tilespmem:s25+$0x140]  }
0x55: {  	v2 =	vld [tilespmem:s25+$0x3940];
	_ =	sdelay $0x2  }
0x56: {  	v3 =	vld [tilespmem:s23+$0x7140];
	_ =	sdelay $0x1  }
0x57: {  	v1 =	vadd.f32 v2, v1;
	_ =	sdelay $0x1  }
0x58: {  	v1 =	vmax.f32 v1, $0.0e+00  }
0x59: {  	v1 =	vadd.f32 v1, v3;
	_ =	sdelay $0x1  }
0x5a: {  	[tilespmem:s23+$0x7140] =	vst v1  }
0x5b: {  	v1 =	vld [tilespmem:s25+$0x150]  }
0x5c: {  	v2 =	vld [tilespmem:s25+$0x3950];
	_ =	sdelay $0x2  }
0x5d: {  	v3 =	vld [tilespmem:s23+$0x7150];
	_ =	sdelay $0x1  }
0x5e: {  	v1 =	vadd.f32 v2, v1;
	_ =	sdelay $0x1  }
0x5f: {  	v1 =	vmax.f32 v1, $0.0e+00  }
0x60: {  	v1 =	vadd.f32 v1, v3;
	_ =	sdelay $0x1  }
0x61: {  	[tilespmem:s23+$0x7150] =	vst v1  }
0x62: {  	v1 =	vld [tilespmem:s25+$0x160]  }
0x63: {  	v3 =	vld [tilespmem:s25+$0x3960];
	_ =	sdelay $0x2  }
0x64: {  	v2 =	vld [tilespmem:s23+$0x7160];
	_ =	sdelay $0x1  }
0x65: {  	v1 =	vadd.f32 v3, v1;
	_ =	sdelay $0x1  }
0x66: {  	v1 =	vmax.f32 v1, $0.0e+00  }
0x67: {  	v2 =	vadd.f32 v1, v2;
	_ =	sdelay $0x1  }
0x68: {  	v1 =	vld [tilespmem:s23+$0x7170];
	[tilespmem:s23+$0x7160] =	vst v2  }
0x69: {  	v2 =	vld [tilespmem:s25+$0x170]  }
0x6a: {  	s24 =	simm.s32 $0x200;
	v3 =	vld [tilespmem:s25+$0x3970]  }
.LBB2_5:
0x6b: {  	_ = 	snop  }
0x6c: {  	p0 =	sne.s32 s24, $0xDE00  }
0x6d: {  	s22 =	sadd.s32 $0x1, s22;
	s25 =	smov.u32 s24;
	s24 =	sadd.s32 $0x200, s24  }
0x6e: {  	_ = 	snop  }
0x6f: {  	v2 =	vadd.f32 v3, v2;
	_ =	sdelay $0x1  }
0x70: {  	v2 =	vmax.f32 v2, $0.0e+00  }
0x71: {  	v1 =	vadd.f32 v2, v1;
	_ =	sdelay $0x1  }
0x72: {  	[tilespmem:s23+$0x7170] =	vst v1  }
0x73: {  	v1 =	vld [tilespmem:s22+$0x0];
	_ =	sdelay $0x4  }
0x74: {  	(v2sf) =	vpush v1, $0x0;
	_ =	sdelay $0xc  }
0x75: {  	s25 =	sshra.s32 s25, $0x2  }
0x76: {  	v1 =	vld [tilespmem:s25+$0x3900]  }
0x77: {  	v2 =	vld [tilespmem:s25+$0x100];
	s23 =	spop (v2sf)  }
0x78: {  	s23 =	sshll.u32 s23, $0x9  }
0x79: {  	s23 =	sshra.s32 s23, $0x2  }
0x7a: {  	v3 =	vld [tilespmem:s23+$0x7100];
	_ =	sdelay $0x1  }
0x7b: {  	v1 =	vadd.f32 v1, v2;
	_ =	sdelay $0x1  }
0x7c: {  	v1 =	vmax.f32 v1, $0.0e+00  }
0x7d: {  	v1 =	vadd.f32 v1, v3;
	_ =	sdelay $0x1  }
0x7e: {  	[tilespmem:s23+$0x7100] =	vst v1  }
0x7f: {  	v1 =	vld [tilespmem:s25+$0x110]  }
0x80: {  	v2 =	vld [tilespmem:s25+$0x3910];
	_ =	sdelay $0x1  }
0x81: {  	v3 =	vld [tilespmem:s23+$0x7110];
	_ =	sdelay $0x2  }
0x82: {  	v1 =	vadd.f32 v2, v1;
	_ =	sdelay $0x1  }
0x83: {  	v1 =	vmax.f32 v1, $0.0e+00  }
0x84: {  	v1 =	vadd.f32 v1, v3;
	_ =	sdelay $0x1  }
0x85: {  	[tilespmem:s23+$0x7110] =	vst v1  }
0x86: {  	v1 =	vld [tilespmem:s25+$0x120]  }
0x87: {  	v2 =	vld [tilespmem:s25+$0x3920]  }
0x88: {  	v3 =	vld [tilespmem:s23+$0x7120];
	_ =	sdelay $0x3  }
0x89: {  	v1 =	vadd.f32 v2, v1;
	_ =	sdelay $0x1  }
0x8a: {  	v1 =	vmax.f32 v1, $0.0e+00  }
0x8b: {  	v1 =	vadd.f32 v1, v3;
	_ =	sdelay $0x1  }
0x8c: {  	[tilespmem:s23+$0x7120] =	vst v1;
	v1 =	vld [tilespmem:s23+$0x7130]  }
0x8d: {  	v2 =	vld [tilespmem:s25+$0x130]  }
0x8e: {  	v3 =	vld [tilespmem:s25+$0x3930];
	_ =	sdelay $0x4  }
0x8f: {  	v2 =	vadd.f32 v3, v2;
	_ =	sdelay $0x1  }
0x90: {  	v2 =	vmax.f32 v2, $0.0e+00  }
0x91: {  	v1 =	vadd.f32 v2, v1;
	_ =	sdelay $0x1  }
0x92: {  	[tilespmem:s23+$0x7130] =	vst v1;
	v1 =	vld [tilespmem:s23+$0x7140]  }
0x93: {  	v2 =	vld [tilespmem:s25+$0x140]  }
0x94: {  	v3 =	vld [tilespmem:s25+$0x3940];
	_ =	sdelay $0x4  }
0x95: {  	v2 =	vadd.f32 v3, v2;
	_ =	sdelay $0x1  }
0x96: {  	v2 =	vmax.f32 v2, $0.0e+00  }
0x97: {  	v1 =	vadd.f32 v2, v1;
	_ =	sdelay $0x1  }
0x98: {  	[tilespmem:s23+$0x7140] =	vst v1;
	v1 =	vld [tilespmem:s23+$0x7150]  }
0x99: {  	v2 =	vld [tilespmem:s25+$0x150]  }
0x9a: {  	v3 =	vld [tilespmem:s25+$0x3950];
	_ =	sdelay $0x4  }
0x9b: {  	v2 =	vadd.f32 v3, v2;
	_ =	sdelay $0x1  }
0x9c: {  	v2 =	vmax.f32 v2, $0.0e+00  }
0x9d: {  	v1 =	vadd.f32 v2, v1  }
0x9e: {  	v2 =	vld [tilespmem:s23+$0x7160]  }
0x9f: {  	[tilespmem:s23+$0x7150] =	vst v1  }
0xa0: {  	v1 =	vld [tilespmem:s25+$0x160]  }
0xa1: {  	v3 =	vld [tilespmem:s25+$0x3960];
	_ =	sdelay $0x4  }
0xa2: {  	v1 =	vadd.f32 v3, v1;
	_ =	sdelay $0x1  }
0xa3: {  	v1 =	vmax.f32 v1, $0.0e+00  }
.Ltmp1:
0xa4: {  	v2 =	vadd.f32 v1, v2;
	v1 =	vld [tilespmem:s23+$0x7170];
	(pc) =	sbr.rel @p0 .LBB2_5-.Ltmp1, $4  }
0xa5: {  	_ = 	snop  }
0xa6: {  	[tilespmem:s23+$0x7160] =	vst v2  }
0xa7: {  	v2 =	vld [tilespmem:s25+$0x170]  }
0xa8: {  	v3 =	vld [tilespmem:s25+$0x3970]  }
0xa9: {  	_ =	sdelay $0x2  }
0xaa: {  	s21 =	sadd.s32 $0x1, s21  }
0xab: {  	p0 =	sne.s32 s21, $0x70;
	v2 =	vadd.f32 v3, v2  }
.Ltmp2:
0xac: {  	_ = 	snop;
	(pc) =	sbr.rel @p0 .LBB2_4-.Ltmp2, $3  }
0xad: {  	v2 =	vmax.f32 v2, $0.0e+00  }
0xae: {  	v1 =	vadd.f32 v2, v1;
	_ =	sdelay $0x1  }
0xaf: {  	[tilespmem:s23+$0x7170] =	vst v1  }
0xb0: {  	s19 =	sadd.s32 $0x1, s19  }
0xb1: {  	p0 =	sne.s32 s19, s9  }
.Ltmp3:
0xb2: {  	_ = 	snop;
	(pc) =	sbr.rel @p0 .LBB2_1-.Ltmp3, $4  }
0xb3: {  	[hbm4b:s8+s2] =	stream.linear.scatter [tilespmem:s17], [sflag:$0x5], $0x18800, $0x38;
	[tilespmem:$0x1F900] =	vst v63  }
0xb4: {  	_ =	swait.ge [sflag:s18], $0x18800  }
0xb5: {  	[sflag:s18] =	ssyncset.done $0x0  }
0xb6: {  	[sflag:s18] =	ssyncadd.s32 $0xFFFE7800  }
0xb7: {  	_ =	sfence.sel $0x180000  }
0xb8: {  	[bflag:$0x0] =	sbarrier.arrive $0xFFFF  }
0xb9: {  	p0 =	sne.s32 s1, $0x0;
	_ =	strace $0x9000004D  }
0xba: {  	s0 =	sadd.s32 @!p0 $0x100000, s0;
	[bflag:$0x2] =	sbarrier.arrive $0xFFFF  }
0xbb: {  	[sflag:s0] =	ssyncadd.tile.s32 @!p0 $0x1;
	_ =	shalt  }
.Lfunc_end2:
_tile_overlayer_lowered:
.L_overlay_start_2:
0xbc: {  	(tag) =	ssettag $0x2  }
0xbd: {  	s0 =	rddreg [dreg:$0x0];
	s2 =	stileid.u32  }
0xbe: {  	s1 =	rddreg [dreg:$0x1];
	p0 =	sne.s32 s2, $0x0  }
0xbf: {  	s3 =	rddreg [dreg:$0x2];
	[bflag:$0x3] =	sbarrier.arrive $0xFFFF;
	s2 =	simm.s32 @!p0 $0x1C05  }
0xc0: {  	[timem:s3], [sflag:s2] =	dma.local @!p0 [hbm:s0], s1  }
0xc1: {  	s0 =	simm.s32 @!p0 $0x5  }
0xc2: {  	_ =	swait.ge @!p0 [sflag:s0], s1  }
0xc3: {  	s1 =	ssub.s32 @!p0 $0x0, s1;
	[sflag:s0] =	ssyncset.done @!p0 $0x0  }
0xc4: {  	[sflag:s0] =	ssyncadd.s32 @!p0 s1  }
0xc5: {  	[bflag:$0x3] =	sbarrier.arrive $0xFFFF  }
0xc6: {  	_ =	shalt  }

</sc_bundles>
